<compile_context>
chip_gen: v7x
topology: tpu7x:2x2x1
jax: 0.10.2.dev20260603
libtpu: 0.0.44.dev20260713+nightly
codegen_flags: <defaults>
</compile_context>

<pallas_src>
import functools

import jax
import jax.numpy as jnp
from jax import lax
from jax.experimental import pallas as pl
from jax.experimental.pallas import tpu as pltpu
from jax.experimental.pallas import tpu_sc as plsc

N = 10000
E = 320000
D = 128
H = 128
C = 10
G = 8

NC = 2
NS = 16
NW = NC * NS
LANES = 16

B = 112
T_CH = -(-E // (NW * B))
E_PT = T_CH * B
E_PAD = NW * E_PT
NROWS = 10112
RPT = NROWS // NS
NP = N + 8

ROW_BLK = 2000
N_BLKS = N // ROW_BLK



def _t1_body(x_ref, wa_ref, wb_ref, b1_ref, p_ref, q_ref):
    xb = x_ref[...]
    p_ref[...] = jnp.dot(xb, wa_ref[...], preferred_element_type=jnp.float32) + b1_ref[...]
    q_ref[...] = jnp.dot(xb, wb_ref[...], preferred_element_type=jnp.float32)


def _t2_body(x_ref, s0_ref, s1_ref, mw2_ref, uwa_ref, uwb_ref, ub_ref,
             wa2_ref, wb2_ref, b12_ref, x1_ref, p2_ref, q2_ref):
    s = (s0_ref[...] + s1_ref[...]).reshape(ROW_BLK, H)
    aggr = jnp.dot(s, mw2_ref[...], preferred_element_type=jnp.float32)
    xb = x_ref[...]
    x1 = jnp.dot(xb, uwa_ref[...], preferred_element_type=jnp.float32)
    x1 = x1 + jnp.dot(aggr, uwb_ref[...], preferred_element_type=jnp.float32)
    x1 = jnp.maximum(x1 + ub_ref[...], 0.0)
    x1_ref[...] = x1
    p2_ref[...] = jnp.dot(x1, wa2_ref[...], preferred_element_type=jnp.float32) + b12_ref[...]
    q2_ref[...] = jnp.dot(x1, wb2_ref[...], preferred_element_type=jnp.float32)


def _t3_body(x1_ref, s0_ref, s1_ref, batch_ref, mw2_ref, uwa_ref, uwb_ref,
             ub_ref, rw1_ref, rb1_ref, rw2_ref, rb2_ref, out_ref, acc_ref):
    i = pl.program_id(0)
    s = (s0_ref[...] + s1_ref[...]).reshape(ROW_BLK, H)
    aggr = jnp.dot(s, mw2_ref[...], preferred_element_type=jnp.float32)
    x2 = jnp.dot(x1_ref[...], uwa_ref[...], preferred_element_type=jnp.float32)
    x2 = x2 + jnp.dot(aggr, uwb_ref[...], preferred_element_type=jnp.float32)
    x2 = jnp.maximum(x2 + ub_ref[...], 0.0)
    b2 = batch_ref[...].reshape(1, ROW_BLK)
    gids = lax.broadcasted_iota(jnp.int32, (G, 1), 0)
    mask = (b2 == gids).astype(jnp.float32)
    gpart = jnp.dot(mask, x2, preferred_element_type=jnp.float32)

    @pl.when(i == 0)
    def _():
        acc_ref[...] = gpart

    @pl.when(i > 0)
    def _():
        acc_ref[...] = acc_ref[...] + gpart

    @pl.when(i == N_BLKS - 1)
    def _():
        g = acc_ref[...]
        hh = jnp.maximum(jnp.dot(g, rw1_ref[...], preferred_element_type=jnp.float32)
                         + rb1_ref[...], 0.0)
        out_ref[...] = jnp.dot(hh, rw2_ref[...], preferred_element_type=jnp.float32) + rb2_ref[...]


def _row_spec(blk):
    return pl.BlockSpec((blk, D), lambda i: (i, 0))


def _full_spec(shape):
    nd = len(shape)
    return pl.BlockSpec(shape, lambda i: (0,) * nd)


def _t1(x, wa, wb, b1):
    return pl.pallas_call(
        _t1_body,
        grid=(N_BLKS,),
        in_specs=[_row_spec(ROW_BLK), _full_spec((D, D)), _full_spec((D, D)),
                  _full_spec((1, D))],
        out_specs=[_row_spec(ROW_BLK), _row_spec(ROW_BLK)],
        out_shape=[jax.ShapeDtypeStruct((NP, D), jnp.float32)] * 2,
    )(x, wa, wb, b1)


def _t2(x, s_part, mw2, uwa, uwb, ub, wa2, wb2, b12):
    s_spec = pl.BlockSpec((1, ROW_BLK, H), lambda i: (0, i, 0))
    return pl.pallas_call(
        _t2_body,
        grid=(N_BLKS,),
        in_specs=[_row_spec(ROW_BLK), s_spec, s_spec, _full_spec((H, H)),
                  _full_spec((D, H)), _full_spec((H, H)), _full_spec((1, H)),
                  _full_spec((H, D)), _full_spec((H, D)), _full_spec((1, D))],
        out_specs=[_row_spec(ROW_BLK)] * 3,
        out_shape=[jax.ShapeDtypeStruct((N, H), jnp.float32),
                   jax.ShapeDtypeStruct((NP, H), jnp.float32),
                   jax.ShapeDtypeStruct((NP, H), jnp.float32)],
    )(x, s_part[0:1], s_part[1:2], mw2, uwa, uwb, ub, wa2, wb2, b12)


def _t3(x1, s_part, batch_r, mw2, uwa, uwb, ub, rw1, rb1, rw2, rb2):
    s_spec = pl.BlockSpec((1, ROW_BLK, H), lambda i: (0, i, 0))
    return pl.pallas_call(
        _t3_body,
        grid=(N_BLKS,),
        in_specs=[_row_spec(ROW_BLK), s_spec, s_spec,
                  pl.BlockSpec((1, 1, ROW_BLK), lambda i: (i, 0, 0)),
                  _full_spec((H, H)), _full_spec((H, H)), _full_spec((H, H)),
                  _full_spec((1, H)), _full_spec((H, 128)), _full_spec((1, 128)),
                  _full_spec((128, C)), _full_spec((1, C))],
        out_specs=pl.BlockSpec((G, C), lambda i: (0, 0)),
        out_shape=jax.ShapeDtypeStruct((G, C), jnp.float32),
        scratch_shapes=[pltpu.VMEM((G, H), jnp.float32)],
    )(x1, s_part[0:1], s_part[1:2], batch_r, mw2, uwa, uwb, ub, rw1, rb1, rw2, rb2)



NBUF = 3
SEG = 5
NSEG = T_CH // SEG


def _sc_edge_body(p_hbm, q_hbm, idx_hbm, attr_hbm, w_hbm, zeros_hbm,
                  out_hbm, idxc, attrc, rows, wv, s_acc,
                  semi, semp, semq, sems):
    c = lax.axis_index("c")
    s = lax.axis_index("s")
    wid = c * NS + s
    base = s * RPT
    pltpu.sync_copy(zeros_hbm.at[pl.ds(base, RPT)], s_acc.at[pl.ds(base, RPT)])
    pltpu.sync_copy(w_hbm, wv)
    plsc.subcore_barrier()

    wregs = [wv[pl.ds(LANES * r, LANES)] for r in range(H // LANES)]

    def issue_seg(sg):
        b = lax.rem(sg, 2)
        pltpu.async_copy(idx_hbm.at[wid, sg], idxc.at[b], semi)
        pltpu.async_copy(attr_hbm.at[wid, sg], attrc.at[b], semi)

    def wait_seg(sg):
        b = lax.rem(sg, 2)
        pltpu.make_async_copy(idx_hbm.at[wid, sg], idxc.at[b], semi).wait()
        pltpu.make_async_copy(attr_hbm.at[wid, sg], attrc.at[b], semi).wait()

    def dst_ref(k):
        return idxc.at[lax.rem(lax.div(k, SEG), 2), lax.rem(k, SEG), 0]

    def src_ref(k):
        return idxc.at[lax.rem(lax.div(k, SEG), 2), lax.rem(k, SEG), 1]

    def rowslice(k):
        return rows.at[pl.ds(lax.rem(k, NBUF) * B, B)]

    def issue_p(k):
        pltpu.async_copy(p_hbm.at[dst_ref(k)], rowslice(k), semp)

    def wait_p(k):
        pltpu.make_async_copy(p_hbm.at[dst_ref(k)], rowslice(k), semp).wait()

    def issue_q(k):
        pltpu.async_copy(q_hbm.at[src_ref(k)], rowslice(k), semq, add=True)

    def wait_q(k):
        pltpu.make_async_copy(q_hbm.at[src_ref(k)], rowslice(k), semq).wait()

    def issue_sc(k):
        pltpu.async_copy(rowslice(k), s_acc.at[dst_ref(k)], sems, add=True)

    def wait_sc(k):
        pltpu.make_async_copy(rowslice(k), s_acc.at[dst_ref(k)], sems).wait()

    issue_seg(0)
    wait_seg(0)
    issue_seg(1)
    issue_p(0)
    wait_p(0)
    issue_q(0)
    issue_p(1)

    def chunk_body(i, carry):
        ebase = lax.rem(i, NBUF) * B
        sslot = lax.rem(lax.div(i, SEG), 2)
        spos = lax.rem(i, SEG)
        wait_q(i)

        @pl.when(i + 1 < T_CH)
        def _():
            wait_p(i + 1)
            issue_q(i + 1)

        @pl.when(i > 0)
        def _():
            wait_sc(i - 1)

        @pl.when(jnp.logical_and(spos == 0,
                                 jnp.logical_and(i > 0,
                                                 lax.div(i, SEG) + 1 < NSEG)))
        def _():
            issue_seg(lax.div(i, SEG) + 1)

        @pl.when(jnp.logical_and(lax.rem(i + 2, SEG) == 0, i + 2 < T_CH))
        def _():
            wait_seg(lax.div(i + 2, SEG))

        @pl.when(i + 2 < T_CH)
        def _():
            issue_p(i + 2)

        def group_body(g, carry2):
            av = attrc[sslot, spos, pl.ds(g * LANES, LANES)]
            for j in range(LANES):
                ab = jnp.full((LANES,), av[j], jnp.float32)
                e = ebase + g * LANES + j
                for r in range(H // LANES):
                    hv = rows[e, pl.ds(LANES * r, LANES)]
                    rows[e, pl.ds(LANES * r, LANES)] = jnp.maximum(
                        hv + ab * wregs[r], 0.0)
            return carry2

        lax.fori_loop(0, B // LANES, group_body, 0)
        issue_sc(i)
        return carry

    lax.fori_loop(0, T_CH, chunk_body, 0)
    wait_sc(T_CH - 1)
    plsc.subcore_barrier()
    pltpu.sync_copy(s_acc.at[pl.ds(base, RPT)], out_hbm.at[c, pl.ds(base, RPT)])


@jax.jit
def _sc_edge(p_pad, q_pad, idx3, attr3, wvec, zeros_rows):
    mesh = plsc.VectorSubcoreMesh(core_axis_name="c", subcore_axis_name="s")
    f = pl.kernel(
        _sc_edge_body,
        out_type=jax.ShapeDtypeStruct((NC, NROWS, H), jnp.float32),
        mesh=mesh,
        scratch_types=[
            pltpu.VMEM((2, SEG, 2, B), jnp.int32),
            pltpu.VMEM((2, SEG, B), jnp.float32),
            pltpu.VMEM((NBUF * B, H), jnp.float32),
            pltpu.VMEM((H,), jnp.float32),
            pltpu.VMEM_SHARED((NROWS, H), jnp.float32),
            pltpu.SemaphoreType.DMA,
            pltpu.SemaphoreType.DMA,
            pltpu.SemaphoreType.DMA,
            pltpu.SemaphoreType.DMA,
        ],
    )
    return f(p_pad, q_pad, idx3, attr3, wvec, zeros_rows)



def kernel(x, edge_index, edge_attr, batch, m1W1, m1b1, m1W2, m1b2, u1W, u1b,
           m2W1, m2b1, m2W2, m2b2, u2W, u2b, rW1, rb1, rW2, rb2):
    f32 = jnp.float32
    src = edge_index[0]
    dst = edge_index[1]
    pad = E_PAD - E
    dst_p = jnp.concatenate([dst, jnp.full((pad,), N, jnp.int32)]).reshape(NW, T_CH, B)
    src_p = jnp.concatenate([src, jnp.full((pad,), N, jnp.int32)]).reshape(NW, T_CH, B)
    attr_p = jnp.concatenate([edge_attr[:, 0],
                              jnp.zeros((pad,), f32)]).reshape(NW, NSEG, SEG, B)
    idx3 = jnp.stack([dst_p, src_p], axis=2).reshape(NW, NSEG, SEG, 2, B)
    zeros_rows = jnp.zeros((NROWS, H), f32)
    batch_r = batch.reshape(N_BLKS, 1, ROW_BLK)

    p1, q1 = _t1(x, m1W1[:D], m1W1[D:2 * D], m1b1.reshape(1, -1))
    s1 = _sc_edge(p1, q1, idx3, attr_p, m1W1[2 * D], zeros_rows)
    x1, p2, q2 = _t2(x, s1, m1W2, u1W[:D], u1W[D:], u1b.reshape(1, -1),
                     m2W1[:H], m2W1[H:2 * H], m2b1.reshape(1, -1))
    s2 = _sc_edge(p2, q2, idx3, attr_p, m2W1[2 * H], zeros_rows)
    out = _t3(x1, s2, batch_r, m2W2, u2W[:H], u2W[H:], u2b.reshape(1, -1),
              rW1, rb1.reshape(1, -1), rW2, rb2.reshape(1, -1))
    return out

# --- scband reference (transcript-rebuilt; emitter-appended) ---
"""Pipeline reference for scband-mpnn-32452772888838 (READ-ONLY COPY).

The authoritative reference and input builder live on the scoring server;
editing this copy changes nothing except your own understanding.
"""

import jax, jax.numpy as jnp
import numpy as np

N = 10000
E = 320000
D = 128
H = 128
C = 10
G = 8

def _init(key, shape, fan_in):
    return jax.random.normal(key, shape, dtype=jnp.float32) * (1.0 / np.sqrt(fan_in))

def setup_inputs(seed: int = 0):
    key = jax.random.key(seed)
    ks = jax.random.split(key, 16)
    inp = {}
    inp["x"] = jax.random.normal(ks[0], (N, D), dtype=jnp.float32)
    inp["edge_index"] = jax.random.randint(ks[1], (2, E), 0, N, dtype=jnp.int32)
    inp["edge_attr"] = jax.random.normal(ks[2], (E, 1), dtype=jnp.float32)
    inp["batch"] = jnp.sort(jax.random.randint(ks[3], (N,), 0, G, dtype=jnp.int32))
    inp["m1W1"] = _init(ks[4], (2 * D + 1, 128), 2 * D + 1)
    inp["m1b1"] = jnp.zeros((128,), dtype=jnp.float32)
    inp["m1W2"] = _init(ks[5], (128, H), 128)
    inp["m1b2"] = jnp.zeros((H,), dtype=jnp.float32)
    inp["u1W"] = _init(ks[6], (H + D, H), H + D)
    inp["u1b"] = jnp.zeros((H,), dtype=jnp.float32)
    inp["m2W1"] = _init(ks[7], (2 * H + 1, 128), 2 * H + 1)
    inp["m2b1"] = jnp.zeros((128,), dtype=jnp.float32)
    inp["m2W2"] = _init(ks[8], (128, H), 128)
    inp["m2b2"] = jnp.zeros((H,), dtype=jnp.float32)
    inp["u2W"] = _init(ks[9], (H + H, H), H + H)
    inp["u2b"] = jnp.zeros((H,), dtype=jnp.float32)
    inp["rW1"] = _init(ks[10], (H, 128), H)
    inp["rb1"] = jnp.zeros((128,), dtype=jnp.float32)
    inp["rW2"] = _init(ks[11], (128, C), 128)
    inp["rb2"] = jnp.zeros((C,), dtype=jnp.float32)
    return inp

def _layer(x, edge_index, edge_attr, mW1, mb1, mW2, mb2, uW, ub):
    src = edge_index[0]
    dst = edge_index[1]
    x_i = x[dst]
    x_j = x[src]
    msg_in = jnp.concatenate([x_i, x_j, edge_attr], axis=-1)
    h = jax.nn.relu(msg_in @ mW1 + mb1)
    msg = h @ mW2 + mb2
    aggr = jax.ops.segment_sum(msg, dst, num_segments=x.shape[0])
    upd_in = jnp.concatenate([x, aggr], axis=-1)
    return jax.nn.relu(upd_in @ uW + ub)

def reference(x, edge_index, edge_attr, batch, m1W1, m1b1, m1W2, m1b2, u1W, u1b, m2W1, m2b1, m2W2, m2b2, u2W, u2b, rW1, rb1, rW2, rb2):
    x = _layer(x, edge_index, edge_attr, m1W1, m1b1, m1W2, m1b2, u1W, u1b)
    x = _layer(x, edge_index, edge_attr, m2W1, m2b1, m2W2, m2b2, u2W, u2b)
    g = jax.ops.segment_sum(x, batch, num_segments=G)
    h = jax.nn.relu(g @ rW1 + rb1)
    return h @ rW2 + rb2

if __name__ == "__main__":
    import jax
    _d = setup_inputs()
    print(jax.jit(kernel)(*tuple(_d.values())))

</pallas_src>

<mosaic_0001>
#map = affine_map<(d0, d1) -> (0, 0)>
#map1 = affine_map<(d0, d1) -> (0, 0, 0, 0, 0)>
#map2 = affine_map<(d0, d1) -> (0, 0, 0, 0)>
#map3 = affine_map<(d0, d1) -> (0)>
#map4 = affine_map<(d0, d1) -> (0, 0, 0)>
module attributes {stable_mosaic.version = 14 : i64} {
  func.func @_sc_edge_body(%arg0: i32, %arg1: i32, %arg2: memref<10008x128xf32, #tpu.memory_space<hbm>>, %arg3: memref<10008x128xf32, #tpu.memory_space<hbm>>, %arg4: memref<32x18x5x2x112xi32, #tpu.memory_space<hbm>>, %arg5: memref<32x18x5x112xf32, #tpu.memory_space<hbm>>, %arg6: memref<128xf32, #tpu.memory_space<hbm>>, %arg7: memref<10112x128xf32, #tpu.memory_space<hbm>>, %arg8: memref<2x10112x128xf32, #tpu.memory_space<hbm>>, %arg9: memref<2x5x2x112xi32, #tpu.memory_space<vmem>>, %arg10: memref<2x5x112xf32, #tpu.memory_space<vmem>>, %arg11: memref<336x128xf32, #tpu.memory_space<vmem>>, %arg12: memref<128xf32, #tpu.memory_space<vmem>>, %arg13: memref<10112x128xf32, #tpu.memory_space<vmem_shared>>, %arg14: memref<!tpu.dma_semaphore, #tpu.memory_space<semaphore_mem>>, %arg15: memref<!tpu.dma_semaphore, #tpu.memory_space<semaphore_mem>>, %arg16: memref<!tpu.dma_semaphore, #tpu.memory_space<semaphore_mem>>, %arg17: memref<!tpu.dma_semaphore, #tpu.memory_space<semaphore_mem>>) attributes {dimension_semantics = [#tpu.dimension_semantics<core_parallel>, #tpu.dimension_semantics<subcore_parallel>], iteration_bounds = array<i64: 2, 16>, scalar_prefetch = 0 : i64, scratch_operands = 9 : i64, tpu.core_type = #tpu.core_type<sc_vector_subcore>, window_params = [{transform_indices = #map}, {transform_indices = #map}, {transform_indices = #map1}, {transform_indices = #map2}, {transform_indices = #map3}, {transform_indices = #map}, {transform_indices = #map4}]} {
    %mul3A = arith.constant 16 : i32
    %mul3A_0 = arith.muli %arg0, %mul3A : i32
    %add3A = arith.addi %mul3A_0, %arg1 : i32
    %mul3A_1 = arith.constant 632 : i32
    %mul3A_2 = arith.muli %arg1, %mul3A_1 : i32
    "tpu.region"() ({
      %run_scoped3A = tpu.sem_alloc : memref<!tpu.dma_semaphore, #tpu.memory_space<semaphore_mem>>
      %dma_start3A_261 = arith.constant 0 : i32
      %dma_start3A_262 = tpu.memref_slice %arg13[%mul3A_2, %dma_start3A_261] : memref<10112x128xf32, #tpu.memory_space<vmem_shared>> -> memref<632x128xf32, #tpu.memory_space<vmem_shared>>
      %dma_start3A_263 = arith.constant 0 : i32
      %dma_start3A_264 = tpu.memref_slice %arg7[%mul3A_2, %dma_start3A_263] : memref<10112x128xf32, #tpu.memory_space<hbm>> -> memref<632x128xf32, #tpu.memory_space<hbm>>
      tpu.enqueue_dma source(%dma_start3A_264 : memref<632x128xf32, #tpu.memory_space<hbm>>) target(%dma_start3A_262 : memref<632x128xf32, #tpu.memory_space<vmem_shared>>) target_semaphore(%run_scoped3A : memref<!tpu.dma_semaphore, #tpu.memory_space<semaphore_mem>>)
      %dma_wait3A_265 = arith.constant 0 : i32
      %dma_wait3A_266 = tpu.memref_slice %arg13[%mul3A_2, %dma_wait3A_265] : memref<10112x128xf32, #tpu.memory_space<vmem_shared>> -> memref<632x128xf32, #tpu.memory_space<vmem_shared>>
      %dma_wait3A_267 = arith.constant 0 : i32
      %dma_wait3A_268 = tpu.memref_slice %arg7[%mul3A_2, %dma_wait3A_267] : memref<10112x128xf32, #tpu.memory_space<hbm>> -> memref<632x128xf32, #tpu.memory_space<hbm>>
      tpu.wait_dma2 semaphore(%run_scoped3A : memref<!tpu.dma_semaphore, #tpu.memory_space<semaphore_mem>>) src(%dma_wait3A_268 : memref<632x128xf32, #tpu.memory_space<hbm>>) dst(%dma_wait3A_266 : memref<632x128xf32, #tpu.memory_space<vmem_shared>>)
      tpu.yield
    }) : () -> ()
    "tpu.region"() ({
      %run_scoped3A = tpu.sem_alloc : memref<!tpu.dma_semaphore, #tpu.memory_space<semaphore_mem>>
      tpu.enqueue_dma source(%arg6 : memref<128xf32, #tpu.memory_space<hbm>>) target(%arg12 : memref<128xf32, #tpu.memory_space<vmem>>) target_semaphore(%run_scoped3A : memref<!tpu.dma_semaphore, #tpu.memory_space<semaphore_mem>>)
      tpu.wait_dma2 semaphore(%run_scoped3A : memref<!tpu.dma_semaphore, #tpu.memory_space<semaphore_mem>>) src(%arg6 : memref<128xf32, #tpu.memory_space<hbm>>) dst(%arg12 : memref<128xf32, #tpu.memory_space<vmem>>)
      tpu.yield
    }) : () -> ()
    %barrier3A = arith.constant 0 : index
    tpu.barrier barrier_id(%barrier3A)
    %get3A = arith.constant 0 : index
    %get3A_3 = tpu.vector_load %arg12[%get3A] {strides = array<i32>} : memref<128xf32, #tpu.memory_space<vmem>>, vector<16xf32>,
    %get3A_4 = vector.shape_cast %get3A_3 : vector<16xf32> to vector<16xf32>
    %get3A_5 = arith.constant 16 : index
    %get3A_6 = tpu.vector_load %arg12[%get3A_5] {strides = array<i32>} : memref<128xf32, #tpu.memory_space<vmem>>, vector<16xf32>,
    %get3A_7 = vector.shape_cast %get3A_6 : vector<16xf32> to vector<16xf32>
    %get3A_8 = arith.constant 32 : index
    %get3A_9 = tpu.vector_load %arg12[%get3A_8] {strides = array<i32>} : memref<128xf32, #tpu.memory_space<vmem>>, vector<16xf32>,
    %get3A_10 = vector.shape_cast %get3A_9 : vector<16xf32> to vector<16xf32>
    %get3A_11 = arith.constant 48 : index
    %get3A_12 = tpu.vector_load %arg12[%get3A_11] {strides = array<i32>} : memref<128xf32, #tpu.memory_space<vmem>>, vector<16xf32>,
    %get3A_13 = vector.shape_cast %get3A_12 : vector<16xf32> to vector<16xf32>
    %get3A_14 = arith.constant 64 : index
    %get3A_15 = tpu.vector_load %arg12[%get3A_14] {strides = array<i32>} : memref<128xf32, #tpu.memory_space<vmem>>, vector<16xf32>,
    %get3A_16 = vector.shape_cast %get3A_15 : vector<16xf32> to vector<16xf32>
    %get3A_17 = arith.constant 80 : index
    %get3A_18 = tpu.vector_load %arg12[%get3A_17] {strides = array<i32>} : memref<128xf32, #tpu.memory_space<vmem>>, vector<16xf32>,
    %get3A_19 = vector.shape_cast %get3A_18 : vector<16xf32> to vector<16xf32>
    %get3A_20 = arith.constant 96 : index
    %get3A_21 = tpu.vector_load %arg12[%get3A_20] {strides = array<i32>} : memref<128xf32, #tpu.memory_space<vmem>>, vector<16xf32>,
    %get3A_22 = vector.shape_cast %get3A_21 : vector<16xf32> to vector<16xf32>
    %get3A_23 = arith.constant 112 : index
    %get3A_24 = tpu.vector_load %arg12[%get3A_23] {strides = array<i32>} : memref<128xf32, #tpu.memory_space<vmem>>, vector<16xf32>,
    %get3A_25 = vector.shape_cast %get3A_24 : vector<16xf32> to vector<16xf32>
    %rem3A = arith.constant 0 : i32
    %rem3A_26 = arith.constant 2 : i32
    %rem3A_27 = arith.remsi %rem3A, %rem3A_26 : i32
    %dma_start3A = arith.constant 0 : i32
    %dma_start3A_28 = arith.constant 0 : i32
    %dma_start3A_29 = arith.constant 0 : i32
    %dma_start3A_30 = arith.constant 0 : i32
    %dma_start3A_31 = tpu.memref_slice %arg9[%rem3A_27, %dma_start3A_28, %dma_start3A_29, %dma_start3A_30] : memref<2x5x2x112xi32, #tpu.memory_space<vmem>> -> memref<1x5x2x112xi32, #tpu.memory_space<vmem>>
    %dma_start3A_32 = tpu.memref_squeeze %dma_start3A_31 : memref<1x5x2x112xi32, #tpu.memory_space<vmem>> -> memref<5x2x112xi32, #tpu.memory_space<vmem>>
    %dma_start3A_33 = arith.constant 0 : i32
    %dma_start3A_34 = arith.constant 0 : i32
    %dma_start3A_35 = arith.constant 0 : i32
    %dma_start3A_36 = tpu.memref_slice %arg4[%add3A, %dma_start3A, %dma_start3A_33, %dma_start3A_34, %dma_start3A_35] : memref<32x18x5x2x112xi32, #tpu.memory_space<hbm>> -> memref<1x1x5x2x112xi32, #tpu.memory_space<hbm>>
    %dma_start3A_37 = tpu.memref_squeeze %dma_start3A_36 : memref<1x1x5x2x112xi32, #tpu.memory_space<hbm>> -> memref<5x2x112xi32, #tpu.memory_space<hbm>>
    %dma_start3A_38 = arith.constant 0 : i32
    %dma_start3A_39 = arith.constant 0 : i32
    %dma_start3A_40 = arith.constant 0 : i32
    %dma_start3A_41 = tpu.memref_slice %arg9[%rem3A_27, %dma_start3A_38, %dma_start3A_39, %dma_start3A_40] : memref<2x5x2x112xi32, #tpu.memory_space<vmem>> -> memref<1x5x2x112xi32, #tpu.memory_space<vmem>>
    %dma_start3A_42 = tpu.memref_squeeze %dma_start3A_41 : memref<1x5x2x112xi32, #tpu.memory_space<vmem>> -> memref<5x2x112xi32, #tpu.memory_space<vmem>>
    %dma_start3A_43 = arith.constant 0 : i32
    %dma_start3A_44 = arith.constant 0 : i32
    %dma_start3A_45 = arith.constant 0 : i32
    %dma_start3A_46 = tpu.memref_slice %arg4[%add3A, %dma_start3A, %dma_start3A_43, %dma_start3A_44, %dma_start3A_45] : memref<32x18x5x2x112xi32, #tpu.memory_space<hbm>> -> memref<1x1x5x2x112xi32, #tpu.memory_space<hbm>>
    %dma_start3A_47 = tpu.memref_squeeze %dma_start3A_46 : memref<1x1x5x2x112xi32, #tpu.memory_space<hbm>> -> memref<5x2x112xi32, #tpu.memory_space<hbm>>
    tpu.enqueue_dma source(%dma_start3A_47 : memref<5x2x112xi32, #tpu.memory_space<hbm>>) target(%dma_start3A_42 : memref<5x2x112xi32, #tpu.memory_space<vmem>>) target_semaphore(%arg14 : memref<!tpu.dma_semaphore, #tpu.memory_space<semaphore_mem>>)
    %dma_start3A_48 = arith.constant 0 : i32
    %dma_start3A_49 = arith.constant 0 : i32
    %dma_start3A_50 = arith.constant 0 : i32
    %dma_start3A_51 = tpu.memref_slice %arg10[%rem3A_27, %dma_start3A_49, %dma_start3A_50] : memref<2x5x112xf32, #tpu.memory_space<vmem>> -> memref<1x5x112xf32, #tpu.memory_space<vmem>>
    %dma_start3A_52 = tpu.memref_squeeze %dma_start3A_51 : memref<1x5x112xf32, #tpu.memory_space<vmem>> -> memref<5x112xf32, #tpu.memory_space<vmem>>
    %dma_start3A_53 = arith.constant 0 : i32
    %dma_start3A_54 = arith.constant 0 : i32
    %dma_start3A_55 = tpu.memref_slice %arg5[%add3A, %dma_start3A_48, %dma_start3A_53, %dma_start3A_54] : memref<32x18x5x112xf32, #tpu.memory_space<hbm>> -> memref<1x1x5x112xf32, #tpu.memory_space<hbm>>
    %dma_start3A_56 = tpu.memref_squeeze %dma_start3A_55 : memref<1x1x5x112xf32, #tpu.memory_space<hbm>> -> memref<5x112xf32, #tpu.memory_space<hbm>>
    %dma_start3A_57 = arith.constant 0 : i32
    %dma_start3A_58 = arith.constant 0 : i32
    %dma_start3A_59 = tpu.memref_slice %arg10[%rem3A_27, %dma_start3A_57, %dma_start3A_58] : memref<2x5x112xf32, #tpu.memory_space<vmem>> -> memref<1x5x112xf32, #tpu.memory_space<vmem>>
    %dma_start3A_60 = tpu.memref_squeeze %dma_start3A_59 : memref<1x5x112xf32, #tpu.memory_space<vmem>> -> memref<5x112xf32, #tpu.memory_space<vmem>>
    %dma_start3A_61 = arith.constant 0 : i32
    %dma_start3A_62 = arith.constant 0 : i32
    %dma_start3A_63 = tpu.memref_slice %arg5[%add3A, %dma_start3A_48, %dma_start3A_61, %dma_start3A_62] : memref<32x18x5x112xf32, #tpu.memory_space<hbm>> -> memref<1x1x5x112xf32, #tpu.memory_space<hbm>>
    %dma_start3A_64 = tpu.memref_squeeze %dma_start3A_63 : memref<1x1x5x112xf32, #tpu.memory_space<hbm>> -> memref<5x112xf32, #tpu.memory_space<hbm>>
    tpu.enqueue_dma source(%dma_start3A_64 : memref<5x112xf32, #tpu.memory_space<hbm>>) target(%dma_start3A_60 : memref<5x112xf32, #tpu.memory_space<vmem>>) target_semaphore(%arg14 : memref<!tpu.dma_semaphore, #tpu.memory_space<semaphore_mem>>)
    %rem3A_65 = arith.constant 0 : i32
    %rem3A_66 = arith.constant 2 : i32
    %rem3A_67 = arith.remsi %rem3A_65, %rem3A_66 : i32
    %dma_wait3A = arith.constant 0 : i32
    %dma_wait3A_68 = arith.constant 0 : i32
    %dma_wait3A_69 = arith.constant 0 : i32
    %dma_wait3A_70 = arith.constant 0 : i32
    %dma_wait3A_71 = tpu.memref_slice %arg9[%rem3A_67, %dma_wait3A_68, %dma_wait3A_69, %dma_wait3A_70] : memref<2x5x2x112xi32, #tpu.memory_space<vmem>> -> memref<1x5x2x112xi32, #tpu.memory_space<vmem>>
    %dma_wait3A_72 = tpu.memref_squeeze %dma_wait3A_71 : memref<1x5x2x112xi32, #tpu.memory_space<vmem>> -> memref<5x2x112xi32, #tpu.memory_space<vmem>>
    %dma_wait3A_73 = arith.constant 0 : i32
    %dma_wait3A_74 = arith.constant 0 : i32
    %dma_wait3A_75 = arith.constant 0 : i32
    %dma_wait3A_76 = tpu.memref_slice %arg4[%add3A, %dma_wait3A, %dma_wait3A_73, %dma_wait3A_74, %dma_wait3A_75] : memref<32x18x5x2x112xi32, #tpu.memory_space<hbm>> -> memref<1x1x5x2x112xi32, #tpu.memory_space<hbm>>
    %dma_wait3A_77 = tpu.memref_squeeze %dma_wait3A_76 : memref<1x1x5x2x112xi32, #tpu.memory_space<hbm>> -> memref<5x2x112xi32, #tpu.memory_space<hbm>>
    %dma_wait3A_78 = arith.constant 0 : i32
    %dma_wait3A_79 = arith.constant 0 : i32
    %dma_wait3A_80 = arith.constant 0 : i32
    %dma_wait3A_81 = tpu.memref_slice %arg9[%rem3A_67, %dma_wait3A_78, %dma_wait3A_79, %dma_wait3A_80] : memref<2x5x2x112xi32, #tpu.memory_space<vmem>> -> memref<1x5x2x112xi32, #tpu.memory_space<vmem>>
    %dma_wait3A_82 = tpu.memref_squeeze %dma_wait3A_81 : memref<1x5x2x112xi32, #tpu.memory_space<vmem>> -> memref<5x2x112xi32, #tpu.memory_space<vmem>>
    %dma_wait3A_83 = arith.constant 0 : i32
    %dma_wait3A_84 = arith.constant 0 : i32
    %dma_wait3A_85 = arith.constant 0 : i32
    %dma_wait3A_86 = tpu.memref_slice %arg4[%add3A, %dma_wait3A, %dma_wait3A_83, %dma_wait3A_84, %dma_wait3A_85] : memref<32x18x5x2x112xi32, #tpu.memory_space<hbm>> -> memref<1x1x5x2x112xi32, #tpu.memory_space<hbm>>
    %dma_wait3A_87 = tpu.memref_squeeze %dma_wait3A_86 : memref<1x1x5x2x112xi32, #tpu.memory_space<hbm>> -> memref<5x2x112xi32, #tpu.memory_space<hbm>>
    tpu.wait_dma2 semaphore(%arg14 : memref<!tpu.dma_semaphore, #tpu.memory_space<semaphore_mem>>) src(%dma_wait3A_87 : memref<5x2x112xi32, #tpu.memory_space<hbm>>) dst(%dma_wait3A_82 : memref<5x2x112xi32, #tpu.memory_space<vmem>>)
    %dma_wait3A_88 = arith.constant 0 : i32
    %dma_wait3A_89 = arith.constant 0 : i32
    %dma_wait3A_90 = arith.constant 0 : i32
    %dma_wait3A_91 = tpu.memref_slice %arg10[%rem3A_67, %dma_wait3A_89, %dma_wait3A_90] : memref<2x5x112xf32, #tpu.memory_space<vmem>> -> memref<1x5x112xf32, #tpu.memory_space<vmem>>
    %dma_wait3A_92 = tpu.memref_squeeze %dma_wait3A_91 : memref<1x5x112xf32, #tpu.memory_space<vmem>> -> memref<5x112xf32, #tpu.memory_space<vmem>>
    %dma_wait3A_93 = arith.constant 0 : i32
    %dma_wait3A_94 = arith.constant 0 : i32
    %dma_wait3A_95 = tpu.memref_slice %arg5[%add3A, %dma_wait3A_88, %dma_wait3A_93, %dma_wait3A_94] : memref<32x18x5x112xf32, #tpu.memory_space<hbm>> -> memref<1x1x5x112xf32, #tpu.memory_space<hbm>>
    %dma_wait3A_96 = tpu.memref_squeeze %dma_wait3A_95 : memref<1x1x5x112xf32, #tpu.memory_space<hbm>> -> memref<5x112xf32, #tpu.memory_space<hbm>>
    %dma_wait3A_97 = arith.constant 0 : i32
    %dma_wait3A_98 = arith.constant 0 : i32
    %dma_wait3A_99 = tpu.memref_slice %arg10[%rem3A_67, %dma_wait3A_97, %dma_wait3A_98] : memref<2x5x112xf32, #tpu.memory_space<vmem>> -> memref<1x5x112xf32, #tpu.memory_space<vmem>>
    %dma_wait3A_100 = tpu.memref_squeeze %dma_wait3A_99 : memref<1x5x112xf32, #tpu.memory_space<vmem>> -> memref<5x112xf32, #tpu.memory_space<vmem>>
    %dma_wait3A_101 = arith.constant 0 : i32
    %dma_wait3A_102 = arith.constant 0 : i32
    %dma_wait3A_103 = tpu.memref_slice %arg5[%add3A, %dma_wait3A_88, %dma_wait3A_101, %dma_wait3A_102] : memref<32x18x5x112xf32, #tpu.memory_space<hbm>> -> memref<1x1x5x112xf32, #tpu.memory_space<hbm>>
    %dma_wait3A_104 = tpu.memref_squeeze %dma_wait3A_103 : memref<1x1x5x112xf32, #tpu.memory_space<hbm>> -> memref<5x112xf32, #tpu.memory_space<hbm>>
    tpu.wait_dma2 semaphore(%arg14 : memref<!tpu.dma_semaphore, #tpu.memory_space<semaphore_mem>>) src(%dma_wait3A_104 : memref<5x112xf32, #tpu.memory_space<hbm>>) dst(%dma_wait3A_100 : memref<5x112xf32, #tpu.memory_space<vmem>>)
    %rem3A_105 = arith.constant 1 : i32
    %rem3A_106 = arith.constant 2 : i32
    %rem3A_107 = arith.remsi %rem3A_105, %rem3A_106 : i32
    %dma_start3A_108 = arith.constant 1 : i32
    %dma_start3A_109 = arith.constant 0 : i32
    %dma_start3A_110 = arith.constant 0 : i32
    %dma_start3A_111 = arith.constant 0 : i32
    %dma_start3A_112 = tpu.memref_slice %arg9[%rem3A_107, %dma_start3A_109, %dma_start3A_110, %dma_start3A_111] : memref<2x5x2x112xi32, #tpu.memory_space<vmem>> -> memref<1x5x2x112xi32, #tpu.memory_space<vmem>>
    %dma_start3A_113 = tpu.memref_squeeze %dma_start3A_112 : memref<1x5x2x112xi32, #tpu.memory_space<vmem>> -> memref<5x2x112xi32, #tpu.memory_space<vmem>>
    %dma_start3A_114 = arith.constant 0 : i32
    %dma_start3A_115 = arith.constant 0 : i32
    %dma_start3A_116 = arith.constant 0 : i32
    %dma_start3A_117 = tpu.memref_slice %arg4[%add3A, %dma_start3A_108, %dma_start3A_114, %dma_start3A_115, %dma_start3A_116] : memref<32x18x5x2x112xi32, #tpu.memory_space<hbm>> -> memref<1x1x5x2x112xi32, #tpu.memory_space<hbm>>
    %dma_start3A_118 = tpu.memref_squeeze %dma_start3A_117 : memref<1x1x5x2x112xi32, #tpu.memory_space<hbm>> -> memref<5x2x112xi32, #tpu.memory_space<hbm>>
    %dma_start3A_119 = arith.constant 0 : i32
    %dma_start3A_120 = arith.constant 0 : i32
    %dma_start3A_121 = arith.constant 0 : i32
    %dma_start3A_122 = tpu.memref_slice %arg9[%rem3A_107, %dma_start3A_119, %dma_start3A_120, %dma_start3A_121] : memref<2x5x2x112xi32, #tpu.memory_space<vmem>> -> memref<1x5x2x112xi32, #tpu.memory_space<vmem>>
    %dma_start3A_123 = tpu.memref_squeeze %dma_start3A_122 : memref<1x5x2x112xi32, #tpu.memory_space<vmem>> -> memref<5x2x112xi32, #tpu.memory_space<vmem>>
    %dma_start3A_124 = arith.constant 0 : i32
    %dma_start3A_125 = arith.constant 0 : i32
    %dma_start3A_126 = arith.constant 0 : i32
    %dma_start3A_127 = tpu.memref_slice %arg4[%add3A, %dma_start3A_108, %dma_start3A_124, %dma_start3A_125, %dma_start3A_126] : memref<32x18x5x2x112xi32, #tpu.memory_space<hbm>> -> memref<1x1x5x2x112xi32, #tpu.memory_space<hbm>>
    %dma_start3A_128 = tpu.memref_squeeze %dma_start3A_127 : memref<1x1x5x2x112xi32, #tpu.memory_space<hbm>> -> memref<5x2x112xi32, #tpu.memory_space<hbm>>
    tpu.enqueue_dma source(%dma_start3A_128 : memref<5x2x112xi32, #tpu.memory_space<hbm>>) target(%dma_start3A_123 : memref<5x2x112xi32, #tpu.memory_space<vmem>>) target_semaphore(%arg14 : memref<!tpu.dma_semaphore, #tpu.memory_space<semaphore_mem>>)
    %dma_start3A_129 = arith.constant 1 : i32
    %dma_start3A_130 = arith.constant 0 : i32
    %dma_start3A_131 = arith.constant 0 : i32
    %dma_start3A_132 = tpu.memref_slice %arg10[%rem3A_107, %dma_start3A_130, %dma_start3A_131] : memref<2x5x112xf32, #tpu.memory_space<vmem>> -> memref<1x5x112xf32, #tpu.memory_space<vmem>>
    %dma_start3A_133 = tpu.memref_squeeze %dma_start3A_132 : memref<1x5x112xf32, #tpu.memory_space<vmem>> -> memref<5x112xf32, #tpu.memory_space<vmem>>
    %dma_start3A_134 = arith.constant 0 : i32
    %dma_start3A_135 = arith.constant 0 : i32
    %dma_start3A_136 = tpu.memref_slice %arg5[%add3A, %dma_start3A_129, %dma_start3A_134, %dma_start3A_135] : memref<32x18x5x112xf32, #tpu.memory_space<hbm>> -> memref<1x1x5x112xf32, #tpu.memory_space<hbm>>
    %dma_start3A_137 = tpu.memref_squeeze %dma_start3A_136 : memref<1x1x5x112xf32, #tpu.memory_space<hbm>> -> memref<5x112xf32, #tpu.memory_space<hbm>>
    %dma_start3A_138 = arith.constant 0 : i32
    %dma_start3A_139 = arith.constant 0 : i32
    %dma_start3A_140 = tpu.memref_slice %arg10[%rem3A_107, %dma_start3A_138, %dma_start3A_139] : memref<2x5x112xf32, #tpu.memory_space<vmem>> -> memref<1x5x112xf32, #tpu.memory_space<vmem>>
    %dma_start3A_141 = tpu.memref_squeeze %dma_start3A_140 : memref<1x5x112xf32, #tpu.memory_space<vmem>> -> memref<5x112xf32, #tpu.memory_space<vmem>>
    %dma_start3A_142 = arith.constant 0 : i32
    %dma_start3A_143 = arith.constant 0 : i32
    %dma_start3A_144 = tpu.memref_slice %arg5[%add3A, %dma_start3A_129, %dma_start3A_142, %dma_start3A_143] : memref<32x18x5x112xf32, #tpu.memory_space<hbm>> -> memref<1x1x5x112xf32, #tpu.memory_space<hbm>>
    %dma_start3A_145 = tpu.memref_squeeze %dma_start3A_144 : memref<1x1x5x112xf32, #tpu.memory_space<hbm>> -> memref<5x112xf32, #tpu.memory_space<hbm>>
    tpu.enqueue_dma source(%dma_start3A_145 : memref<5x112xf32, #tpu.memory_space<hbm>>) target(%dma_start3A_141 : memref<5x112xf32, #tpu.memory_space<vmem>>) target_semaphore(%arg14 : memref<!tpu.dma_semaphore, #tpu.memory_space<semaphore_mem>>)
    %div3A = arith.constant 0 : i32
    %div3A_146 = arith.constant 5 : i32
    %div3A_147 = arith.divsi %div3A, %div3A_146 : i32
    %rem3A_148 = arith.constant 2 : i32
    %rem3A_149 = arith.remsi %div3A_147, %rem3A_148 : i32
    %rem3A_150 = arith.constant 0 : i32
    %rem3A_151 = arith.constant 5 : i32
    %rem3A_152 = arith.remsi %rem3A_150, %rem3A_151 : i32
    %rem3A_153 = arith.constant 0 : i32
    %rem3A_154 = arith.constant 3 : i32
    %rem3A_155 = arith.remsi %rem3A_153, %rem3A_154 : i32
    %mul3A_156 = arith.constant 112 : i32
    %mul3A_157 = arith.muli %rem3A_155, %mul3A_156 : i32
    %dma_start3A_158 = arith.constant 0 : i32
    %dma_start3A_159 = arith.constant 0 : i32
    %dma_start3A_160 = tpu.memref_slice %arg11[%mul3A_157, %dma_start3A_159] : memref<336x128xf32, #tpu.memory_space<vmem>> -> memref<112x128xf32, #tpu.memory_space<vmem>>
    %dma_start3A_161 = arith.constant 0 : i32
    %dma_start3A_162 = tpu.memref_slice %arg9[%rem3A_149, %rem3A_152, %dma_start3A_158, %dma_start3A_161] : memref<2x5x2x112xi32, #tpu.memory_space<vmem>> -> memref<1x1x1x112xi32, #tpu.memory_space<vmem>>
    %dma_start3A_163 = tpu.memref_squeeze %dma_start3A_162 : memref<1x1x1x112xi32, #tpu.memory_space<vmem>> -> memref<112xi32, #tpu.memory_space<vmem>>
    %dma_start3A_164 = arith.constant 0 : i32
    %dma_start3A_165 = arith.constant 0 : i32
    %dma_start3A_166 = tpu.memref_slice %arg2[%dma_start3A_164, %dma_start3A_165] : memref<10008x128xf32, #tpu.memory_space<hbm>> -> memref<10008x128xf32, #tpu.memory_space<hbm>>
    tpu.enqueue_indirect_dma source(%dma_start3A_166 : memref<10008x128xf32, #tpu.memory_space<hbm>>) target(%dma_start3A_160 : memref<112x128xf32, #tpu.memory_space<vmem>>) offsets(%dma_start3A_163 : memref<112xi32, #tpu.memory_space<vmem>>) semaphore(%arg15 : memref<!tpu.dma_semaphore, #tpu.memory_space<semaphore_mem>>)
    %div3A_167 = arith.constant 0 : i32
    %div3A_168 = arith.constant 5 : i32
    %div3A_169 = arith.divsi %div3A_167, %div3A_168 : i32
    %rem3A_170 = arith.constant 2 : i32
    %rem3A_171 = arith.remsi %div3A_169, %rem3A_170 : i32
    %rem3A_172 = arith.constant 0 : i32
    %rem3A_173 = arith.constant 5 : i32
    %rem3A_174 = arith.remsi %rem3A_172, %rem3A_173 : i32
    %rem3A_175 = arith.constant 0 : i32
    %rem3A_176 = arith.constant 3 : i32
    %rem3A_177 = arith.remsi %rem3A_175, %rem3A_176 : i32
    %mul3A_178 = arith.constant 112 : i32
    %mul3A_179 = arith.muli %rem3A_177, %mul3A_178 : i32
    %dma_wait3A_180 = arith.constant 0 : i32
    %dma_wait3A_181 = arith.constant 0 : i32
    %dma_wait3A_182 = tpu.memref_slice %arg11[%mul3A_179, %dma_wait3A_181] : memref<336x128xf32, #tpu.memory_space<vmem>> -> memref<112x128xf32, #tpu.memory_space<vmem>>
    %dma_wait3A_183 = arith.constant 0 : i32
    %dma_wait3A_184 = tpu.memref_slice %arg9[%rem3A_171, %rem3A_174, %dma_wait3A_180, %dma_wait3A_183] : memref<2x5x2x112xi32, #tpu.memory_space<vmem>> -> memref<1x1x1x112xi32, #tpu.memory_space<vmem>>
    %dma_wait3A_185 = tpu.memref_squeeze %dma_wait3A_184 : memref<1x1x1x112xi32, #tpu.memory_space<vmem>> -> memref<112xi32, #tpu.memory_space<vmem>>
    %dma_wait3A_186 = arith.constant 0 : i32
    %dma_wait3A_187 = arith.constant 0 : i32
    %dma_wait3A_188 = tpu.memref_slice %arg2[%dma_wait3A_186, %dma_wait3A_187] : memref<10008x128xf32, #tpu.memory_space<hbm>> -> memref<10008x128xf32, #tpu.memory_space<hbm>>
    tpu.wait_indirect_dma semaphore(%arg15 : memref<!tpu.dma_semaphore, #tpu.memory_space<semaphore_mem>>) src(%dma_wait3A_188 : memref<10008x128xf32, #tpu.memory_space<hbm>>) dst(%dma_wait3A_182 : memref<112x128xf32, #tpu.memory_space<vmem>>)
    %div3A_189 = arith.constant 0 : i32
    %div3A_190 = arith.constant 5 : i32
    %div3A_191 = arith.divsi %div3A_189, %div3A_190 : i32
    %rem3A_192 = arith.constant 2 : i32
    %rem3A_193 = arith.remsi %div3A_191, %rem3A_192 : i32
    %rem3A_194 = arith.constant 0 : i32
    %rem3A_195 = arith.constant 5 : i32
    %rem3A_196 = arith.remsi %rem3A_194, %rem3A_195 : i32
    %rem3A_197 = arith.constant 0 : i32
    %rem3A_198 = arith.constant 3 : i32
    %rem3A_199 = arith.remsi %rem3A_197, %rem3A_198 : i32
    %mul3A_200 = arith.constant 112 : i32
    %mul3A_201 = arith.muli %rem3A_199, %mul3A_200 : i32
    %dma_start3A_202 = arith.constant 1 : i32
    %dma_start3A_203 = arith.constant 0 : i32
    %dma_start3A_204 = tpu.memref_slice %arg11[%mul3A_201, %dma_start3A_203] : memref<336x128xf32, #tpu.memory_space<vmem>> -> memref<112x128xf32, #tpu.memory_space<vmem>>
    %dma_start3A_205 = arith.constant 0 : i32
    %dma_start3A_206 = tpu.memref_slice %arg9[%rem3A_193, %rem3A_196, %dma_start3A_202, %dma_start3A_205] : memref<2x5x2x112xi32, #tpu.memory_space<vmem>> -> memref<1x1x1x112xi32, #tpu.memory_space<vmem>>
    %dma_start3A_207 = tpu.memref_squeeze %dma_start3A_206 : memref<1x1x1x112xi32, #tpu.memory_space<vmem>> -> memref<112xi32, #tpu.memory_space<vmem>>
    %dma_start3A_208 = arith.constant 0 : i32
    %dma_start3A_209 = arith.constant 0 : i32
    %dma_start3A_210 = tpu.memref_slice %arg3[%dma_start3A_208, %dma_start3A_209] : memref<10008x128xf32, #tpu.memory_space<hbm>> -> memref<10008x128xf32, #tpu.memory_space<hbm>>
    tpu.enqueue_indirect_dma source(%dma_start3A_210 : memref<10008x128xf32, #tpu.memory_space<hbm>>) target(%dma_start3A_204 : memref<112x128xf32, #tpu.memory_space<vmem>>) offsets(%dma_start3A_207 : memref<112xi32, #tpu.memory_space<vmem>>) semaphore(%arg16 : memref<!tpu.dma_semaphore, #tpu.memory_space<semaphore_mem>>) {add = true}
    %div3A_211 = arith.constant 1 : i32
    %div3A_212 = arith.constant 5 : i32
    %div3A_213 = arith.divsi %div3A_211, %div3A_212 : i32
    %rem3A_214 = arith.constant 2 : i32
    %rem3A_215 = arith.remsi %div3A_213, %rem3A_214 : i32
    %rem3A_216 = arith.constant 1 : i32
    %rem3A_217 = arith.constant 5 : i32
    %rem3A_218 = arith.remsi %rem3A_216, %rem3A_217 : i32
    %rem3A_219 = arith.constant 1 : i32
    %rem3A_220 = arith.constant 3 : i32
    %rem3A_221 = arith.remsi %rem3A_219, %rem3A_220 : i32
    %mul3A_222 = arith.constant 112 : i32
    %mul3A_223 = arith.muli %rem3A_221, %mul3A_222 : i32
    %dma_start3A_224 = arith.constant 0 : i32
    %dma_start3A_225 = arith.constant 0 : i32
    %dma_start3A_226 = tpu.memref_slice %arg11[%mul3A_223, %dma_start3A_225] : memref<336x128xf32, #tpu.memory_space<vmem>> -> memref<112x128xf32, #tpu.memory_space<vmem>>
    %dma_start3A_227 = arith.constant 0 : i32
    %dma_start3A_228 = tpu.memref_slice %arg9[%rem3A_215, %rem3A_218, %dma_start3A_224, %dma_start3A_227] : memref<2x5x2x112xi32, #tpu.memory_space<vmem>> -> memref<1x1x1x112xi32, #tpu.memory_space<vmem>>
    %dma_start3A_229 = tpu.memref_squeeze %dma_start3A_228 : memref<1x1x1x112xi32, #tpu.memory_space<vmem>> -> memref<112xi32, #tpu.memory_space<vmem>>
    %dma_start3A_230 = arith.constant 0 : i32
    %dma_start3A_231 = arith.constant 0 : i32
    %dma_start3A_232 = tpu.memref_slice %arg2[%dma_start3A_230, %dma_start3A_231] : memref<10008x128xf32, #tpu.memory_space<hbm>> -> memref<10008x128xf32, #tpu.memory_space<hbm>>
    tpu.enqueue_indirect_dma source(%dma_start3A_232 : memref<10008x128xf32, #tpu.memory_space<hbm>>) target(%dma_start3A_226 : memref<112x128xf32, #tpu.memory_space<vmem>>) offsets(%dma_start3A_229 : memref<112xi32, #tpu.memory_space<vmem>>) semaphore(%arg15 : memref<!tpu.dma_semaphore, #tpu.memory_space<semaphore_mem>>)
    %scan3A = arith.constant 0 : i32
    %scan3A_233 = arith.constant 0 : i32
    %scan3A_234 = arith.constant 90 : i32
    %scan3A_235 = arith.addi %scan3A_233, %scan3A_234 : i32
    %scan3A_236 = arith.constant 1 : i32
    scf.for %scan3A_261 = %scan3A_233 to %scan3A_235 step %scan3A_236  : i32 {
      %rem3A_262 = arith.constant 3 : i32
      %rem3A_263 = arith.remsi %scan3A_261, %rem3A_262 : i32
      %mul3A_264 = arith.constant 112 : i32
      %mul3A_265 = arith.muli %rem3A_263, %mul3A_264 : i32
      %div3A_266 = arith.constant 5 : i32
      %div3A_267 = arith.divsi %scan3A_261, %div3A_266 : i32
      %rem3A_268 = arith.constant 2 : i32
      %rem3A_269 = arith.remsi %div3A_267, %rem3A_268 : i32
      %rem3A_270 = arith.constant 5 : i32
      %rem3A_271 = arith.remsi %scan3A_261, %rem3A_270 : i32
      %div3A_272 = arith.constant 5 : i32
      %div3A_273 = arith.divsi %scan3A_261, %div3A_272 : i32
      %rem3A_274 = arith.constant 2 : i32
      %rem3A_275 = arith.remsi %div3A_273, %rem3A_274 : i32
      %rem3A_276 = arith.constant 5 : i32
      %rem3A_277 = arith.remsi %scan3A_261, %rem3A_276 : i32
      %rem3A_278 = arith.constant 3 : i32
      %rem3A_279 = arith.remsi %scan3A_261, %rem3A_278 : i32
      %mul3A_280 = arith.constant 112 : i32
      %mul3A_281 = arith.muli %rem3A_279, %mul3A_280 : i32
      %dma_wait3A_282 = arith.constant 1 : i32
      %dma_wait3A_283 = arith.constant 0 : i32
      %dma_wait3A_284 = tpu.memref_slice %arg11[%mul3A_281, %dma_wait3A_283] : memref<336x128xf32, #tpu.memory_space<vmem>> -> memref<112x128xf32, #tpu.memory_space<vmem>>
      %dma_wait3A_285 = arith.constant 0 : i32
      %dma_wait3A_286 = tpu.memref_slice %arg9[%rem3A_275, %rem3A_277, %dma_wait3A_282, %dma_wait3A_285] : memref<2x5x2x112xi32, #tpu.memory_space<vmem>> -> memref<1x1x1x112xi32, #tpu.memory_space<vmem>>
      %dma_wait3A_287 = tpu.memref_squeeze %dma_wait3A_286 : memref<1x1x1x112xi32, #tpu.memory_space<vmem>> -> memref<112xi32, #tpu.memory_space<vmem>>
      %dma_wait3A_288 = arith.constant 0 : i32
      %dma_wait3A_289 = arith.constant 0 : i32
      %dma_wait3A_290 = tpu.memref_slice %arg3[%dma_wait3A_288, %dma_wait3A_289] : memref<10008x128xf32, #tpu.memory_space<hbm>> -> memref<10008x128xf32, #tpu.memory_space<hbm>>
      tpu.wait_indirect_dma semaphore(%arg16 : memref<!tpu.dma_semaphore, #tpu.memory_space<semaphore_mem>>) src(%dma_wait3A_290 : memref<10008x128xf32, #tpu.memory_space<hbm>>) dst(%dma_wait3A_284 : memref<112x128xf32, #tpu.memory_space<vmem>>)
      %add3A_291 = arith.constant 1 : i32
      %add3A_292 = arith.addi %scan3A_261, %add3A_291 : i32
      %lt3A = arith.constant 90 : i32
      %lt3A_293 = arith.cmpi slt, %add3A_292, %lt3A : i32
      %convert_element_type3A = arith.extui %lt3A_293 : i1 to i32
      %cond3A = arith.constant 0 : i32
      %cond3A_294 = arith.cmpi ne, %convert_element_type3A, %cond3A : i32
      scf.if %cond3A_294 {
        %add3A_358 = arith.constant 1 : i32
        %add3A_359 = arith.addi %scan3A_261, %add3A_358 : i32
        %div3A_360 = arith.constant 5 : i32
        %div3A_361 = arith.divsi %add3A_359, %div3A_360 : i32
        %rem3A_362 = arith.constant 2 : i32
        %rem3A_363 = arith.remsi %div3A_361, %rem3A_362 : i32
        %rem3A_364 = arith.constant 5 : i32
        %rem3A_365 = arith.remsi %add3A_359, %rem3A_364 : i32
        %rem3A_366 = arith.constant 3 : i32
        %rem3A_367 = arith.remsi %add3A_359, %rem3A_366 : i32
        %mul3A_368 = arith.constant 112 : i32
        %mul3A_369 = arith.muli %rem3A_367, %mul3A_368 : i32
        %dma_wait3A_370 = arith.constant 0 : i32
        %dma_wait3A_371 = arith.constant 0 : i32
        %dma_wait3A_372 = tpu.memref_slice %arg11[%mul3A_369, %dma_wait3A_371] : memref<336x128xf32, #tpu.memory_space<vmem>> -> memref<112x128xf32, #tpu.memory_space<vmem>>
        %dma_wait3A_373 = arith.constant 0 : i32
        %dma_wait3A_374 = tpu.memref_slice %arg9[%rem3A_363, %rem3A_365, %dma_wait3A_370, %dma_wait3A_373] : memref<2x5x2x112xi32, #tpu.memory_space<vmem>> -> memref<1x1x1x112xi32, #tpu.memory_space<vmem>>
        %dma_wait3A_375 = tpu.memref_squeeze %dma_wait3A_374 : memref<1x1x1x112xi32, #tpu.memory_space<vmem>> -> memref<112xi32, #tpu.memory_space<vmem>>
        %dma_wait3A_376 = arith.constant 0 : i32
        %dma_wait3A_377 = arith.constant 0 : i32
        %dma_wait3A_378 = tpu.memref_slice %arg2[%dma_wait3A_376, %dma_wait3A_377] : memref<10008x128xf32, #tpu.memory_space<hbm>> -> memref<10008x128xf32, #tpu.memory_space<hbm>>
        tpu.wait_indirect_dma semaphore(%arg15 : memref<!tpu.dma_semaphore, #tpu.memory_space<semaphore_mem>>) src(%dma_wait3A_378 : memref<10008x128xf32, #tpu.memory_space<hbm>>) dst(%dma_wait3A_372 : memref<112x128xf32, #tpu.memory_space<vmem>>)
        %add3A_379 = arith.constant 1 : i32
        %add3A_380 = arith.addi %scan3A_261, %add3A_379 : i32
        %div3A_381 = arith.constant 5 : i32
        %div3A_382 = arith.divsi %add3A_380, %div3A_381 : i32
        %rem3A_383 = arith.constant 2 : i32
        %rem3A_384 = arith.remsi %div3A_382, %rem3A_383 : i32
        %rem3A_385 = arith.constant 5 : i32
        %rem3A_386 = arith.remsi %add3A_380, %rem3A_385 : i32
        %rem3A_387 = arith.constant 3 : i32
        %rem3A_388 = arith.remsi %add3A_380, %rem3A_387 : i32
        %mul3A_389 = arith.constant 112 : i32
        %mul3A_390 = arith.muli %rem3A_388, %mul3A_389 : i32
        %dma_start3A_391 = arith.constant 1 : i32
        %dma_start3A_392 = arith.constant 0 : i32
        %dma_start3A_393 = tpu.memref_slice %arg11[%mul3A_390, %dma_start3A_392] : memref<336x128xf32, #tpu.memory_space<vmem>> -> memref<112x128xf32, #tpu.memory_space<vmem>>
        %dma_start3A_394 = arith.constant 0 : i32
        %dma_start3A_395 = tpu.memref_slice %arg9[%rem3A_384, %rem3A_386, %dma_start3A_391, %dma_start3A_394] : memref<2x5x2x112xi32, #tpu.memory_space<vmem>> -> memref<1x1x1x112xi32, #tpu.memory_space<vmem>>
        %dma_start3A_396 = tpu.memref_squeeze %dma_start3A_395 : memref<1x1x1x112xi32, #tpu.memory_space<vmem>> -> memref<112xi32, #tpu.memory_space<vmem>>
        %dma_start3A_397 = arith.constant 0 : i32
        %dma_start3A_398 = arith.constant 0 : i32
        %dma_start3A_399 = tpu.memref_slice %arg3[%dma_start3A_397, %dma_start3A_398] : memref<10008x128xf32, #tpu.memory_space<hbm>> -> memref<10008x128xf32, #tpu.memory_space<hbm>>
        tpu.enqueue_indirect_dma source(%dma_start3A_399 : memref<10008x128xf32, #tpu.memory_space<hbm>>) target(%dma_start3A_393 : memref<112x128xf32, #tpu.memory_space<vmem>>) offsets(%dma_start3A_396 : memref<112xi32, #tpu.memory_space<vmem>>) semaphore(%arg16 : memref<!tpu.dma_semaphore, #tpu.memory_space<semaphore_mem>>) {add = true}
      } else {
      }
      %gt3A = arith.constant 0 : i32
      %gt3A_295 = arith.cmpi sgt, %scan3A_261, %gt3A : i32
      %convert_element_type3A_296 = arith.extui %gt3A_295 : i1 to i32
      %cond3A_297 = arith.constant 0 : i32
      %cond3A_298 = arith.cmpi ne, %convert_element_type3A_296, %cond3A_297 : i32
      scf.if %cond3A_298 {
        %sub3A = arith.constant 1 : i32
        %sub3A_358 = arith.subi %scan3A_261, %sub3A : i32
        %rem3A_359 = arith.constant 3 : i32
        %rem3A_360 = arith.remsi %sub3A_358, %rem3A_359 : i32
        %mul3A_361 = arith.constant 112 : i32
        %mul3A_362 = arith.muli %rem3A_360, %mul3A_361 : i32
        %div3A_363 = arith.constant 5 : i32
        %div3A_364 = arith.divsi %sub3A_358, %div3A_363 : i32
        %rem3A_365 = arith.constant 2 : i32
        %rem3A_366 = arith.remsi %div3A_364, %rem3A_365 : i32
        %rem3A_367 = arith.constant 5 : i32
        %rem3A_368 = arith.remsi %sub3A_358, %rem3A_367 : i32
        %dma_wait3A_369 = arith.constant 0 : i32
        %dma_wait3A_370 = arith.constant 0 : i32
        %dma_wait3A_371 = tpu.memref_slice %arg11[%mul3A_362, %dma_wait3A_370] : memref<336x128xf32, #tpu.memory_space<vmem>> -> memref<112x128xf32, #tpu.memory_space<vmem>>
        %dma_wait3A_372 = arith.constant 0 : i32
        %dma_wait3A_373 = tpu.memref_slice %arg9[%rem3A_366, %rem3A_368, %dma_wait3A_369, %dma_wait3A_372] : memref<2x5x2x112xi32, #tpu.memory_space<vmem>> -> memref<1x1x1x112xi32, #tpu.memory_space<vmem>>
        %dma_wait3A_374 = tpu.memref_squeeze %dma_wait3A_373 : memref<1x1x1x112xi32, #tpu.memory_space<vmem>> -> memref<112xi32, #tpu.memory_space<vmem>>
        %dma_wait3A_375 = arith.constant 0 : i32
        %dma_wait3A_376 = arith.constant 0 : i32
        %dma_wait3A_377 = tpu.memref_slice %arg13[%dma_wait3A_375, %dma_wait3A_376] : memref<10112x128xf32, #tpu.memory_space<vmem_shared>> -> memref<10112x128xf32, #tpu.memory_space<vmem_shared>>
        tpu.wait_indirect_dma semaphore(%arg17 : memref<!tpu.dma_semaphore, #tpu.memory_space<semaphore_mem>>) src(%dma_wait3A_371 : memref<112x128xf32, #tpu.memory_space<vmem>>) dst(%dma_wait3A_377 : memref<10112x128xf32, #tpu.memory_space<vmem_shared>>)
      } else {
      }
      %eq3A = arith.constant 0 : i32
      %eq3A_299 = arith.cmpi eq, %rem3A_271, %eq3A : i32
      %gt3A_300 = arith.constant 0 : i32
      %gt3A_301 = arith.cmpi sgt, %scan3A_261, %gt3A_300 : i32
      %div3A_302 = arith.constant 5 : i32
      %div3A_303 = arith.divsi %scan3A_261, %div3A_302 : i32
      %add3A_304 = arith.constant 1 : i32
      %add3A_305 = arith.addi %div3A_303, %add3A_304 : i32
      %lt3A_306 = arith.constant 18 : i32
      %lt3A_307 = arith.cmpi slt, %add3A_305, %lt3A_306 : i32
      %and3A = arith.andi %gt3A_301, %lt3A_307 : i1
      %and3A_308 = arith.andi %eq3A_299, %and3A : i1
      %convert_element_type3A_309 = arith.extui %and3A_308 : i1 to i32
      %cond3A_310 = arith.constant 0 : i32
      %cond3A_311 = arith.cmpi ne, %convert_element_type3A_309, %cond3A_310 : i32
      scf.if %cond3A_311 {
        %div3A_358 = arith.constant 5 : i32
        %div3A_359 = arith.divsi %scan3A_261, %div3A_358 : i32
        %add3A_360 = arith.constant 1 : i32
        %add3A_361 = arith.addi %div3A_359, %add3A_360 : i32
        %rem3A_362 = arith.constant 2 : i32
        %rem3A_363 = arith.remsi %add3A_361, %rem3A_362 : i32
        %dma_start3A_364 = arith.constant 0 : i32
        %dma_start3A_365 = arith.constant 0 : i32
        %dma_start3A_366 = arith.constant 0 : i32
        %dma_start3A_367 = tpu.memref_slice %arg9[%rem3A_363, %dma_start3A_364, %dma_start3A_365, %dma_start3A_366] : memref<2x5x2x112xi32, #tpu.memory_space<vmem>> -> memref<1x5x2x112xi32, #tpu.memory_space<vmem>>
        %dma_start3A_368 = tpu.memref_squeeze %dma_start3A_367 : memref<1x5x2x112xi32, #tpu.memory_space<vmem>> -> memref<5x2x112xi32, #tpu.memory_space<vmem>>
        %dma_start3A_369 = arith.constant 0 : i32
        %dma_start3A_370 = arith.constant 0 : i32
        %dma_start3A_371 = arith.constant 0 : i32
        %dma_start3A_372 = tpu.memref_slice %arg4[%add3A, %add3A_361, %dma_start3A_369, %dma_start3A_370, %dma_start3A_371] : memref<32x18x5x2x112xi32, #tpu.memory_space<hbm>> -> memref<1x1x5x2x112xi32, #tpu.memory_space<hbm>>
        %dma_start3A_373 = tpu.memref_squeeze %dma_start3A_372 : memref<1x1x5x2x112xi32, #tpu.memory_space<hbm>> -> memref<5x2x112xi32, #tpu.memory_space<hbm>>
        %dma_start3A_374 = arith.constant 0 : i32
        %dma_start3A_375 = arith.constant 0 : i32
        %dma_start3A_376 = arith.constant 0 : i32
        %dma_start3A_377 = tpu.memref_slice %arg9[%rem3A_363, %dma_start3A_374, %dma_start3A_375, %dma_start3A_376] : memref<2x5x2x112xi32, #tpu.memory_space<vmem>> -> memref<1x5x2x112xi32, #tpu.memory_space<vmem>>
        %dma_start3A_378 = tpu.memref_squeeze %dma_start3A_377 : memref<1x5x2x112xi32, #tpu.memory_space<vmem>> -> memref<5x2x112xi32, #tpu.memory_space<vmem>>
        %dma_start3A_379 = arith.constant 0 : i32
        %dma_start3A_380 = arith.constant 0 : i32
        %dma_start3A_381 = arith.constant 0 : i32
        %dma_start3A_382 = tpu.memref_slice %arg4[%add3A, %add3A_361, %dma_start3A_379, %dma_start3A_380, %dma_start3A_381] : memref<32x18x5x2x112xi32, #tpu.memory_space<hbm>> -> memref<1x1x5x2x112xi32, #tpu.memory_space<hbm>>
        %dma_start3A_383 = tpu.memref_squeeze %dma_start3A_382 : memref<1x1x5x2x112xi32, #tpu.memory_space<hbm>> -> memref<5x2x112xi32, #tpu.memory_space<hbm>>
        tpu.enqueue_dma source(%dma_start3A_383 : memref<5x2x112xi32, #tpu.memory_space<hbm>>) target(%dma_start3A_378 : memref<5x2x112xi32, #tpu.memory_space<vmem>>) target_semaphore(%arg14 : memref<!tpu.dma_semaphore, #tpu.memory_space<semaphore_mem>>)
        %dma_start3A_384 = arith.constant 0 : i32
        %dma_start3A_385 = arith.constant 0 : i32
        %dma_start3A_386 = tpu.memref_slice %arg10[%rem3A_363, %dma_start3A_384, %dma_start3A_385] : memref<2x5x112xf32, #tpu.memory_space<vmem>> -> memref<1x5x112xf32, #tpu.memory_space<vmem>>
        %dma_start3A_387 = tpu.memref_squeeze %dma_start3A_386 : memref<1x5x112xf32, #tpu.memory_space<vmem>> -> memref<5x112xf32, #tpu.memory_space<vmem>>
        %dma_start3A_388 = arith.constant 0 : i32
        %dma_start3A_389 = arith.constant 0 : i32
        %dma_start3A_390 = tpu.memref_slice %arg5[%add3A, %add3A_361, %dma_start3A_388, %dma_start3A_389] : memref<32x18x5x112xf32, #tpu.memory_space<hbm>> -> memref<1x1x5x112xf32, #tpu.memory_space<hbm>>
        %dma_start3A_391 = tpu.memref_squeeze %dma_start3A_390 : memref<1x1x5x112xf32, #tpu.memory_space<hbm>> -> memref<5x112xf32, #tpu.memory_space<hbm>>
        %dma_start3A_392 = arith.constant 0 : i32
        %dma_start3A_393 = arith.constant 0 : i32
        %dma_start3A_394 = tpu.memref_slice %arg10[%rem3A_363, %dma_start3A_392, %dma_start3A_393] : memref<2x5x112xf32, #tpu.memory_space<vmem>> -> memref<1x5x112xf32, #tpu.memory_space<vmem>>
        %dma_start3A_395 = tpu.memref_squeeze %dma_start3A_394 : memref<1x5x112xf32, #tpu.memory_space<vmem>> -> memref<5x112xf32, #tpu.memory_space<vmem>>
        %dma_start3A_396 = arith.constant 0 : i32
        %dma_start3A_397 = arith.constant 0 : i32
        %dma_start3A_398 = tpu.memref_slice %arg5[%add3A, %add3A_361, %dma_start3A_396, %dma_start3A_397] : memref<32x18x5x112xf32, #tpu.memory_space<hbm>> -> memref<1x1x5x112xf32, #tpu.memory_space<hbm>>
        %dma_start3A_399 = tpu.memref_squeeze %dma_start3A_398 : memref<1x1x5x112xf32, #tpu.memory_space<hbm>> -> memref<5x112xf32, #tpu.memory_space<hbm>>
        tpu.enqueue_dma source(%dma_start3A_399 : memref<5x112xf32, #tpu.memory_space<hbm>>) target(%dma_start3A_395 : memref<5x112xf32, #tpu.memory_space<vmem>>) target_semaphore(%arg14 : memref<!tpu.dma_semaphore, #tpu.memory_space<semaphore_mem>>)
      } else {
      }
      %add3A_312 = arith.constant 2 : i32
      %add3A_313 = arith.addi %scan3A_261, %add3A_312 : i32
      %rem3A_314 = arith.constant 5 : i32
      %rem3A_315 = arith.remsi %add3A_313, %rem3A_314 : i32
      %eq3A_316 = arith.constant 0 : i32
      %eq3A_317 = arith.cmpi eq, %rem3A_315, %eq3A_316 : i32
      %add3A_318 = arith.constant 2 : i32
      %add3A_319 = arith.addi %scan3A_261, %add3A_318 : i32
      %lt3A_320 = arith.constant 90 : i32
      %lt3A_321 = arith.cmpi slt, %add3A_319, %lt3A_320 : i32
      %and3A_322 = arith.andi %eq3A_317, %lt3A_321 : i1
      %convert_element_type3A_323 = arith.extui %and3A_322 : i1 to i32
      %cond3A_324 = arith.constant 0 : i32
      %cond3A_325 = arith.cmpi ne, %convert_element_type3A_323, %cond3A_324 : i32
      scf.if %cond3A_325 {
        %add3A_358 = arith.constant 2 : i32
        %add3A_359 = arith.addi %scan3A_261, %add3A_358 : i32
        %div3A_360 = arith.constant 5 : i32
        %div3A_361 = arith.divsi %add3A_359, %div3A_360 : i32
        %rem3A_362 = arith.constant 2 : i32
        %rem3A_363 = arith.remsi %div3A_361, %rem3A_362 : i32
        %dma_wait3A_364 = arith.constant 0 : i32
        %dma_wait3A_365 = arith.constant 0 : i32
        %dma_wait3A_366 = arith.constant 0 : i32
        %dma_wait3A_367 = tpu.memref_slice %arg9[%rem3A_363, %dma_wait3A_364, %dma_wait3A_365, %dma_wait3A_366] : memref<2x5x2x112xi32, #tpu.memory_space<vmem>> -> memref<1x5x2x112xi32, #tpu.memory_space<vmem>>
        %dma_wait3A_368 = tpu.memref_squeeze %dma_wait3A_367 : memref<1x5x2x112xi32, #tpu.memory_space<vmem>> -> memref<5x2x112xi32, #tpu.memory_space<vmem>>
        %dma_wait3A_369 = arith.constant 0 : i32
        %dma_wait3A_370 = arith.constant 0 : i32
        %dma_wait3A_371 = arith.constant 0 : i32
        %dma_wait3A_372 = tpu.memref_slice %arg4[%add3A, %div3A_361, %dma_wait3A_369, %dma_wait3A_370, %dma_wait3A_371] : memref<32x18x5x2x112xi32, #tpu.memory_space<hbm>> -> memref<1x1x5x2x112xi32, #tpu.memory_space<hbm>>
        %dma_wait3A_373 = tpu.memref_squeeze %dma_wait3A_372 : memref<1x1x5x2x112xi32, #tpu.memory_space<hbm>> -> memref<5x2x112xi32, #tpu.memory_space<hbm>>
        %dma_wait3A_374 = arith.constant 0 : i32
        %dma_wait3A_375 = arith.constant 0 : i32
        %dma_wait3A_376 = arith.constant 0 : i32
        %dma_wait3A_377 = tpu.memref_slice %arg9[%rem3A_363, %dma_wait3A_374, %dma_wait3A_375, %dma_wait3A_376] : memref<2x5x2x112xi32, #tpu.memory_space<vmem>> -> memref<1x5x2x112xi32, #tpu.memory_space<vmem>>
        %dma_wait3A_378 = tpu.memref_squeeze %dma_wait3A_377 : memref<1x5x2x112xi32, #tpu.memory_space<vmem>> -> memref<5x2x112xi32, #tpu.memory_space<vmem>>
        %dma_wait3A_379 = arith.constant 0 : i32
        %dma_wait3A_380 = arith.constant 0 : i32
        %dma_wait3A_381 = arith.constant 0 : i32
        %dma_wait3A_382 = tpu.memref_slice %arg4[%add3A, %div3A_361, %dma_wait3A_379, %dma_wait3A_380, %dma_wait3A_381] : memref<32x18x5x2x112xi32, #tpu.memory_space<hbm>> -> memref<1x1x5x2x112xi32, #tpu.memory_space<hbm>>
        %dma_wait3A_383 = tpu.memref_squeeze %dma_wait3A_382 : memref<1x1x5x2x112xi32, #tpu.memory_space<hbm>> -> memref<5x2x112xi32, #tpu.memory_space<hbm>>
        tpu.wait_dma2 semaphore(%arg14 : memref<!tpu.dma_semaphore, #tpu.memory_space<semaphore_mem>>) src(%dma_wait3A_383 : memref<5x2x112xi32, #tpu.memory_space<hbm>>) dst(%dma_wait3A_378 : memref<5x2x112xi32, #tpu.memory_space<vmem>>)
        %dma_wait3A_384 = arith.constant 0 : i32
        %dma_wait3A_385 = arith.constant 0 : i32
        %dma_wait3A_386 = tpu.memref_slice %arg10[%rem3A_363, %dma_wait3A_384, %dma_wait3A_385] : memref<2x5x112xf32, #tpu.memory_space<vmem>> -> memref<1x5x112xf32, #tpu.memory_space<vmem>>
        %dma_wait3A_387 = tpu.memref_squeeze %dma_wait3A_386 : memref<1x5x112xf32, #tpu.memory_space<vmem>> -> memref<5x112xf32, #tpu.memory_space<vmem>>
        %dma_wait3A_388 = arith.constant 0 : i32
        %dma_wait3A_389 = arith.constant 0 : i32
        %dma_wait3A_390 = tpu.memref_slice %arg5[%add3A, %div3A_361, %dma_wait3A_388, %dma_wait3A_389] : memref<32x18x5x112xf32, #tpu.memory_space<hbm>> -> memref<1x1x5x112xf32, #tpu.memory_space<hbm>>
        %dma_wait3A_391 = tpu.memref_squeeze %dma_wait3A_390 : memref<1x1x5x112xf32, #tpu.memory_space<hbm>> -> memref<5x112xf32, #tpu.memory_space<hbm>>
        %dma_wait3A_392 = arith.constant 0 : i32
        %dma_wait3A_393 = arith.constant 0 : i32
        %dma_wait3A_394 = tpu.memref_slice %arg10[%rem3A_363, %dma_wait3A_392, %dma_wait3A_393] : memref<2x5x112xf32, #tpu.memory_space<vmem>> -> memref<1x5x112xf32, #tpu.memory_space<vmem>>
        %dma_wait3A_395 = tpu.memref_squeeze %dma_wait3A_394 : memref<1x5x112xf32, #tpu.memory_space<vmem>> -> memref<5x112xf32, #tpu.memory_space<vmem>>
        %dma_wait3A_396 = arith.constant 0 : i32
        %dma_wait3A_397 = arith.constant 0 : i32
        %dma_wait3A_398 = tpu.memref_slice %arg5[%add3A, %div3A_361, %dma_wait3A_396, %dma_wait3A_397] : memref<32x18x5x112xf32, #tpu.memory_space<hbm>> -> memref<1x1x5x112xf32, #tpu.memory_space<hbm>>
        %dma_wait3A_399 = tpu.memref_squeeze %dma_wait3A_398 : memref<1x1x5x112xf32, #tpu.memory_space<hbm>> -> memref<5x112xf32, #tpu.memory_space<hbm>>
        tpu.wait_dma2 semaphore(%arg14 : memref<!tpu.dma_semaphore, #tpu.memory_space<semaphore_mem>>) src(%dma_wait3A_399 : memref<5x112xf32, #tpu.memory_space<hbm>>) dst(%dma_wait3A_395 : memref<5x112xf32, #tpu.memory_space<vmem>>)
      } else {
      }
      %add3A_326 = arith.constant 2 : i32
      %add3A_327 = arith.addi %scan3A_261, %add3A_326 : i32
      %lt3A_328 = arith.constant 90 : i32
      %lt3A_329 = arith.cmpi slt, %add3A_327, %lt3A_328 : i32
      %convert_element_type3A_330 = arith.extui %lt3A_329 : i1 to i32
      %cond3A_331 = arith.constant 0 : i32
      %cond3A_332 = arith.cmpi ne, %convert_element_type3A_330, %cond3A_331 : i32
      scf.if %cond3A_332 {
        %add3A_358 = arith.constant 2 : i32
        %add3A_359 = arith.addi %scan3A_261, %add3A_358 : i32
        %div3A_360 = arith.constant 5 : i32
        %div3A_361 = arith.divsi %add3A_359, %div3A_360 : i32
        %rem3A_362 = arith.constant 2 : i32
        %rem3A_363 = arith.remsi %div3A_361, %rem3A_362 : i32
        %rem3A_364 = arith.constant 5 : i32
        %rem3A_365 = arith.remsi %add3A_359, %rem3A_364 : i32
        %rem3A_366 = arith.constant 3 : i32
        %rem3A_367 = arith.remsi %add3A_359, %rem3A_366 : i32
        %mul3A_368 = arith.constant 112 : i32
        %mul3A_369 = arith.muli %rem3A_367, %mul3A_368 : i32
        %dma_start3A_370 = arith.constant 0 : i32
        %dma_start3A_371 = arith.constant 0 : i32
        %dma_start3A_372 = tpu.memref_slice %arg11[%mul3A_369, %dma_start3A_371] : memref<336x128xf32, #tpu.memory_space<vmem>> -> memref<112x128xf32, #tpu.memory_space<vmem>>
        %dma_start3A_373 = arith.constant 0 : i32
        %dma_start3A_374 = tpu.memref_slice %arg9[%rem3A_363, %rem3A_365, %dma_start3A_370, %dma_start3A_373] : memref<2x5x2x112xi32, #tpu.memory_space<vmem>> -> memref<1x1x1x112xi32, #tpu.memory_space<vmem>>
        %dma_start3A_375 = tpu.memref_squeeze %dma_start3A_374 : memref<1x1x1x112xi32, #tpu.memory_space<vmem>> -> memref<112xi32, #tpu.memory_space<vmem>>
        %dma_start3A_376 = arith.constant 0 : i32
        %dma_start3A_377 = arith.constant 0 : i32
        %dma_start3A_378 = tpu.memref_slice %arg2[%dma_start3A_376, %dma_start3A_377] : memref<10008x128xf32, #tpu.memory_space<hbm>> -> memref<10008x128xf32, #tpu.memory_space<hbm>>
        tpu.enqueue_indirect_dma source(%dma_start3A_378 : memref<10008x128xf32, #tpu.memory_space<hbm>>) target(%dma_start3A_372 : memref<112x128xf32, #tpu.memory_space<vmem>>) offsets(%dma_start3A_375 : memref<112xi32, #tpu.memory_space<vmem>>) semaphore(%arg15 : memref<!tpu.dma_semaphore, #tpu.memory_space<semaphore_mem>>)
      } else {
      }
      %scan3A_333 = arith.constant 0 : i32
      %scan3A_334 = arith.constant 0 : i32
      %scan3A_335 = arith.constant 7 : i32
      %scan3A_336 = arith.addi %scan3A_334, %scan3A_335 : i32
      %scan3A_337 = arith.constant 1 : i32
      scf.for %scan3A_358 = %scan3A_334 to %scan3A_336 step %scan3A_337  : i32 {
        %mul3A_359 = arith.constant 16 : i32
        %mul3A_360 = arith.muli %scan3A_358, %mul3A_359 : i32
        %get3A_361 = arith.index_cast %rem3A_269 : i32 to index
        %get3A_362 = arith.index_cast %rem3A_271 : i32 to index
        %get3A_363 = arith.index_cast %mul3A_360 : i32 to index
        %get3A_364 = tpu.vector_load %arg10[%get3A_361, %get3A_362, %get3A_363] {strides = array<i32>} : memref<2x5x112xf32, #tpu.memory_space<vmem>>, vector<1x1x16xf32>,
        %get3A_365 = vector.shape_cast %get3A_364 : vector<1x1x16xf32> to vector<16xf32>
        %slice3A = vector.extract_strided_slice %get3A_365 {offsets = [0], sizes = [1], strides = [1]} : vector<16xf32> to vector<1xf32>
        %squeeze3A = vector.extract %slice3A[0] : f32 from vector<1xf32>
        %broadcast_in_dim3A = vector.broadcast %squeeze3A : f32 to vector<16xf32>
        %mul3A_366 = arith.constant 16 : i32
        %mul3A_367 = arith.muli %scan3A_358, %mul3A_366 : i32
        %add3A_368 = arith.addi %mul3A_265, %mul3A_367 : i32
        %add3A_369 = arith.constant 0 : i32
        %add3A_370 = arith.addi %add3A_368, %add3A_369 : i32
        %get3A_371 = arith.index_cast %add3A_370 : i32 to index
        %get3A_372 = arith.constant 0 : index
        %get3A_373 = tpu.vector_load %arg11[%get3A_371, %get3A_372] {strides = array<i32>} : memref<336x128xf32, #tpu.memory_space<vmem>>, vector<1x16xf32>,
        %get3A_374 = vector.shape_cast %get3A_373 : vector<1x16xf32> to vector<16xf32>
        %mul3A_375 = arith.mulf %broadcast_in_dim3A, %get3A_4 : vector<16xf32>
        %add3A_376 = arith.addf %get3A_374, %mul3A_375 : vector<16xf32>
        %max3A = arith.constant 0.000000e+00 : f32
        %max3A_377 = vector.broadcast %max3A : f32 to vector<16xf32>
        %max3A_378 = arith.maximumf %add3A_376, %max3A_377 : vector<16xf32>
        %swap3A = arith.index_cast %add3A_370 : i32 to index
        %swap3A_379 = arith.constant 0 : index
        %swap3A_380 = tpu.vector_load %arg11[%swap3A, %swap3A_379] {strides = array<i32>} : memref<336x128xf32, #tpu.memory_space<vmem>>, vector<1x16xf32>,
        %swap3A_381 = vector.shape_cast %swap3A_380 : vector<1x16xf32> to vector<16xf32>
        %swap3A_382 = vector.shape_cast %max3A_378 : vector<16xf32> to vector<1x16xf32>
        tpu.vector_store %arg11[%swap3A, %swap3A_379], %swap3A_382 {strides = array<i32>} : memref<336x128xf32, #tpu.memory_space<vmem>>, vector<1x16xf32>,
        %get3A_383 = arith.index_cast %add3A_370 : i32 to index
        %get3A_384 = arith.constant 16 : index
        %get3A_385 = tpu.vector_load %arg11[%get3A_383, %get3A_384] {strides = array<i32>} : memref<336x128xf32, #tpu.memory_space<vmem>>, vector<1x16xf32>,
        %get3A_386 = vector.shape_cast %get3A_385 : vector<1x16xf32> to vector<16xf32>
        %mul3A_387 = arith.mulf %broadcast_in_dim3A, %get3A_7 : vector<16xf32>
        %add3A_388 = arith.addf %get3A_386, %mul3A_387 : vector<16xf32>
        %max3A_389 = arith.constant 0.000000e+00 : f32
        %max3A_390 = vector.broadcast %max3A_389 : f32 to vector<16xf32>
        %max3A_391 = arith.maximumf %add3A_388, %max3A_390 : vector<16xf32>
        %swap3A_392 = arith.index_cast %add3A_370 : i32 to index
        %swap3A_393 = arith.constant 16 : index
        %swap3A_394 = tpu.vector_load %arg11[%swap3A_392, %swap3A_393] {strides = array<i32>} : memref<336x128xf32, #tpu.memory_space<vmem>>, vector<1x16xf32>,
        %swap3A_395 = vector.shape_cast %swap3A_394 : vector<1x16xf32> to vector<16xf32>
        %swap3A_396 = vector.shape_cast %max3A_391 : vector<16xf32> to vector<1x16xf32>
        tpu.vector_store %arg11[%swap3A_392, %swap3A_393], %swap3A_396 {strides = array<i32>} : memref<336x128xf32, #tpu.memory_space<vmem>>, vector<1x16xf32>,
        %get3A_397 = arith.index_cast %add3A_370 : i32 to index
        %get3A_398 = arith.constant 32 : index
        %get3A_399 = tpu.vector_load %arg11[%get3A_397, %get3A_398] {strides = array<i32>} : memref<336x128xf32, #tpu.memory_space<vmem>>, vector<1x16xf32>,
        %get3A_400 = vector.shape_cast %get3A_399 : vector<1x16xf32> to vector<16xf32>
        %mul3A_401 = arith.mulf %broadcast_in_dim3A, %get3A_10 : vector<16xf32>
        %add3A_402 = arith.addf %get3A_400, %mul3A_401 : vector<16xf32>
        %max3A_403 = arith.constant 0.000000e+00 : f32
        %max3A_404 = vector.broadcast %max3A_403 : f32 to vector<16xf32>
        %max3A_405 = arith.maximumf %add3A_402, %max3A_404 : vector<16xf32>
        %swap3A_406 = arith.index_cast %add3A_370 : i32 to index
        %swap3A_407 = arith.constant 32 : index
        %swap3A_408 = tpu.vector_load %arg11[%swap3A_406, %swap3A_407] {strides = array<i32>} : memref<336x128xf32, #tpu.memory_space<vmem>>, vector<1x16xf32>,
        %swap3A_409 = vector.shape_cast %swap3A_408 : vector<1x16xf32> to vector<16xf32>
        %swap3A_410 = vector.shape_cast %max3A_405 : vector<16xf32> to vector<1x16xf32>
        tpu.vector_store %arg11[%swap3A_406, %swap3A_407], %swap3A_410 {strides = array<i32>} : memref<336x128xf32, #tpu.memory_space<vmem>>, vector<1x16xf32>,
        %get3A_411 = arith.index_cast %add3A_370 : i32 to index
        %get3A_412 = arith.constant 48 : index
        %get3A_413 = tpu.vector_load %arg11[%get3A_411, %get3A_412] {strides = array<i32>} : memref<336x128xf32, #tpu.memory_space<vmem>>, vector<1x16xf32>,
        %get3A_414 = vector.shape_cast %get3A_413 : vector<1x16xf32> to vector<16xf32>
        %mul3A_415 = arith.mulf %broadcast_in_dim3A, %get3A_13 : vector<16xf32>
        %add3A_416 = arith.addf %get3A_414, %mul3A_415 : vector<16xf32>
        %max3A_417 = arith.constant 0.000000e+00 : f32
        %max3A_418 = vector.broadcast %max3A_417 : f32 to vector<16xf32>
        %max3A_419 = arith.maximumf %add3A_416, %max3A_418 : vector<16xf32>
        %swap3A_420 = arith.index_cast %add3A_370 : i32 to index
        %swap3A_421 = arith.constant 48 : index
        %swap3A_422 = tpu.vector_load %arg11[%swap3A_420, %swap3A_421] {strides = array<i32>} : memref<336x128xf32, #tpu.memory_space<vmem>>, vector<1x16xf32>,
        %swap3A_423 = vector.shape_cast %swap3A_422 : vector<1x16xf32> to vector<16xf32>
        %swap3A_424 = vector.shape_cast %max3A_419 : vector<16xf32> to vector<1x16xf32>
        tpu.vector_store %arg11[%swap3A_420, %swap3A_421], %swap3A_424 {strides = array<i32>} : memref<336x128xf32, #tpu.memory_space<vmem>>, vector<1x16xf32>,
        %get3A_425 = arith.index_cast %add3A_370 : i32 to index
        %get3A_426 = arith.constant 64 : index
        %get3A_427 = tpu.vector_load %arg11[%get3A_425, %get3A_426] {strides = array<i32>} : memref<336x128xf32, #tpu.memory_space<vmem>>, vector<1x16xf32>,
        %get3A_428 = vector.shape_cast %get3A_427 : vector<1x16xf32> to vector<16xf32>
        %mul3A_429 = arith.mulf %broadcast_in_dim3A, %get3A_16 : vector<16xf32>
        %add3A_430 = arith.addf %get3A_428, %mul3A_429 : vector<16xf32>
        %max3A_431 = arith.constant 0.000000e+00 : f32
        %max3A_432 = vector.broadcast %max3A_431 : f32 to vector<16xf32>
        %max3A_433 = arith.maximumf %add3A_430, %max3A_432 : vector<16xf32>
        %swap3A_434 = arith.index_cast %add3A_370 : i32 to index
        %swap3A_435 = arith.constant 64 : index
        %swap3A_436 = tpu.vector_load %arg11[%swap3A_434, %swap3A_435] {strides = array<i32>} : memref<336x128xf32, #tpu.memory_space<vmem>>, vector<1x16xf32>,
        %swap3A_437 = vector.shape_cast %swap3A_436 : vector<1x16xf32> to vector<16xf32>
        %swap3A_438 = vector.shape_cast %max3A_433 : vector<16xf32> to vector<1x16xf32>
        tpu.vector_store %arg11[%swap3A_434, %swap3A_435], %swap3A_438 {strides = array<i32>} : memref<336x128xf32, #tpu.memory_space<vmem>>, vector<1x16xf32>,
        %get3A_439 = arith.index_cast %add3A_370 : i32 to index
        %get3A_440 = arith.constant 80 : index
        %get3A_441 = tpu.vector_load %arg11[%get3A_439, %get3A_440] {strides = array<i32>} : memref<336x128xf32, #tpu.memory_space<vmem>>, vector<1x16xf32>,
        %get3A_442 = vector.shape_cast %get3A_441 : vector<1x16xf32> to vector<16xf32>
        %mul3A_443 = arith.mulf %broadcast_in_dim3A, %get3A_19 : vector<16xf32>
        %add3A_444 = arith.addf %get3A_442, %mul3A_443 : vector<16xf32>
        %max3A_445 = arith.constant 0.000000e+00 : f32
        %max3A_446 = vector.broadcast %max3A_445 : f32 to vector<16xf32>
        %max3A_447 = arith.maximumf %add3A_444, %max3A_446 : vector<16xf32>
        %swap3A_448 = arith.index_cast %add3A_370 : i32 to index
        %swap3A_449 = arith.constant 80 : index
        %swap3A_450 = tpu.vector_load %arg11[%swap3A_448, %swap3A_449] {strides = array<i32>} : memref<336x128xf32, #tpu.memory_space<vmem>>, vector<1x16xf32>,
        %swap3A_451 = vector.shape_cast %swap3A_450 : vector<1x16xf32> to vector<16xf32>
        %swap3A_452 = vector.shape_cast %max3A_447 : vector<16xf32> to vector<1x16xf32>
        tpu.vector_store %arg11[%swap3A_448, %swap3A_449], %swap3A_452 {strides = array<i32>} : memref<336x128xf32, #tpu.memory_space<vmem>>, vector<1x16xf32>,
        %get3A_453 = arith.index_cast %add3A_370 : i32 to index
        %get3A_454 = arith.constant 96 : index
        %get3A_455 = tpu.vector_load %arg11[%get3A_453, %get3A_454] {strides = array<i32>} : memref<336x128xf32, #tpu.memory_space<vmem>>, vector<1x16xf32>,
        %get3A_456 = vector.shape_cast %get3A_455 : vector<1x16xf32> to vector<16xf32>
        %mul3A_457 = arith.mulf %broadcast_in_dim3A, %get3A_22 : vector<16xf32>
        %add3A_458 = arith.addf %get3A_456, %mul3A_457 : vector<16xf32>
        %max3A_459 = arith.constant 0.000000e+00 : f32
        %max3A_460 = vector.broadcast %max3A_459 : f32 to vector<16xf32>
        %max3A_461 = arith.maximumf %add3A_458, %max3A_460 : vector<16xf32>
        %swap3A_462 = arith.index_cast %add3A_370 : i32 to index
        %swap3A_463 = arith.constant 96 : index
        %swap3A_464 = tpu.vector_load %arg11[%swap3A_462, %swap3A_463] {strides = array<i32>} : memref<336x128xf32, #tpu.memory_space<vmem>>, vector<1x16xf32>,
        %swap3A_465 = vector.shape_cast %swap3A_464 : vector<1x16xf32> to vector<16xf32>
        %swap3A_466 = vector.shape_cast %max3A_461 : vector<16xf32> to vector<1x16xf32>
        tpu.vector_store %arg11[%swap3A_462, %swap3A_463], %swap3A_466 {strides = array<i32>} : memref<336x128xf32, #tpu.memory_space<vmem>>, vector<1x16xf32>,
        %get3A_467 = arith.index_cast %add3A_370 : i32 to index
        %get3A_468 = arith.constant 112 : index
        %get3A_469 = tpu.vector_load %arg11[%get3A_467, %get3A_468] {strides = array<i32>} : memref<336x128xf32, #tpu.memory_space<vmem>>, vector<1x16xf32>,
        %get3A_470 = vector.shape_cast %get3A_469 : vector<1x16xf32> to vector<16xf32>
        %mul3A_471 = arith.mulf %broadcast_in_dim3A, %get3A_25 : vector<16xf32>
        %add3A_472 = arith.addf %get3A_470, %mul3A_471 : vector<16xf32>
        %max3A_473 = arith.constant 0.000000e+00 : f32
        %max3A_474 = vector.broadcast %max3A_473 : f32 to vector<16xf32>
        %max3A_475 = arith.maximumf %add3A_472, %max3A_474 : vector<16xf32>
        %swap3A_476 = arith.index_cast %add3A_370 : i32 to index
        %swap3A_477 = arith.constant 112 : index
        %swap3A_478 = tpu.vector_load %arg11[%swap3A_476, %swap3A_477] {strides = array<i32>} : memref<336x128xf32, #tpu.memory_space<vmem>>, vector<1x16xf32>,
        %swap3A_479 = vector.shape_cast %swap3A_478 : vector<1x16xf32> to vector<16xf32>
        %swap3A_480 = vector.shape_cast %max3A_475 : vector<16xf32> to vector<1x16xf32>
        tpu.vector_store %arg11[%swap3A_476, %swap3A_477], %swap3A_480 {strides = array<i32>} : memref<336x128xf32, #tpu.memory_space<vmem>>, vector<1x16xf32>,
        %slice3A_481 = vector.extract_strided_slice %get3A_365 {offsets = [1], sizes = [1], strides = [1]} : vector<16xf32> to vector<1xf32>
        %squeeze3A_482 = vector.extract %slice3A_481[0] : f32 from vector<1xf32>
        %broadcast_in_dim3A_483 = vector.broadcast %squeeze3A_482 : f32 to vector<16xf32>
        %mul3A_484 = arith.constant 16 : i32
        %mul3A_485 = arith.muli %scan3A_358, %mul3A_484 : i32
        %add3A_486 = arith.addi %mul3A_265, %mul3A_485 : i32
        %add3A_487 = arith.constant 1 : i32
        %add3A_488 = arith.addi %add3A_486, %add3A_487 : i32
        %get3A_489 = arith.index_cast %add3A_488 : i32 to index
        %get3A_490 = arith.constant 0 : index
        %get3A_491 = tpu.vector_load %arg11[%get3A_489, %get3A_490] {strides = array<i32>} : memref<336x128xf32, #tpu.memory_space<vmem>>, vector<1x16xf32>,
        %get3A_492 = vector.shape_cast %get3A_491 : vector<1x16xf32> to vector<16xf32>
        %mul3A_493 = arith.mulf %broadcast_in_dim3A_483, %get3A_4 : vector<16xf32>
        %add3A_494 = arith.addf %get3A_492, %mul3A_493 : vector<16xf32>
        %max3A_495 = arith.constant 0.000000e+00 : f32
        %max3A_496 = vector.broadcast %max3A_495 : f32 to vector<16xf32>
        %max3A_497 = arith.maximumf %add3A_494, %max3A_496 : vector<16xf32>
        %swap3A_498 = arith.index_cast %add3A_488 : i32 to index
        %swap3A_499 = arith.constant 0 : index
        %swap3A_500 = tpu.vector_load %arg11[%swap3A_498, %swap3A_499] {strides = array<i32>} : memref<336x128xf32, #tpu.memory_space<vmem>>, vector<1x16xf32>,
        %swap3A_501 = vector.shape_cast %swap3A_500 : vector<1x16xf32> to vector<16xf32>
        %swap3A_502 = vector.shape_cast %max3A_497 : vector<16xf32> to vector<1x16xf32>
        tpu.vector_store %arg11[%swap3A_498, %swap3A_499], %swap3A_502 {strides = array<i32>} : memref<336x128xf32, #tpu.memory_space<vmem>>, vector<1x16xf32>,
        %get3A_503 = arith.index_cast %add3A_488 : i32 to index
        %get3A_504 = arith.constant 16 : index
        %get3A_505 = tpu.vector_load %arg11[%get3A_503, %get3A_504] {strides = array<i32>} : memref<336x128xf32, #tpu.memory_space<vmem>>, vector<1x16xf32>,
        %get3A_506 = vector.shape_cast %get3A_505 : vector<1x16xf32> to vector<16xf32>
        %mul3A_507 = arith.mulf %broadcast_in_dim3A_483, %get3A_7 : vector<16xf32>
        %add3A_508 = arith.addf %get3A_506, %mul3A_507 : vector<16xf32>
        %max3A_509 = arith.constant 0.000000e+00 : f32
        %max3A_510 = vector.broadcast %max3A_509 : f32 to vector<16xf32>
        %max3A_511 = arith.maximumf %add3A_508, %max3A_510 : vector<16xf32>
        %swap3A_512 = arith.index_cast %add3A_488 : i32 to index
        %swap3A_513 = arith.constant 16 : index
        %swap3A_514 = tpu.vector_load %arg11[%swap3A_512, %swap3A_513] {strides = array<i32>} : memref<336x128xf32, #tpu.memory_space<vmem>>, vector<1x16xf32>,
        %swap3A_515 = vector.shape_cast %swap3A_514 : vector<1x16xf32> to vector<16xf32>
        %swap3A_516 = vector.shape_cast %max3A_511 : vector<16xf32> to vector<1x16xf32>
        tpu.vector_store %arg11[%swap3A_512, %swap3A_513], %swap3A_516 {strides = array<i32>} : memref<336x128xf32, #tpu.memory_space<vmem>>, vector<1x16xf32>,
        %get3A_517 = arith.index_cast %add3A_488 : i32 to index
        %get3A_518 = arith.constant 32 : index
        %get3A_519 = tpu.vector_load %arg11[%get3A_517, %get3A_518] {strides = array<i32>} : memref<336x128xf32, #tpu.memory_space<vmem>>, vector<1x16xf32>,
        %get3A_520 = vector.shape_cast %get3A_519 : vector<1x16xf32> to vector<16xf32>
        %mul3A_521 = arith.mulf %broadcast_in_dim3A_483, %get3A_10 : vector<16xf32>
        %add3A_522 = arith.addf %get3A_520, %mul3A_521 : vector<16xf32>
        %max3A_523 = arith.constant 0.000000e+00 : f32
        %max3A_524 = vector.broadcast %max3A_523 : f32 to vector<16xf32>
        %max3A_525 = arith.maximumf %add3A_522, %max3A_524 : vector<16xf32>
        %swap3A_526 = arith.index_cast %add3A_488 : i32 to index
        %swap3A_527 = arith.constant 32 : index
        %swap3A_528 = tpu.vector_load %arg11[%swap3A_526, %swap3A_527] {strides = array<i32>} : memref<336x128xf32, #tpu.memory_space<vmem>>, vector<1x16xf32>,
        %swap3A_529 = vector.shape_cast %swap3A_528 : vector<1x16xf32> to vector<16xf32>
        %swap3A_530 = vector.shape_cast %max3A_525 : vector<16xf32> to vector<1x16xf32>
        tpu.vector_store %arg11[%swap3A_526, %swap3A_527], %swap3A_530 {strides = array<i32>} : memref<336x128xf32, #tpu.memory_space<vmem>>, vector<1x16xf32>,
        %get3A_531 = arith.index_cast %add3A_488 : i32 to index
        %get3A_532 = arith.constant 48 : index
        %get3A_533 = tpu.vector_load %arg11[%get3A_531, %get3A_532] {strides = array<i32>} : memref<336x128xf32, #tpu.memory_space<vmem>>, vector<1x16xf32>,
        %get3A_534 = vector.shape_cast %get3A_533 : vector<1x16xf32> to vector<16xf32>
        %mul3A_535 = arith.mulf %broadcast_in_dim3A_483, %get3A_13 : vector<16xf32>
        %add3A_536 = arith.addf %get3A_534, %mul3A_535 : vector<16xf32>
        %max3A_537 = arith.constant 0.000000e+00 : f32
        %max3A_538 = vector.broadcast %max3A_537 : f32 to vector<16xf32>
        %max3A_539 = arith.maximumf %add3A_536, %max3A_538 : vector<16xf32>
        %swap3A_540 = arith.index_cast %add3A_488 : i32 to index
        %swap3A_541 = arith.constant 48 : index
        %swap3A_542 = tpu.vector_load %arg11[%swap3A_540, %swap3A_541] {strides = array<i32>} : memref<336x128xf32, #tpu.memory_space<vmem>>, vector<1x16xf32>,
        %swap3A_543 = vector.shape_cast %swap3A_542 : vector<1x16xf32> to vector<16xf32>
        %swap3A_544 = vector.shape_cast %max3A_539 : vector<16xf32> to vector<1x16xf32>
        tpu.vector_store %arg11[%swap3A_540, %swap3A_541], %swap3A_544 {strides = array<i32>} : memref<336x128xf32, #tpu.memory_space<vmem>>, vector<1x16xf32>,
        %get3A_545 = arith.index_cast %add3A_488 : i32 to index
        %get3A_546 = arith.constant 64 : index
        %get3A_547 = tpu.vector_load %arg11[%get3A_545, %get3A_546] {strides = array<i32>} : memref<336x128xf32, #tpu.memory_space<vmem>>, vector<1x16xf32>,
        %get3A_548 = vector.shape_cast %get3A_547 : vector<1x16xf32> to vector<16xf32>
        %mul3A_549 = arith.mulf %broadcast_in_dim3A_483, %get3A_16 : vector<16xf32>
        %add3A_550 = arith.addf %get3A_548, %mul3A_549 : vector<16xf32>
        %max3A_551 = arith.constant 0.000000e+00 : f32
        %max3A_552 = vector.broadcast %max3A_551 : f32 to vector<16xf32>
        %max3A_553 = arith.maximumf %add3A_550, %max3A_552 : vector<16xf32>
        %swap3A_554 = arith.index_cast %add3A_488 : i32 to index
        %swap3A_555 = arith.constant 64 : index
        %swap3A_556 = tpu.vector_load %arg11[%swap3A_554, %swap3A_555] {strides = array<i32>} : memref<336x128xf32, #tpu.memory_space<vmem>>, vector<1x16xf32>,
        %swap3A_557 = vector.shape_cast %swap3A_556 : vector<1x16xf32> to vector<16xf32>
        %swap3A_558 = vector.shape_cast %max3A_553 : vector<16xf32> to vector<1x16xf32>
        tpu.vector_store %arg11[%swap3A_554, %swap3A_555], %swap3A_558 {strides = array<i32>} : memref<336x128xf32, #tpu.memory_space<vmem>>, vector<1x16xf32>,
        %get3A_559 = arith.index_cast %add3A_488 : i32 to index
        %get3A_560 = arith.constant 80 : index
        %get3A_561 = tpu.vector_load %arg11[%get3A_559, %get3A_560] {strides = array<i32>} : memref<336x128xf32, #tpu.memory_space<vmem>>, vector<1x16xf32>,
        %get3A_562 = vector.shape_cast %get3A_561 : vector<1x16xf32> to vector<16xf32>
        %mul3A_563 = arith.mulf %broadcast_in_dim3A_483, %get3A_19 : vector<16xf32>
        %add3A_564 = arith.addf %get3A_562, %mul3A_563 : vector<16xf32>
        %max3A_565 = arith.constant 0.000000e+00 : f32
        %max3A_566 = vector.broadcast %max3A_565 : f32 to vector<16xf32>
        %max3A_567 = arith.maximumf %add3A_564, %max3A_566 : vector<16xf32>
        %swap3A_568 = arith.index_cast %add3A_488 : i32 to index
        %swap3A_569 = arith.constant 80 : index
        %swap3A_570 = tpu.vector_load %arg11[%swap3A_568, %swap3A_569] {strides = array<i32>} : memref<336x128xf32, #tpu.memory_space<vmem>>, vector<1x16xf32>,
        %swap3A_571 = vector.shape_cast %swap3A_570 : vector<1x16xf32> to vector<16xf32>
        %swap3A_572 = vector.shape_cast %max3A_567 : vector<16xf32> to vector<1x16xf32>
        tpu.vector_store %arg11[%swap3A_568, %swap3A_569], %swap3A_572 {strides = array<i32>} : memref<336x128xf32, #tpu.memory_space<vmem>>, vector<1x16xf32>,
        %get3A_573 = arith.index_cast %add3A_488 : i32 to index
        %get3A_574 = arith.constant 96 : index
        %get3A_575 = tpu.vector_load %arg11[%get3A_573, %get3A_574] {strides = array<i32>} : memref<336x128xf32, #tpu.memory_space<vmem>>, vector<1x16xf32>,
        %get3A_576 = vector.shape_cast %get3A_575 : vector<1x16xf32> to vector<16xf32>
        %mul3A_577 = arith.mulf %broadcast_in_dim3A_483, %get3A_22 : vector<16xf32>
        %add3A_578 = arith.addf %get3A_576, %mul3A_577 : vector<16xf32>
        %max3A_579 = arith.constant 0.000000e+00 : f32
        %max3A_580 = vector.broadcast %max3A_579 : f32 to vector<16xf32>
        %max3A_581 = arith.maximumf %add3A_578, %max3A_580 : vector<16xf32>
        %swap3A_582 = arith.index_cast %add3A_488 : i32 to index
        %swap3A_583 = arith.constant 96 : index
        %swap3A_584 = tpu.vector_load %arg11[%swap3A_582, %swap3A_583] {strides = array<i32>} : memref<336x128xf32, #tpu.memory_space<vmem>>, vector<1x16xf32>,
        %swap3A_585 = vector.shape_cast %swap3A_584 : vector<1x16xf32> to vector<16xf32>
        %swap3A_586 = vector.shape_cast %max3A_581 : vector<16xf32> to vector<1x16xf32>
        tpu.vector_store %arg11[%swap3A_582, %swap3A_583], %swap3A_586 {strides = array<i32>} : memref<336x128xf32, #tpu.memory_space<vmem>>, vector<1x16xf32>,
        %get3A_587 = arith.index_cast %add3A_488 : i32 to index
        %get3A_588 = arith.constant 112 : index
        %get3A_589 = tpu.vector_load %arg11[%get3A_587, %get3A_588] {strides = array<i32>} : memref<336x128xf32, #tpu.memory_space<vmem>>, vector<1x16xf32>,
        %get3A_590 = vector.shape_cast %get3A_589 : vector<1x16xf32> to vector<16xf32>
        %mul3A_591 = arith.mulf %broadcast_in_dim3A_483, %get3A_25 : vector<16xf32>
        %add3A_592 = arith.addf %get3A_590, %mul3A_591 : vector<16xf32>
        %max3A_593 = arith.constant 0.000000e+00 : f32
        %max3A_594 = vector.broadcast %max3A_593 : f32 to vector<16xf32>
        %max3A_595 = arith.maximumf %add3A_592, %max3A_594 : vector<16xf32>
        %swap3A_596 = arith.index_cast %add3A_488 : i32 to index
        %swap3A_597 = arith.constant 112 : index
        %swap3A_598 = tpu.vector_load %arg11[%swap3A_596, %swap3A_597] {strides = array<i32>} : memref<336x128xf32, #tpu.memory_space<vmem>>, vector<1x16xf32>,
        %swap3A_599 = vector.shape_cast %swap3A_598 : vector<1x16xf32> to vector<16xf32>
        %swap3A_600 = vector.shape_cast %max3A_595 : vector<16xf32> to vector<1x16xf32>
        tpu.vector_store %arg11[%swap3A_596, %swap3A_597], %swap3A_600 {strides = array<i32>} : memref<336x128xf32, #tpu.memory_space<vmem>>, vector<1x16xf32>,
        %slice3A_601 = vector.extract_strided_slice %get3A_365 {offsets = [2], sizes = [1], strides = [1]} : vector<16xf32> to vector<1xf32>
        %squeeze3A_602 = vector.extract %slice3A_601[0] : f32 from vector<1xf32>
        %broadcast_in_dim3A_603 = vector.broadcast %squeeze3A_602 : f32 to vector<16xf32>
        %mul3A_604 = arith.constant 16 : i32
        %mul3A_605 = arith.muli %scan3A_358, %mul3A_604 : i32
        %add3A_606 = arith.addi %mul3A_265, %mul3A_605 : i32
        %add3A_607 = arith.constant 2 : i32
        %add3A_608 = arith.addi %add3A_606, %add3A_607 : i32
        %get3A_609 = arith.index_cast %add3A_608 : i32 to index
        %get3A_610 = arith.constant 0 : index
        %get3A_611 = tpu.vector_load %arg11[%get3A_609, %get3A_610] {strides = array<i32>} : memref<336x128xf32, #tpu.memory_space<vmem>>, vector<1x16xf32>,
        %get3A_612 = vector.shape_cast %get3A_611 : vector<1x16xf32> to vector<16xf32>
        %mul3A_613 = arith.mulf %broadcast_in_dim3A_603, %get3A_4 : vector<16xf32>
        %add3A_614 = arith.addf %get3A_612, %mul3A_613 : vector<16xf32>
        %max3A_615 = arith.constant 0.000000e+00 : f32
        %max3A_616 = vector.broadcast %max3A_615 : f32 to vector<16xf32>
        %max3A_617 = arith.maximumf %add3A_614, %max3A_616 : vector<16xf32>
        %swap3A_618 = arith.index_cast %add3A_608 : i32 to index
        %swap3A_619 = arith.constant 0 : index
        %swap3A_620 = tpu.vector_load %arg11[%swap3A_618, %swap3A_619] {strides = array<i32>} : memref<336x128xf32, #tpu.memory_space<vmem>>, vector<1x16xf32>,
        %swap3A_621 = vector.shape_cast %swap3A_620 : vector<1x16xf32> to vector<16xf32>
        %swap3A_622 = vector.shape_cast %max3A_617 : vector<16xf32> to vector<1x16xf32>
        tpu.vector_store %arg11[%swap3A_618, %swap3A_619], %swap3A_622 {strides = array<i32>} : memref<336x128xf32, #tpu.memory_space<vmem>>, vector<1x16xf32>,
        %get3A_623 = arith.index_cast %add3A_608 : i32 to index
        %get3A_624 = arith.constant 16 : index
        %get3A_625 = tpu.vector_load %arg11[%get3A_623, %get3A_624] {strides = array<i32>} : memref<336x128xf32, #tpu.memory_space<vmem>>, vector<1x16xf32>,
        %get3A_626 = vector.shape_cast %get3A_625 : vector<1x16xf32> to vector<16xf32>
        %mul3A_627 = arith.mulf %broadcast_in_dim3A_603, %get3A_7 : vector<16xf32>
        %add3A_628 = arith.addf %get3A_626, %mul3A_627 : vector<16xf32>
        %max3A_629 = arith.constant 0.000000e+00 : f32
        %max3A_630 = vector.broadcast %max3A_629 : f32 to vector<16xf32>
        %max3A_631 = arith.maximumf %add3A_628, %max3A_630 : vector<16xf32>
        %swap3A_632 = arith.index_cast %add3A_608 : i32 to index
        %swap3A_633 = arith.constant 16 : index
        %swap3A_634 = tpu.vector_load %arg11[%swap3A_632, %swap3A_633] {strides = array<i32>} : memref<336x128xf32, #tpu.memory_space<vmem>>, vector<1x16xf32>,
        %swap3A_635 = vector.shape_cast %swap3A_634 : vector<1x16xf32> to vector<16xf32>
        %swap3A_636 = vector.shape_cast %max3A_631 : vector<16xf32> to vector<1x16xf32>
        tpu.vector_store %arg11[%swap3A_632, %swap3A_633], %swap3A_636 {strides = array<i32>} : memref<336x128xf32, #tpu.memory_space<vmem>>, vector<1x16xf32>,
        %get3A_637 = arith.index_cast %add3A_608 : i32 to index
        %get3A_638 = arith.constant 32 : index
        %get3A_639 = tpu.vector_load %arg11[%get3A_637, %get3A_638] {strides = array<i32>} : memref<336x128xf32, #tpu.memory_space<vmem>>, vector<1x16xf32>,
        %get3A_640 = vector.shape_cast %get3A_639 : vector<1x16xf32> to vector<16xf32>
        %mul3A_641 = arith.mulf %broadcast_in_dim3A_603, %get3A_10 : vector<16xf32>
        %add3A_642 = arith.addf %get3A_640, %mul3A_641 : vector<16xf32>
        %max3A_643 = arith.constant 0.000000e+00 : f32
        %max3A_644 = vector.broadcast %max3A_643 : f32 to vector<16xf32>
        %max3A_645 = arith.maximumf %add3A_642, %max3A_644 : vector<16xf32>
        %swap3A_646 = arith.index_cast %add3A_608 : i32 to index
        %swap3A_647 = arith.constant 32 : index
        %swap3A_648 = tpu.vector_load %arg11[%swap3A_646, %swap3A_647] {strides = array<i32>} : memref<336x128xf32, #tpu.memory_space<vmem>>, vector<1x16xf32>,
        %swap3A_649 = vector.shape_cast %swap3A_648 : vector<1x16xf32> to vector<16xf32>
        %swap3A_650 = vector.shape_cast %max3A_645 : vector<16xf32> to vector<1x16xf32>
        tpu.vector_store %arg11[%swap3A_646, %swap3A_647], %swap3A_650 {strides = array<i32>} : memref<336x128xf32, #tpu.memory_space<vmem>>, vector<1x16xf32>,
        %get3A_651 = arith.index_cast %add3A_608 : i32 to index
        %get3A_652 = arith.constant 48 : index
        %get3A_653 = tpu.vector_load %arg11[%get3A_651, %get3A_652] {strides = array<i32>} : memref<336x128xf32, #tpu.memory_space<vmem>>, vector<1x16xf32>,
        %get3A_654 = vector.shape_cast %get3A_653 : vector<1x16xf32> to vector<16xf32>
        %mul3A_655 = arith.mulf %broadcast_in_dim3A_603, %get3A_13 : vector<16xf32>
        %add3A_656 = arith.addf %get3A_654, %mul3A_655 : vector<16xf32>
        %max3A_657 = arith.constant 0.000000e+00 : f32
        %max3A_658 = vector.broadcast %max3A_657 : f32 to vector<16xf32>
        %max3A_659 = arith.maximumf %add3A_656, %max3A_658 : vector<16xf32>
        %swap3A_660 = arith.index_cast %add3A_608 : i32 to index
        %swap3A_661 = arith.constant 48 : index
        %swap3A_662 = tpu.vector_load %arg11[%swap3A_660, %swap3A_661] {strides = array<i32>} : memref<336x128xf32, #tpu.memory_space<vmem>>, vector<1x16xf32>,
        %swap3A_663 = vector.shape_cast %swap3A_662 : vector<1x16xf32> to vector<16xf32>
        %swap3A_664 = vector.shape_cast %max3A_659 : vector<16xf32> to vector<1x16xf32>
        tpu.vector_store %arg11[%swap3A_660, %swap3A_661], %swap3A_664 {strides = array<i32>} : memref<336x128xf32, #tpu.memory_space<vmem>>, vector<1x16xf32>,
        %get3A_665 = arith.index_cast %add3A_608 : i32 to index
        %get3A_666 = arith.constant 64 : index
        %get3A_667 = tpu.vector_load %arg11[%get3A_665, %get3A_666] {strides = array<i32>} : memref<336x128xf32, #tpu.memory_space<vmem>>, vector<1x16xf32>,
        %get3A_668 = vector.shape_cast %get3A_667 : vector<1x16xf32> to vector<16xf32>
        %mul3A_669 = arith.mulf %broadcast_in_dim3A_603, %get3A_16 : vector<16xf32>
        %add3A_670 = arith.addf %get3A_668, %mul3A_669 : vector<16xf32>
        %max3A_671 = arith.constant 0.000000e+00 : f32
        %max3A_672 = vector.broadcast %max3A_671 : f32 to vector<16xf32>
        %max3A_673 = arith.maximumf %add3A_670, %max3A_672 : vector<16xf32>
        %swap3A_674 = arith.index_cast %add3A_608 : i32 to index
        %swap3A_675 = arith.constant 64 : index
        %swap3A_676 = tpu.vector_load %arg11[%swap3A_674, %swap3A_675] {strides = array<i32>} : memref<336x128xf32, #tpu.memory_space<vmem>>, vector<1x16xf32>,
        %swap3A_677 = vector.shape_cast %swap3A_676 : vector<1x16xf32> to vector<16xf32>
        %swap3A_678 = vector.shape_cast %max3A_673 : vector<16xf32> to vector<1x16xf32>
        tpu.vector_store %arg11[%swap3A_674, %swap3A_675], %swap3A_678 {strides = array<i32>} : memref<336x128xf32, #tpu.memory_space<vmem>>, vector<1x16xf32>,
        %get3A_679 = arith.index_cast %add3A_608 : i32 to index
        %get3A_680 = arith.constant 80 : index
        %get3A_681 = tpu.vector_load %arg11[%get3A_679, %get3A_680] {strides = array<i32>} : memref<336x128xf32, #tpu.memory_space<vmem>>, vector<1x16xf32>,
        %get3A_682 = vector.shape_cast %get3A_681 : vector<1x16xf32> to vector<16xf32>
        %mul3A_683 = arith.mulf %broadcast_in_dim3A_603, %get3A_19 : vector<16xf32>
        %add3A_684 = arith.addf %get3A_682, %mul3A_683 : vector<16xf32>
        %max3A_685 = arith.constant 0.000000e+00 : f32
        %max3A_686 = vector.broadcast %max3A_685 : f32 to vector<16xf32>
        %max3A_687 = arith.maximumf %add3A_684, %max3A_686 : vector<16xf32>
        %swap3A_688 = arith.index_cast %add3A_608 : i32 to index
        %swap3A_689 = arith.constant 80 : index
        %swap3A_690 = tpu.vector_load %arg11[%swap3A_688, %swap3A_689] {strides = array<i32>} : memref<336x128xf32, #tpu.memory_space<vmem>>, vector<1x16xf32>,
        %swap3A_691 = vector.shape_cast %swap3A_690 : vector<1x16xf32> to vector<16xf32>
        %swap3A_692 = vector.shape_cast %max3A_687 : vector<16xf32> to vector<1x16xf32>
        tpu.vector_store %arg11[%swap3A_688, %swap3A_689], %swap3A_692 {strides = array<i32>} : memref<336x128xf32, #tpu.memory_space<vmem>>, vector<1x16xf32>,
        %get3A_693 = arith.index_cast %add3A_608 : i32 to index
        %get3A_694 = arith.constant 96 : index
        %get3A_695 = tpu.vector_load %arg11[%get3A_693, %get3A_694] {strides = array<i32>} : memref<336x128xf32, #tpu.memory_space<vmem>>, vector<1x16xf32>,
        %get3A_696 = vector.shape_cast %get3A_695 : vector<1x16xf32> to vector<16xf32>
        %mul3A_697 = arith.mulf %broadcast_in_dim3A_603, %get3A_22 : vector<16xf32>
        %add3A_698 = arith.addf %get3A_696, %mul3A_697 : vector<16xf32>
        %max3A_699 = arith.constant 0.000000e+00 : f32
        %max3A_700 = vector.broadcast %max3A_699 : f32 to vector<16xf32>
        %max3A_701 = arith.maximumf %add3A_698, %max3A_700 : vector<16xf32>
        %swap3A_702 = arith.index_cast %add3A_608 : i32 to index
        %swap3A_703 = arith.constant 96 : index
        %swap3A_704 = tpu.vector_load %arg11[%swap3A_702, %swap3A_703] {strides = array<i32>} : memref<336x128xf32, #tpu.memory_space<vmem>>, vector<1x16xf32>,
        %swap3A_705 = vector.shape_cast %swap3A_704 : vector<1x16xf32> to vector<16xf32>
        %swap3A_706 = vector.shape_cast %max3A_701 : vector<16xf32> to vector<1x16xf32>
        tpu.vector_store %arg11[%swap3A_702, %swap3A_703], %swap3A_706 {strides = array<i32>} : memref<336x128xf32, #tpu.memory_space<vmem>>, vector<1x16xf32>,
        %get3A_707 = arith.index_cast %add3A_608 : i32 to index
        %get3A_708 = arith.constant 112 : index
        %get3A_709 = tpu.vector_load %arg11[%get3A_707, %get3A_708] {strides = array<i32>} : memref<336x128xf32, #tpu.memory_space<vmem>>, vector<1x16xf32>,
        %get3A_710 = vector.shape_cast %get3A_709 : vector<1x16xf32> to vector<16xf32>
        %mul3A_711 = arith.mulf %broadcast_in_dim3A_603, %get3A_25 : vector<16xf32>
        %add3A_712 = arith.addf %get3A_710, %mul3A_711 : vector<16xf32>
        %max3A_713 = arith.constant 0.000000e+00 : f32
        %max3A_714 = vector.broadcast %max3A_713 : f32 to vector<16xf32>
        %max3A_715 = arith.maximumf %add3A_712, %max3A_714 : vector<16xf32>
        %swap3A_716 = arith.index_cast %add3A_608 : i32 to index
        %swap3A_717 = arith.constant 112 : index
        %swap3A_718 = tpu.vector_load %arg11[%swap3A_716, %swap3A_717] {strides = array<i32>} : memref<336x128xf32, #tpu.memory_space<vmem>>, vector<1x16xf32>,
        %swap3A_719 = vector.shape_cast %swap3A_718 : vector<1x16xf32> to vector<16xf32>
        %swap3A_720 = vector.shape_cast %max3A_715 : vector<16xf32> to vector<1x16xf32>
        tpu.vector_store %arg11[%swap3A_716, %swap3A_717], %swap3A_720 {strides = array<i32>} : memref<336x128xf32, #tpu.memory_space<vmem>>, vector<1x16xf32>,
        %slice3A_721 = vector.extract_strided_slice %get3A_365 {offsets = [3], sizes = [1], strides = [1]} : vector<16xf32> to vector<1xf32>
        %squeeze3A_722 = vector.extract %slice3A_721[0] : f32 from vector<1xf32>
        %broadcast_in_dim3A_723 = vector.broadcast %squeeze3A_722 : f32 to vector<16xf32>
        %mul3A_724 = arith.constant 16 : i32
        %mul3A_725 = arith.muli %scan3A_358, %mul3A_724 : i32
        %add3A_726 = arith.addi %mul3A_265, %mul3A_725 : i32
        %add3A_727 = arith.constant 3 : i32
        %add3A_728 = arith.addi %add3A_726, %add3A_727 : i32
        %get3A_729 = arith.index_cast %add3A_728 : i32 to index
        %get3A_730 = arith.constant 0 : index
        %get3A_731 = tpu.vector_load %arg11[%get3A_729, %get3A_730] {strides = array<i32>} : memref<336x128xf32, #tpu.memory_space<vmem>>, vector<1x16xf32>,
        %get3A_732 = vector.shape_cast %get3A_731 : vector<1x16xf32> to vector<16xf32>
        %mul3A_733 = arith.mulf %broadcast_in_dim3A_723, %get3A_4 : vector<16xf32>
        %add3A_734 = arith.addf %get3A_732, %mul3A_733 : vector<16xf32>
        %max3A_735 = arith.constant 0.000000e+00 : f32
        %max3A_736 = vector.broadcast %max3A_735 : f32 to vector<16xf32>
        %max3A_737 = arith.maximumf %add3A_734, %max3A_736 : vector<16xf32>
        %swap3A_738 = arith.index_cast %add3A_728 : i32 to index
        %swap3A_739 = arith.constant 0 : index
        %swap3A_740 = tpu.vector_load %arg11[%swap3A_738, %swap3A_739] {strides = array<i32>} : memref<336x128xf32, #tpu.memory_space<vmem>>, vector<1x16xf32>,
        %swap3A_741 = vector.shape_cast %swap3A_740 : vector<1x16xf32> to vector<16xf32>
        %swap3A_742 = vector.shape_cast %max3A_737 : vector<16xf32> to vector<1x16xf32>
        tpu.vector_store %arg11[%swap3A_738, %swap3A_739], %swap3A_742 {strides = array<i32>} : memref<336x128xf32, #tpu.memory_space<vmem>>, vector<1x16xf32>,
        %get3A_743 = arith.index_cast %add3A_728 : i32 to index
        %get3A_744 = arith.constant 16 : index
        %get3A_745 = tpu.vector_load %arg11[%get3A_743, %get3A_744] {strides = array<i32>} : memref<336x128xf32, #tpu.memory_space<vmem>>, vector<1x16xf32>,
        %get3A_746 = vector.shape_cast %get3A_745 : vector<1x16xf32> to vector<16xf32>
        %mul3A_747 = arith.mulf %broadcast_in_dim3A_723, %get3A_7 : vector<16xf32>
        %add3A_748 = arith.addf %get3A_746, %mul3A_747 : vector<16xf32>
        %max3A_749 = arith.constant 0.000000e+00 : f32
        %max3A_750 = vector.broadcast %max3A_749 : f32 to vector<16xf32>
        %max3A_751 = arith.maximumf %add3A_748, %max3A_750 : vector<16xf32>
        %swap3A_752 = arith.index_cast %add3A_728 : i32 to index
        %swap3A_753 = arith.constant 16 : index
        %swap3A_754 = tpu.vector_load %arg11[%swap3A_752, %swap3A_753] {strides = array<i32>} : memref<336x128xf32, #tpu.memory_space<vmem>>, vector<1x16xf32>,
        %swap3A_755 = vector.shape_cast %swap3A_754 : vector<1x16xf32> to vector<16xf32>
        %swap3A_756 = vector.shape_cast %max3A_751 : vector<16xf32> to vector<1x16xf32>
        tpu.vector_store %arg11[%swap3A_752, %swap3A_753], %swap3A_756 {strides = array<i32>} : memref<336x128xf32, #tpu.memory_space<vmem>>, vector<1x16xf32>,
        %get3A_757 = arith.index_cast %add3A_728 : i32 to index
        %get3A_758 = arith.constant 32 : index
        %get3A_759 = tpu.vector_load %arg11[%get3A_757, %get3A_758] {strides = array<i32>} : memref<336x128xf32, #tpu.memory_space<vmem>>, vector<1x16xf32>,
        %get3A_760 = vector.shape_cast %get3A_759 : vector<1x16xf32> to vector<16xf32>
        %mul3A_761 = arith.mulf %broadcast_in_dim3A_723, %get3A_10 : vector<16xf32>
        %add3A_762 = arith.addf %get3A_760, %mul3A_761 : vector<16xf32>
        %max3A_763 = arith.constant 0.000000e+00 : f32
        %max3A_764 = vector.broadcast %max3A_763 : f32 to vector<16xf32>
        %max3A_765 = arith.maximumf %add3A_762, %max3A_764 : vector<16xf32>
        %swap3A_766 = arith.index_cast %add3A_728 : i32 to index
        %swap3A_767 = arith.constant 32 : index
        %swap3A_768 = tpu.vector_load %arg11[%swap3A_766, %swap3A_767] {strides = array<i32>} : memref<336x128xf32, #tpu.memory_space<vmem>>, vector<1x16xf32>,
        %swap3A_769 = vector.shape_cast %swap3A_768 : vector<1x16xf32> to vector<16xf32>
        %swap3A_770 = vector.shape_cast %max3A_765 : vector<16xf32> to vector<1x16xf32>
        tpu.vector_store %arg11[%swap3A_766, %swap3A_767], %swap3A_770 {strides = array<i32>} : memref<336x128xf32, #tpu.memory_space<vmem>>, vector<1x16xf32>,
        %get3A_771 = arith.index_cast %add3A_728 : i32 to index
        %get3A_772 = arith.constant 48 : index
        %get3A_773 = tpu.vector_load %arg11[%get3A_771, %get3A_772] {strides = array<i32>} : memref<336x128xf32, #tpu.memory_space<vmem>>, vector<1x16xf32>,
        %get3A_774 = vector.shape_cast %get3A_773 : vector<1x16xf32> to vector<16xf32>
        %mul3A_775 = arith.mulf %broadcast_in_dim3A_723, %get3A_13 : vector<16xf32>
        %add3A_776 = arith.addf %get3A_774, %mul3A_775 : vector<16xf32>
        %max3A_777 = arith.constant 0.000000e+00 : f32
        %max3A_778 = vector.broadcast %max3A_777 : f32 to vector<16xf32>
        %max3A_779 = arith.maximumf %add3A_776, %max3A_778 : vector<16xf32>
        %swap3A_780 = arith.index_cast %add3A_728 : i32 to index
        %swap3A_781 = arith.constant 48 : index
        %swap3A_782 = tpu.vector_load %arg11[%swap3A_780, %swap3A_781] {strides = array<i32>} : memref<336x128xf32, #tpu.memory_space<vmem>>, vector<1x16xf32>,
        %swap3A_783 = vector.shape_cast %swap3A_782 : vector<1x16xf32> to vector<16xf32>
        %swap3A_784 = vector.shape_cast %max3A_779 : vector<16xf32> to vector<1x16xf32>
        tpu.vector_store %arg11[%swap3A_780, %swap3A_781], %swap3A_784 {strides = array<i32>} : memref<336x128xf32, #tpu.memory_space<vmem>>, vector<1x16xf32>,
        %get3A_785 = arith.index_cast %add3A_728 : i32 to index
        %get3A_786 = arith.constant 64 : index
        %get3A_787 = tpu.vector_load %arg11[%get3A_785, %get3A_786] {strides = array<i32>} : memref<336x128xf32, #tpu.memory_space<vmem>>, vector<1x16xf32>,
        %get3A_788 = vector.shape_cast %get3A_787 : vector<1x16xf32> to vector<16xf32>
        %mul3A_789 = arith.mulf %broadcast_in_dim3A_723, %get3A_16 : vector<16xf32>
        %add3A_790 = arith.addf %get3A_788, %mul3A_789 : vector<16xf32>
        %max3A_791 = arith.constant 0.000000e+00 : f32
        %max3A_792 = vector.broadcast %max3A_791 : f32 to vector<16xf32>
        %max3A_793 = arith.maximumf %add3A_790, %max3A_792 : vector<16xf32>
        %swap3A_794 = arith.index_cast %add3A_728 : i32 to index
        %swap3A_795 = arith.constant 64 : index
        %swap3A_796 = tpu.vector_load %arg11[%swap3A_794, %swap3A_795] {strides = array<i32>} : memref<336x128xf32, #tpu.memory_space<vmem>>, vector<1x16xf32>,
        %swap3A_797 = vector.shape_cast %swap3A_796 : vector<1x16xf32> to vector<16xf32>
        %swap3A_798 = vector.shape_cast %max3A_793 : vector<16xf32> to vector<1x16xf32>
        tpu.vector_store %arg11[%swap3A_794, %swap3A_795], %swap3A_798 {strides = array<i32>} : memref<336x128xf32, #tpu.memory_space<vmem>>, vector<1x16xf32>,
        %get3A_799 = arith.index_cast %add3A_728 : i32 to index
        %get3A_800 = arith.constant 80 : index
        %get3A_801 = tpu.vector_load %arg11[%get3A_799, %get3A_800] {strides = array<i32>} : memref<336x128xf32, #tpu.memory_space<vmem>>, vector<1x16xf32>,
        %get3A_802 = vector.shape_cast %get3A_801 : vector<1x16xf32> to vector<16xf32>
        %mul3A_803 = arith.mulf %broadcast_in_dim3A_723, %get3A_19 : vector<16xf32>
        %add3A_804 = arith.addf %get3A_802, %mul3A_803 : vector<16xf32>
        %max3A_805 = arith.constant 0.000000e+00 : f32
        %max3A_806 = vector.broadcast %max3A_805 : f32 to vector<16xf32>
        %max3A_807 = arith.maximumf %add3A_804, %max3A_806 : vector<16xf32>
        %swap3A_808 = arith.index_cast %add3A_728 : i32 to index
        %swap3A_809 = arith.constant 80 : index
        %swap3A_810 = tpu.vector_load %arg11[%swap3A_808, %swap3A_809] {strides = array<i32>} : memref<336x128xf32, #tpu.memory_space<vmem>>, vector<1x16xf32>,
        %swap3A_811 = vector.shape_cast %swap3A_810 : vector<1x16xf32> to vector<16xf32>
        %swap3A_812 = vector.shape_cast %max3A_807 : vector<16xf32> to vector<1x16xf32>
        tpu.vector_store %arg11[%swap3A_808, %swap3A_809], %swap3A_812 {strides = array<i32>} : memref<336x128xf32, #tpu.memory_space<vmem>>, vector<1x16xf32>,
        %get3A_813 = arith.index_cast %add3A_728 : i32 to index
        %get3A_814 = arith.constant 96 : index
        %get3A_815 = tpu.vector_load %arg11[%get3A_813, %get3A_814] {strides = array<i32>} : memref<336x128xf32, #tpu.memory_space<vmem>>, vector<1x16xf32>,
        %get3A_816 = vector.shape_cast %get3A_815 : vector<1x16xf32> to vector<16xf32>
        %mul3A_817 = arith.mulf %broadcast_in_dim3A_723, %get3A_22 : vector<16xf32>
        %add3A_818 = arith.addf %get3A_816, %mul3A_817 : vector<16xf32>
        %max3A_819 = arith.constant 0.000000e+00 : f32
        %max3A_820 = vector.broadcast %max3A_819 : f32 to vector<16xf32>
        %max3A_821 = arith.maximumf %add3A_818, %max3A_820 : vector<16xf32>
        %swap3A_822 = arith.index_cast %add3A_728 : i32 to index
        %swap3A_823 = arith.constant 96 : index
        %swap3A_824 = tpu.vector_load %arg11[%swap3A_822, %swap3A_823] {strides = array<i32>} : memref<336x128xf32, #tpu.memory_space<vmem>>, vector<1x16xf32>,
        %swap3A_825 = vector.shape_cast %swap3A_824 : vector<1x16xf32> to vector<16xf32>
        %swap3A_826 = vector.shape_cast %max3A_821 : vector<16xf32> to vector<1x16xf32>
        tpu.vector_store %arg11[%swap3A_822, %swap3A_823], %swap3A_826 {strides = array<i32>} : memref<336x128xf32, #tpu.memory_space<vmem>>, vector<1x16xf32>,
        %get3A_827 = arith.index_cast %add3A_728 : i32 to index
        %get3A_828 = arith.constant 112 : index
        %get3A_829 = tpu.vector_load %arg11[%get3A_827, %get3A_828] {strides = array<i32>} : memref<336x128xf32, #tpu.memory_space<vmem>>, vector<1x16xf32>,
        %get3A_830 = vector.shape_cast %get3A_829 : vector<1x16xf32> to vector<16xf32>
        %mul3A_831 = arith.mulf %broadcast_in_dim3A_723, %get3A_25 : vector<16xf32>
        %add3A_832 = arith.addf %get3A_830, %mul3A_831 : vector<16xf32>
        %max3A_833 = arith.constant 0.000000e+00 : f32
        %max3A_834 = vector.broadcast %max3A_833 : f32 to vector<16xf32>
        %max3A_835 = arith.maximumf %add3A_832, %max3A_834 : vector<16xf32>
        %swap3A_836 = arith.index_cast %add3A_728 : i32 to index
        %swap3A_837 = arith.constant 112 : index
        %swap3A_838 = tpu.vector_load %arg11[%swap3A_836, %swap3A_837] {strides = array<i32>} : memref<336x128xf32, #tpu.memory_space<vmem>>, vector<1x16xf32>,
        %swap3A_839 = vector.shape_cast %swap3A_838 : vector<1x16xf32> to vector<16xf32>
        %swap3A_840 = vector.shape_cast %max3A_835 : vector<16xf32> to vector<1x16xf32>
        tpu.vector_store %arg11[%swap3A_836, %swap3A_837], %swap3A_840 {strides = array<i32>} : memref<336x128xf32, #tpu.memory_space<vmem>>, vector<1x16xf32>,
        %slice3A_841 = vector.extract_strided_slice %get3A_365 {offsets = [4], sizes = [1], strides = [1]} : vector<16xf32> to vector<1xf32>
        %squeeze3A_842 = vector.extract %slice3A_841[0] : f32 from vector<1xf32>
        %broadcast_in_dim3A_843 = vector.broadcast %squeeze3A_842 : f32 to vector<16xf32>
        %mul3A_844 = arith.constant 16 : i32
        %mul3A_845 = arith.muli %scan3A_358, %mul3A_844 : i32
        %add3A_846 = arith.addi %mul3A_265, %mul3A_845 : i32
        %add3A_847 = arith.constant 4 : i32
        %add3A_848 = arith.addi %add3A_846, %add3A_847 : i32
        %get3A_849 = arith.index_cast %add3A_848 : i32 to index
        %get3A_850 = arith.constant 0 : index
        %get3A_851 = tpu.vector_load %arg11[%get3A_849, %get3A_850] {strides = array<i32>} : memref<336x128xf32, #tpu.memory_space<vmem>>, vector<1x16xf32>,
        %get3A_852 = vector.shape_cast %get3A_851 : vector<1x16xf32> to vector<16xf32>
        %mul3A_853 = arith.mulf %broadcast_in_dim3A_843, %get3A_4 : vector<16xf32>
        %add3A_854 = arith.addf %get3A_852, %mul3A_853 : vector<16xf32>
        %max3A_855 = arith.constant 0.000000e+00 : f32
        %max3A_856 = vector.broadcast %max3A_855 : f32 to vector<16xf32>
        %max3A_857 = arith.maximumf %add3A_854, %max3A_856 : vector<16xf32>
        %swap3A_858 = arith.index_cast %add3A_848 : i32 to index
        %swap3A_859 = arith.constant 0 : index
        %swap3A_860 = tpu.vector_load %arg11[%swap3A_858, %swap3A_859] {strides = array<i32>} : memref<336x128xf32, #tpu.memory_space<vmem>>, vector<1x16xf32>,
        %swap3A_861 = vector.shape_cast %swap3A_860 : vector<1x16xf32> to vector<16xf32>
        %swap3A_862 = vector.shape_cast %max3A_857 : vector<16xf32> to vector<1x16xf32>
        tpu.vector_store %arg11[%swap3A_858, %swap3A_859], %swap3A_862 {strides = array<i32>} : memref<336x128xf32, #tpu.memory_space<vmem>>, vector<1x16xf32>,
        %get3A_863 = arith.index_cast %add3A_848 : i32 to index
        %get3A_864 = arith.constant 16 : index
        %get3A_865 = tpu.vector_load %arg11[%get3A_863, %get3A_864] {strides = array<i32>} : memref<336x128xf32, #tpu.memory_space<vmem>>, vector<1x16xf32>,
        %get3A_866 = vector.shape_cast %get3A_865 : vector<1x16xf32> to vector<16xf32>
        %mul3A_867 = arith.mulf %broadcast_in_dim3A_843, %get3A_7 : vector<16xf32>
        %add3A_868 = arith.addf %get3A_866, %mul3A_867 : vector<16xf32>
        %max3A_869 = arith.constant 0.000000e+00 : f32
        %max3A_870 = vector.broadcast %max3A_869 : f32 to vector<16xf32>
        %max3A_871 = arith.maximumf %add3A_868, %max3A_870 : vector<16xf32>
        %swap3A_872 = arith.index_cast %add3A_848 : i32 to index
        %swap3A_873 = arith.constant 16 : index
        %swap3A_874 = tpu.vector_load %arg11[%swap3A_872, %swap3A_873] {strides = array<i32>} : memref<336x128xf32, #tpu.memory_space<vmem>>, vector<1x16xf32>,
        %swap3A_875 = vector.shape_cast %swap3A_874 : vector<1x16xf32> to vector<16xf32>
        %swap3A_876 = vector.shape_cast %max3A_871 : vector<16xf32> to vector<1x16xf32>
        tpu.vector_store %arg11[%swap3A_872, %swap3A_873], %swap3A_876 {strides = array<i32>} : memref<336x128xf32, #tpu.memory_space<vmem>>, vector<1x16xf32>,
        %get3A_877 = arith.index_cast %add3A_848 : i32 to index
        %get3A_878 = arith.constant 32 : index
        %get3A_879 = tpu.vector_load %arg11[%get3A_877, %get3A_878] {strides = array<i32>} : memref<336x128xf32, #tpu.memory_space<vmem>>, vector<1x16xf32>,
        %get3A_880 = vector.shape_cast %get3A_879 : vector<1x16xf32> to vector<16xf32>
        %mul3A_881 = arith.mulf %broadcast_in_dim3A_843, %get3A_10 : vector<16xf32>
        %add3A_882 = arith.addf %get3A_880, %mul3A_881 : vector<16xf32>
        %max3A_883 = arith.constant 0.000000e+00 : f32
        %max3A_884 = vector.broadcast %max3A_883 : f32 to vector<16xf32>
        %max3A_885 = arith.maximumf %add3A_882, %max3A_884 : vector<16xf32>
        %swap3A_886 = arith.index_cast %add3A_848 : i32 to index
        %swap3A_887 = arith.constant 32 : index
        %swap3A_888 = tpu.vector_load %arg11[%swap3A_886, %swap3A_887] {strides = array<i32>} : memref<336x128xf32, #tpu.memory_space<vmem>>, vector<1x16xf32>,
        %swap3A_889 = vector.shape_cast %swap3A_888 : vector<1x16xf32> to vector<16xf32>
        %swap3A_890 = vector.shape_cast %max3A_885 : vector<16xf32> to vector<1x16xf32>
        tpu.vector_store %arg11[%swap3A_886, %swap3A_887], %swap3A_890 {strides = array<i32>} : memref<336x128xf32, #tpu.memory_space<vmem>>, vector<1x16xf32>,
        %get3A_891 = arith.index_cast %add3A_848 : i32 to index
        %get3A_892 = arith.constant 48 : index
        %get3A_893 = tpu.vector_load %arg11[%get3A_891, %get3A_892] {strides = array<i32>} : memref<336x128xf32, #tpu.memory_space<vmem>>, vector<1x16xf32>,
        %get3A_894 = vector.shape_cast %get3A_893 : vector<1x16xf32> to vector<16xf32>
        %mul3A_895 = arith.mulf %broadcast_in_dim3A_843, %get3A_13 : vector<16xf32>
        %add3A_896 = arith.addf %get3A_894, %mul3A_895 : vector<16xf32>
        %max3A_897 = arith.constant 0.000000e+00 : f32
        %max3A_898 = vector.broadcast %max3A_897 : f32 to vector<16xf32>
        %max3A_899 = arith.maximumf %add3A_896, %max3A_898 : vector<16xf32>
        %swap3A_900 = arith.index_cast %add3A_848 : i32 to index
        %swap3A_901 = arith.constant 48 : index
        %swap3A_902 = tpu.vector_load %arg11[%swap3A_900, %swap3A_901] {strides = array<i32>} : memref<336x128xf32, #tpu.memory_space<vmem>>, vector<1x16xf32>,
        %swap3A_903 = vector.shape_cast %swap3A_902 : vector<1x16xf32> to vector<16xf32>
        %swap3A_904 = vector.shape_cast %max3A_899 : vector<16xf32> to vector<1x16xf32>
        tpu.vector_store %arg11[%swap3A_900, %swap3A_901], %swap3A_904 {strides = array<i32>} : memref<336x128xf32, #tpu.memory_space<vmem>>, vector<1x16xf32>,
        %get3A_905 = arith.index_cast %add3A_848 : i32 to index
        %get3A_906 = arith.constant 64 : index
        %get3A_907 = tpu.vector_load %arg11[%get3A_905, %get3A_906] {strides = array<i32>} : memref<336x128xf32, #tpu.memory_space<vmem>>, vector<1x16xf32>,
        %get3A_908 = vector.shape_cast %get3A_907 : vector<1x16xf32> to vector<16xf32>
        %mul3A_909 = arith.mulf %broadcast_in_dim3A_843, %get3A_16 : vector<16xf32>
        %add3A_910 = arith.addf %get3A_908, %mul3A_909 : vector<16xf32>
        %max3A_911 = arith.constant 0.000000e+00 : f32
        %max3A_912 = vector.broadcast %max3A_911 : f32 to vector<16xf32>
        %max3A_913 = arith.maximumf %add3A_910, %max3A_912 : vector<16xf32>
        %swap3A_914 = arith.index_cast %add3A_848 : i32 to index
        %swap3A_915 = arith.constant 64 : index
        %swap3A_916 = tpu.vector_load %arg11[%swap3A_914, %swap3A_915] {strides = array<i32>} : memref<336x128xf32, #tpu.memory_space<vmem>>, vector<1x16xf32>,
        %swap3A_917 = vector.shape_cast %swap3A_916 : vector<1x16xf32> to vector<16xf32>
        %swap3A_918 = vector.shape_cast %max3A_913 : vector<16xf32> to vector<1x16xf32>
        tpu.vector_store %arg11[%swap3A_914, %swap3A_915], %swap3A_918 {strides = array<i32>} : memref<336x128xf32, #tpu.memory_space<vmem>>, vector<1x16xf32>,
        %get3A_919 = arith.index_cast %add3A_848 : i32 to index
        %get3A_920 = arith.constant 80 : index
        %get3A_921 = tpu.vector_load %arg11[%get3A_919, %get3A_920] {strides = array<i32>} : memref<336x128xf32, #tpu.memory_space<vmem>>, vector<1x16xf32>,
        %get3A_922 = vector.shape_cast %get3A_921 : vector<1x16xf32> to vector<16xf32>
        %mul3A_923 = arith.mulf %broadcast_in_dim3A_843, %get3A_19 : vector<16xf32>
        %add3A_924 = arith.addf %get3A_922, %mul3A_923 : vector<16xf32>
        %max3A_925 = arith.constant 0.000000e+00 : f32
        %max3A_926 = vector.broadcast %max3A_925 : f32 to vector<16xf32>
        %max3A_927 = arith.maximumf %add3A_924, %max3A_926 : vector<16xf32>
        %swap3A_928 = arith.index_cast %add3A_848 : i32 to index
        %swap3A_929 = arith.constant 80 : index
        %swap3A_930 = tpu.vector_load %arg11[%swap3A_928, %swap3A_929] {strides = array<i32>} : memref<336x128xf32, #tpu.memory_space<vmem>>, vector<1x16xf32>,
        %swap3A_931 = vector.shape_cast %swap3A_930 : vector<1x16xf32> to vector<16xf32>
        %swap3A_932 = vector.shape_cast %max3A_927 : vector<16xf32> to vector<1x16xf32>
        tpu.vector_store %arg11[%swap3A_928, %swap3A_929], %swap3A_932 {strides = array<i32>} : memref<336x128xf32, #tpu.memory_space<vmem>>, vector<1x16xf32>,
        %get3A_933 = arith.index_cast %add3A_848 : i32 to index
        %get3A_934 = arith.constant 96 : index
        %get3A_935 = tpu.vector_load %arg11[%get3A_933, %get3A_934] {strides = array<i32>} : memref<336x128xf32, #tpu.memory_space<vmem>>, vector<1x16xf32>,
        %get3A_936 = vector.shape_cast %get3A_935 : vector<1x16xf32> to vector<16xf32>
        %mul3A_937 = arith.mulf %broadcast_in_dim3A_843, %get3A_22 : vector<16xf32>
        %add3A_938 = arith.addf %get3A_936, %mul3A_937 : vector<16xf32>
        %max3A_939 = arith.constant 0.000000e+00 : f32
        %max3A_940 = vector.broadcast %max3A_939 : f32 to vector<16xf32>
        %max3A_941 = arith.maximumf %add3A_938, %max3A_940 : vector<16xf32>
        %swap3A_942 = arith.index_cast %add3A_848 : i32 to index
        %swap3A_943 = arith.constant 96 : index
        %swap3A_944 = tpu.vector_load %arg11[%swap3A_942, %swap3A_943] {strides = array<i32>} : memref<336x128xf32, #tpu.memory_space<vmem>>, vector<1x16xf32>,
        %swap3A_945 = vector.shape_cast %swap3A_944 : vector<1x16xf32> to vector<16xf32>
        %swap3A_946 = vector.shape_cast %max3A_941 : vector<16xf32> to vector<1x16xf32>
        tpu.vector_store %arg11[%swap3A_942, %swap3A_943], %swap3A_946 {strides = array<i32>} : memref<336x128xf32, #tpu.memory_space<vmem>>, vector<1x16xf32>,
        %get3A_947 = arith.index_cast %add3A_848 : i32 to index
        %get3A_948 = arith.constant 112 : index
        %get3A_949 = tpu.vector_load %arg11[%get3A_947, %get3A_948] {strides = array<i32>} : memref<336x128xf32, #tpu.memory_space<vmem>>, vector<1x16xf32>,
        %get3A_950 = vector.shape_cast %get3A_949 : vector<1x16xf32> to vector<16xf32>
        %mul3A_951 = arith.mulf %broadcast_in_dim3A_843, %get3A_25 : vector<16xf32>
        %add3A_952 = arith.addf %get3A_950, %mul3A_951 : vector<16xf32>
        %max3A_953 = arith.constant 0.000000e+00 : f32
        %max3A_954 = vector.broadcast %max3A_953 : f32 to vector<16xf32>
        %max3A_955 = arith.maximumf %add3A_952, %max3A_954 : vector<16xf32>
        %swap3A_956 = arith.index_cast %add3A_848 : i32 to index
        %swap3A_957 = arith.constant 112 : index
        %swap3A_958 = tpu.vector_load %arg11[%swap3A_956, %swap3A_957] {strides = array<i32>} : memref<336x128xf32, #tpu.memory_space<vmem>>, vector<1x16xf32>,
        %swap3A_959 = vector.shape_cast %swap3A_958 : vector<1x16xf32> to vector<16xf32>
        %swap3A_960 = vector.shape_cast %max3A_955 : vector<16xf32> to vector<1x16xf32>
        tpu.vector_store %arg11[%swap3A_956, %swap3A_957], %swap3A_960 {strides = array<i32>} : memref<336x128xf32, #tpu.memory_space<vmem>>, vector<1x16xf32>,
        %slice3A_961 = vector.extract_strided_slice %get3A_365 {offsets = [5], sizes = [1], strides = [1]} : vector<16xf32> to vector<1xf32>
        %squeeze3A_962 = vector.extract %slice3A_961[0] : f32 from vector<1xf32>
        %broadcast_in_dim3A_963 = vector.broadcast %squeeze3A_962 : f32 to vector<16xf32>
        %mul3A_964 = arith.constant 16 : i32
        %mul3A_965 = arith.muli %scan3A_358, %mul3A_964 : i32
        %add3A_966 = arith.addi %mul3A_265, %mul3A_965 : i32
        %add3A_967 = arith.constant 5 : i32
        %add3A_968 = arith.addi %add3A_966, %add3A_967 : i32
        %get3A_969 = arith.index_cast %add3A_968 : i32 to index
        %get3A_970 = arith.constant 0 : index
        %get3A_971 = tpu.vector_load %arg11[%get3A_969, %get3A_970] {strides = array<i32>} : memref<336x128xf32, #tpu.memory_space<vmem>>, vector<1x16xf32>,
        %get3A_972 = vector.shape_cast %get3A_971 : vector<1x16xf32> to vector<16xf32>
        %mul3A_973 = arith.mulf %broadcast_in_dim3A_963, %get3A_4 : vector<16xf32>
        %add3A_974 = arith.addf %get3A_972, %mul3A_973 : vector<16xf32>
        %max3A_975 = arith.constant 0.000000e+00 : f32
        %max3A_976 = vector.broadcast %max3A_975 : f32 to vector<16xf32>
        %max3A_977 = arith.maximumf %add3A_974, %max3A_976 : vector<16xf32>
        %swap3A_978 = arith.index_cast %add3A_968 : i32 to index
        %swap3A_979 = arith.constant 0 : index
        %swap3A_980 = tpu.vector_load %arg11[%swap3A_978, %swap3A_979] {strides = array<i32>} : memref<336x128xf32, #tpu.memory_space<vmem>>, vector<1x16xf32>,
        %swap3A_981 = vector.shape_cast %swap3A_980 : vector<1x16xf32> to vector<16xf32>
        %swap3A_982 = vector.shape_cast %max3A_977 : vector<16xf32> to vector<1x16xf32>
        tpu.vector_store %arg11[%swap3A_978, %swap3A_979], %swap3A_982 {strides = array<i32>} : memref<336x128xf32, #tpu.memory_space<vmem>>, vector<1x16xf32>,
        %get3A_983 = arith.index_cast %add3A_968 : i32 to index
        %get3A_984 = arith.constant 16 : index
        %get3A_985 = tpu.vector_load %arg11[%get3A_983, %get3A_984] {strides = array<i32>} : memref<336x128xf32, #tpu.memory_space<vmem>>, vector<1x16xf32>,
        %get3A_986 = vector.shape_cast %get3A_985 : vector<1x16xf32> to vector<16xf32>
        %mul3A_987 = arith.mulf %broadcast_in_dim3A_963, %get3A_7 : vector<16xf32>
        %add3A_988 = arith.addf %get3A_986, %mul3A_987 : vector<16xf32>
        %max3A_989 = arith.constant 0.000000e+00 : f32
        %max3A_990 = vector.broadcast %max3A_989 : f32 to vector<16xf32>
        %max3A_991 = arith.maximumf %add3A_988, %max3A_990 : vector<16xf32>
        %swap3A_992 = arith.index_cast %add3A_968 : i32 to index
        %swap3A_993 = arith.constant 16 : index
        %swap3A_994 = tpu.vector_load %arg11[%swap3A_992, %swap3A_993] {strides = array<i32>} : memref<336x128xf32, #tpu.memory_space<vmem>>, vector<1x16xf32>,
        %swap3A_995 = vector.shape_cast %swap3A_994 : vector<1x16xf32> to vector<16xf32>
        %swap3A_996 = vector.shape_cast %max3A_991 : vector<16xf32> to vector<1x16xf32>
        tpu.vector_store %arg11[%swap3A_992, %swap3A_993], %swap3A_996 {strides = array<i32>} : memref<336x128xf32, #tpu.memory_space<vmem>>, vector<1x16xf32>,
        %get3A_997 = arith.index_cast %add3A_968 : i32 to index
        %get3A_998 = arith.constant 32 : index
        %get3A_999 = tpu.vector_load %arg11[%get3A_997, %get3A_998] {strides = array<i32>} : memref<336x128xf32, #tpu.memory_space<vmem>>, vector<1x16xf32>,
        %get3A_1000 = vector.shape_cast %get3A_999 : vector<1x16xf32> to vector<16xf32>
        %mul3A_1001 = arith.mulf %broadcast_in_dim3A_963, %get3A_10 : vector<16xf32>
        %add3A_1002 = arith.addf %get3A_1000, %mul3A_1001 : vector<16xf32>
        %max3A_1003 = arith.constant 0.000000e+00 : f32
        %max3A_1004 = vector.broadcast %max3A_1003 : f32 to vector<16xf32>
        %max3A_1005 = arith.maximumf %add3A_1002, %max3A_1004 : vector<16xf32>
        %swap3A_1006 = arith.index_cast %add3A_968 : i32 to index
        %swap3A_1007 = arith.constant 32 : index
        %swap3A_1008 = tpu.vector_load %arg11[%swap3A_1006, %swap3A_1007] {strides = array<i32>} : memref<336x128xf32, #tpu.memory_space<vmem>>, vector<1x16xf32>,
        %swap3A_1009 = vector.shape_cast %swap3A_1008 : vector<1x16xf32> to vector<16xf32>
        %swap3A_1010 = vector.shape_cast %max3A_1005 : vector<16xf32> to vector<1x16xf32>
        tpu.vector_store %arg11[%swap3A_1006, %swap3A_1007], %swap3A_1010 {strides = array<i32>} : memref<336x128xf32, #tpu.memory_space<vmem>>, vector<1x16xf32>,
        %get3A_1011 = arith.index_cast %add3A_968 : i32 to index
        %get3A_1012 = arith.constant 48 : index
        %get3A_1013 = tpu.vector_load %arg11[%get3A_1011, %get3A_1012] {strides = array<i32>} : memref<336x128xf32, #tpu.memory_space<vmem>>, vector<1x16xf32>,
        %get3A_1014 = vector.shape_cast %get3A_1013 : vector<1x16xf32> to vector<16xf32>
        %mul3A_1015 = arith.mulf %broadcast_in_dim3A_963, %get3A_13 : vector<16xf32>
        %add3A_1016 = arith.addf %get3A_1014, %mul3A_1015 : vector<16xf32>
        %max3A_1017 = arith.constant 0.000000e+00 : f32
        %max3A_1018 = vector.broadcast %max3A_1017 : f32 to vector<16xf32>
        %max3A_1019 = arith.maximumf %add3A_1016, %max3A_1018 : vector<16xf32>
        %swap3A_1020 = arith.index_cast %add3A_968 : i32 to index
        %swap3A_1021 = arith.constant 48 : index
        %swap3A_1022 = tpu.vector_load %arg11[%swap3A_1020, %swap3A_1021] {strides = array<i32>} : memref<336x128xf32, #tpu.memory_space<vmem>>, vector<1x16xf32>,
        %swap3A_1023 = vector.shape_cast %swap3A_1022 : vector<1x16xf32> to vector<16xf32>
        %swap3A_1024 = vector.shape_cast %max3A_1019 : vector<16xf32> to vector<1x16xf32>
        tpu.vector_store %arg11[%swap3A_1020, %swap3A_1021], %swap3A_1024 {strides = array<i32>} : memref<336x128xf32, #tpu.memory_space<vmem>>, vector<1x16xf32>,
        %get3A_1025 = arith.index_cast %add3A_968 : i32 to index
        %get3A_1026 = arith.constant 64 : index
        %get3A_1027 = tpu.vector_load %arg11[%get3A_1025, %get3A_1026] {strides = array<i32>} : memref<336x128xf32, #tpu.memory_space<vmem>>, vector<1x16xf32>,
        %get3A_1028 = vector.shape_cast %get3A_1027 : vector<1x16xf32> to vector<16xf32>
        %mul3A_1029 = arith.mulf %broadcast_in_dim3A_963, %get3A_16 : vector<16xf32>
        %add3A_1030 = arith.addf %get3A_1028, %mul3A_1029 : vector<16xf32>
        %max3A_1031 = arith.constant 0.000000e+00 : f32
        %max3A_1032 = vector.broadcast %max3A_1031 : f32 to vector<16xf32>
        %max3A_1033 = arith.maximumf %add3A_1030, %max3A_1032 : vector<16xf32>
        %swap3A_1034 = arith.index_cast %add3A_968 : i32 to index
        %swap3A_1035 = arith.constant 64 : index
        %swap3A_1036 = tpu.vector_load %arg11[%swap3A_1034, %swap3A_1035] {strides = array<i32>} : memref<336x128xf32, #tpu.memory_space<vmem>>, vector<1x16xf32>,
        %swap3A_1037 = vector.shape_cast %swap3A_1036 : vector<1x16xf32> to vector<16xf32>
        %swap3A_1038 = vector.shape_cast %max3A_1033 : vector<16xf32> to vector<1x16xf32>
        tpu.vector_store %arg11[%swap3A_1034, %swap3A_1035], %swap3A_1038 {strides = array<i32>} : memref<336x128xf32, #tpu.memory_space<vmem>>, vector<1x16xf32>,
        %get3A_1039 = arith.index_cast %add3A_968 : i32 to index
        %get3A_1040 = arith.constant 80 : index
        %get3A_1041 = tpu.vector_load %arg11[%get3A_1039, %get3A_1040] {strides = array<i32>} : memref<336x128xf32, #tpu.memory_space<vmem>>, vector<1x16xf32>,
        %get3A_1042 = vector.shape_cast %get3A_1041 : vector<1x16xf32> to vector<16xf32>
        %mul3A_1043 = arith.mulf %broadcast_in_dim3A_963, %get3A_19 : vector<16xf32>
        %add3A_1044 = arith.addf %get3A_1042, %mul3A_1043 : vector<16xf32>
        %max3A_1045 = arith.constant 0.000000e+00 : f32
        %max3A_1046 = vector.broadcast %max3A_1045 : f32 to vector<16xf32>
        %max3A_1047 = arith.maximumf %add3A_1044, %max3A_1046 : vector<16xf32>
        %swap3A_1048 = arith.index_cast %add3A_968 : i32 to index
        %swap3A_1049 = arith.constant 80 : index
        %swap3A_1050 = tpu.vector_load %arg11[%swap3A_1048, %swap3A_1049] {strides = array<i32>} : memref<336x128xf32, #tpu.memory_space<vmem>>, vector<1x16xf32>,
        %swap3A_1051 = vector.shape_cast %swap3A_1050 : vector<1x16xf32> to vector<16xf32>
        %swap3A_1052 = vector.shape_cast %max3A_1047 : vector<16xf32> to vector<1x16xf32>
        tpu.vector_store %arg11[%swap3A_1048, %swap3A_1049], %swap3A_1052 {strides = array<i32>} : memref<336x128xf32, #tpu.memory_space<vmem>>, vector<1x16xf32>,
        %get3A_1053 = arith.index_cast %add3A_968 : i32 to index
        %get3A_1054 = arith.constant 96 : index
        %get3A_1055 = tpu.vector_load %arg11[%get3A_1053, %get3A_1054] {strides = array<i32>} : memref<336x128xf32, #tpu.memory_space<vmem>>, vector<1x16xf32>,
        %get3A_1056 = vector.shape_cast %get3A_1055 : vector<1x16xf32> to vector<16xf32>
        %mul3A_1057 = arith.mulf %broadcast_in_dim3A_963, %get3A_22 : vector<16xf32>
        %add3A_1058 = arith.addf %get3A_1056, %mul3A_1057 : vector<16xf32>
        %max3A_1059 = arith.constant 0.000000e+00 : f32
        %max3A_1060 = vector.broadcast %max3A_1059 : f32 to vector<16xf32>
        %max3A_1061 = arith.maximumf %add3A_1058, %max3A_1060 : vector<16xf32>
        %swap3A_1062 = arith.index_cast %add3A_968 : i32 to index
        %swap3A_1063 = arith.constant 96 : index
        %swap3A_1064 = tpu.vector_load %arg11[%swap3A_1062, %swap3A_1063] {strides = array<i32>} : memref<336x128xf32, #tpu.memory_space<vmem>>, vector<1x16xf32>,
        %swap3A_1065 = vector.shape_cast %swap3A_1064 : vector<1x16xf32> to vector<16xf32>
        %swap3A_1066 = vector.shape_cast %max3A_1061 : vector<16xf32> to vector<1x16xf32>
        tpu.vector_store %arg11[%swap3A_1062, %swap3A_1063], %swap3A_1066 {strides = array<i32>} : memref<336x128xf32, #tpu.memory_space<vmem>>, vector<1x16xf32>,
        %get3A_1067 = arith.index_cast %add3A_968 : i32 to index
        %get3A_1068 = arith.constant 112 : index
        %get3A_1069 = tpu.vector_load %arg11[%get3A_1067, %get3A_1068] {strides = array<i32>} : memref<336x128xf32, #tpu.memory_space<vmem>>, vector<1x16xf32>,
        %get3A_1070 = vector.shape_cast %get3A_1069 : vector<1x16xf32> to vector<16xf32>
        %mul3A_1071 = arith.mulf %broadcast_in_dim3A_963, %get3A_25 : vector<16xf32>
        %add3A_1072 = arith.addf %get3A_1070, %mul3A_1071 : vector<16xf32>
        %max3A_1073 = arith.constant 0.000000e+00 : f32
        %max3A_1074 = vector.broadcast %max3A_1073 : f32 to vector<16xf32>
        %max3A_1075 = arith.maximumf %add3A_1072, %max3A_1074 : vector<16xf32>
        %swap3A_1076 = arith.index_cast %add3A_968 : i32 to index
        %swap3A_1077 = arith.constant 112 : index
        %swap3A_1078 = tpu.vector_load %arg11[%swap3A_1076, %swap3A_1077] {strides = array<i32>} : memref<336x128xf32, #tpu.memory_space<vmem>>, vector<1x16xf32>,
        %swap3A_1079 = vector.shape_cast %swap3A_1078 : vector<1x16xf32> to vector<16xf32>
        %swap3A_1080 = vector.shape_cast %max3A_1075 : vector<16xf32> to vector<1x16xf32>
        tpu.vector_store %arg11[%swap3A_1076, %swap3A_1077], %swap3A_1080 {strides = array<i32>} : memref<336x128xf32, #tpu.memory_space<vmem>>, vector<1x16xf32>,
        %slice3A_1081 = vector.extract_strided_slice %get3A_365 {offsets = [6], sizes = [1], strides = [1]} : vector<16xf32> to vector<1xf32>
        %squeeze3A_1082 = vector.extract %slice3A_1081[0] : f32 from vector<1xf32>
        %broadcast_in_dim3A_1083 = vector.broadcast %squeeze3A_1082 : f32 to vector<16xf32>
        %mul3A_1084 = arith.constant 16 : i32
        %mul3A_1085 = arith.muli %scan3A_358, %mul3A_1084 : i32
        %add3A_1086 = arith.addi %mul3A_265, %mul3A_1085 : i32
        %add3A_1087 = arith.constant 6 : i32
        %add3A_1088 = arith.addi %add3A_1086, %add3A_1087 : i32
        %get3A_1089 = arith.index_cast %add3A_1088 : i32 to index
        %get3A_1090 = arith.constant 0 : index
        %get3A_1091 = tpu.vector_load %arg11[%get3A_1089, %get3A_1090] {strides = array<i32>} : memref<336x128xf32, #tpu.memory_space<vmem>>, vector<1x16xf32>,
        %get3A_1092 = vector.shape_cast %get3A_1091 : vector<1x16xf32> to vector<16xf32>
        %mul3A_1093 = arith.mulf %broadcast_in_dim3A_1083, %get3A_4 : vector<16xf32>
        %add3A_1094 = arith.addf %get3A_1092, %mul3A_1093 : vector<16xf32>
        %max3A_1095 = arith.constant 0.000000e+00 : f32
        %max3A_1096 = vector.broadcast %max3A_1095 : f32 to vector<16xf32>
        %max3A_1097 = arith.maximumf %add3A_1094, %max3A_1096 : vector<16xf32>
        %swap3A_1098 = arith.index_cast %add3A_1088 : i32 to index
        %swap3A_1099 = arith.constant 0 : index
        %swap3A_1100 = tpu.vector_load %arg11[%swap3A_1098, %swap3A_1099] {strides = array<i32>} : memref<336x128xf32, #tpu.memory_space<vmem>>, vector<1x16xf32>,
        %swap3A_1101 = vector.shape_cast %swap3A_1100 : vector<1x16xf32> to vector<16xf32>
        %swap3A_1102 = vector.shape_cast %max3A_1097 : vector<16xf32> to vector<1x16xf32>
        tpu.vector_store %arg11[%swap3A_1098, %swap3A_1099], %swap3A_1102 {strides = array<i32>} : memref<336x128xf32, #tpu.memory_space<vmem>>, vector<1x16xf32>,
        %get3A_1103 = arith.index_cast %add3A_1088 : i32 to index
        %get3A_1104 = arith.constant 16 : index
        %get3A_1105 = tpu.vector_load %arg11[%get3A_1103, %get3A_1104] {strides = array<i32>} : memref<336x128xf32, #tpu.memory_space<vmem>>, vector<1x16xf32>,
        %get3A_1106 = vector.shape_cast %get3A_1105 : vector<1x16xf32> to vector<16xf32>
        %mul3A_1107 = arith.mulf %broadcast_in_dim3A_1083, %get3A_7 : vector<16xf32>
        %add3A_1108 = arith.addf %get3A_1106, %mul3A_1107 : vector<16xf32>
        %max3A_1109 = arith.constant 0.000000e+00 : f32
        %max3A_1110 = vector.broadcast %max3A_1109 : f32 to vector<16xf32>
        %max3A_1111 = arith.maximumf %add3A_1108, %max3A_1110 : vector<16xf32>
        %swap3A_1112 = arith.index_cast %add3A_1088 : i32 to index
        %swap3A_1113 = arith.constant 16 : index
        %swap3A_1114 = tpu.vector_load %arg11[%swap3A_1112, %swap3A_1113] {strides = array<i32>} : memref<336x128xf32, #tpu.memory_space<vmem>>, vector<1x16xf32>,
        %swap3A_1115 = vector.shape_cast %swap3A_1114 : vector<1x16xf32> to vector<16xf32>
        %swap3A_1116 = vector.shape_cast %max3A_1111 : vector<16xf32> to vector<1x16xf32>
        tpu.vector_store %arg11[%swap3A_1112, %swap3A_1113], %swap3A_1116 {strides = array<i32>} : memref<336x128xf32, #tpu.memory_space<vmem>>, vector<1x16xf32>,
        %get3A_1117 = arith.index_cast %add3A_1088 : i32 to index
        %get3A_1118 = arith.constant 32 : index
        %get3A_1119 = tpu.vector_load %arg11[%get3A_1117, %get3A_1118] {strides = array<i32>} : memref<336x128xf32, #tpu.memory_space<vmem>>, vector<1x16xf32>,
        %get3A_1120 = vector.shape_cast %get3A_1119 : vector<1x16xf32> to vector<16xf32>
        %mul3A_1121 = arith.mulf %broadcast_in_dim3A_1083, %get3A_10 : vector<16xf32>
        %add3A_1122 = arith.addf %get3A_1120, %mul3A_1121 : vector<16xf32>
        %max3A_1123 = arith.constant 0.000000e+00 : f32
        %max3A_1124 = vector.broadcast %max3A_1123 : f32 to vector<16xf32>
        %max3A_1125 = arith.maximumf %add3A_1122, %max3A_1124 : vector<16xf32>
        %swap3A_1126 = arith.index_cast %add3A_1088 : i32 to index
        %swap3A_1127 = arith.constant 32 : index
        %swap3A_1128 = tpu.vector_load %arg11[%swap3A_1126, %swap3A_1127] {strides = array<i32>} : memref<336x128xf32, #tpu.memory_space<vmem>>, vector<1x16xf32>,
        %swap3A_1129 = vector.shape_cast %swap3A_1128 : vector<1x16xf32> to vector<16xf32>
        %swap3A_1130 = vector.shape_cast %max3A_1125 : vector<16xf32> to vector<1x16xf32>
        tpu.vector_store %arg11[%swap3A_1126, %swap3A_1127], %swap3A_1130 {strides = array<i32>} : memref<336x128xf32, #tpu.memory_space<vmem>>, vector<1x16xf32>,
        %get3A_1131 = arith.index_cast %add3A_1088 : i32 to index
        %get3A_1132 = arith.constant 48 : index
        %get3A_1133 = tpu.vector_load %arg11[%get3A_1131, %get3A_1132] {strides = array<i32>} : memref<336x128xf32, #tpu.memory_space<vmem>>, vector<1x16xf32>,
        %get3A_1134 = vector.shape_cast %get3A_1133 : vector<1x16xf32> to vector<16xf32>
        %mul3A_1135 = arith.mulf %broadcast_in_dim3A_1083, %get3A_13 : vector<16xf32>
        %add3A_1136 = arith.addf %get3A_1134, %mul3A_1135 : vector<16xf32>
        %max3A_1137 = arith.constant 0.000000e+00 : f32
        %max3A_1138 = vector.broadcast %max3A_1137 : f32 to vector<16xf32>
        %max3A_1139 = arith.maximumf %add3A_1136, %max3A_1138 : vector<16xf32>
        %swap3A_1140 = arith.index_cast %add3A_1088 : i32 to index
        %swap3A_1141 = arith.constant 48 : index
        %swap3A_1142 = tpu.vector_load %arg11[%swap3A_1140, %swap3A_1141] {strides = array<i32>} : memref<336x128xf32, #tpu.memory_space<vmem>>, vector<1x16xf32>,
        %swap3A_1143 = vector.shape_cast %swap3A_1142 : vector<1x16xf32> to vector<16xf32>
        %swap3A_1144 = vector.shape_cast %max3A_1139 : vector<16xf32> to vector<1x16xf32>
        tpu.vector_store %arg11[%swap3A_1140, %swap3A_1141], %swap3A_1144 {strides = array<i32>} : memref<336x128xf32, #tpu.memory_space<vmem>>, vector<1x16xf32>,
        %get3A_1145 = arith.index_cast %add3A_1088 : i32 to index
        %get3A_1146 = arith.constant 64 : index
        %get3A_1147 = tpu.vector_load %arg11[%get3A_1145, %get3A_1146] {strides = array<i32>} : memref<336x128xf32, #tpu.memory_space<vmem>>, vector<1x16xf32>,
        %get3A_1148 = vector.shape_cast %get3A_1147 : vector<1x16xf32> to vector<16xf32>
        %mul3A_1149 = arith.mulf %broadcast_in_dim3A_1083, %get3A_16 : vector<16xf32>
        %add3A_1150 = arith.addf %get3A_1148, %mul3A_1149 : vector<16xf32>
        %max3A_1151 = arith.constant 0.000000e+00 : f32
        %max3A_1152 = vector.broadcast %max3A_1151 : f32 to vector<16xf32>
        %max3A_1153 = arith.maximumf %add3A_1150, %max3A_1152 : vector<16xf32>
        %swap3A_1154 = arith.index_cast %add3A_1088 : i32 to index
        %swap3A_1155 = arith.constant 64 : index
        %swap3A_1156 = tpu.vector_load %arg11[%swap3A_1154, %swap3A_1155] {strides = array<i32>} : memref<336x128xf32, #tpu.memory_space<vmem>>, vector<1x16xf32>,
        %swap3A_1157 = vector.shape_cast %swap3A_1156 : vector<1x16xf32> to vector<16xf32>
        %swap3A_1158 = vector.shape_cast %max3A_1153 : vector<16xf32> to vector<1x16xf32>
        tpu.vector_store %arg11[%swap3A_1154, %swap3A_1155], %swap3A_1158 {strides = array<i32>} : memref<336x128xf32, #tpu.memory_space<vmem>>, vector<1x16xf32>,
        %get3A_1159 = arith.index_cast %add3A_1088 : i32 to index
        %get3A_1160 = arith.constant 80 : index
        %get3A_1161 = tpu.vector_load %arg11[%get3A_1159, %get3A_1160] {strides = array<i32>} : memref<336x128xf32, #tpu.memory_space<vmem>>, vector<1x16xf32>,
        %get3A_1162 = vector.shape_cast %get3A_1161 : vector<1x16xf32> to vector<16xf32>
        %mul3A_1163 = arith.mulf %broadcast_in_dim3A_1083, %get3A_19 : vector<16xf32>
        %add3A_1164 = arith.addf %get3A_1162, %mul3A_1163 : vector<16xf32>
        %max3A_1165 = arith.constant 0.000000e+00 : f32
        %max3A_1166 = vector.broadcast %max3A_1165 : f32 to vector<16xf32>
        %max3A_1167 = arith.maximumf %add3A_1164, %max3A_1166 : vector<16xf32>
        %swap3A_1168 = arith.index_cast %add3A_1088 : i32 to index
        %swap3A_1169 = arith.constant 80 : index
        %swap3A_1170 = tpu.vector_load %arg11[%swap3A_1168, %swap3A_1169] {strides = array<i32>} : memref<336x128xf32, #tpu.memory_space<vmem>>, vector<1x16xf32>,
        %swap3A_1171 = vector.shape_cast %swap3A_1170 : vector<1x16xf32> to vector<16xf32>
        %swap3A_1172 = vector.shape_cast %max3A_1167 : vector<16xf32> to vector<1x16xf32>
        tpu.vector_store %arg11[%swap3A_1168, %swap3A_1169], %swap3A_1172 {strides = array<i32>} : memref<336x128xf32, #tpu.memory_space<vmem>>, vector<1x16xf32>,
        %get3A_1173 = arith.index_cast %add3A_1088 : i32 to index
        %get3A_1174 = arith.constant 96 : index
        %get3A_1175 = tpu.vector_load %arg11[%get3A_1173, %get3A_1174] {strides = array<i32>} : memref<336x128xf32, #tpu.memory_space<vmem>>, vector<1x16xf32>,
        %get3A_1176 = vector.shape_cast %get3A_1175 : vector<1x16xf32> to vector<16xf32>
        %mul3A_1177 = arith.mulf %broadcast_in_dim3A_1083, %get3A_22 : vector<16xf32>
        %add3A_1178 = arith.addf %get3A_1176, %mul3A_1177 : vector<16xf32>
        %max3A_1179 = arith.constant 0.000000e+00 : f32
        %max3A_1180 = vector.broadcast %max3A_1179 : f32 to vector<16xf32>
        %max3A_1181 = arith.maximumf %add3A_1178, %max3A_1180 : vector<16xf32>
        %swap3A_1182 = arith.index_cast %add3A_1088 : i32 to index
        %swap3A_1183 = arith.constant 96 : index
        %swap3A_1184 = tpu.vector_load %arg11[%swap3A_1182, %swap3A_1183] {strides = array<i32>} : memref<336x128xf32, #tpu.memory_space<vmem>>, vector<1x16xf32>,
        %swap3A_1185 = vector.shape_cast %swap3A_1184 : vector<1x16xf32> to vector<16xf32>
        %swap3A_1186 = vector.shape_cast %max3A_1181 : vector<16xf32> to vector<1x16xf32>
        tpu.vector_store %arg11[%swap3A_1182, %swap3A_1183], %swap3A_1186 {strides = array<i32>} : memref<336x128xf32, #tpu.memory_space<vmem>>, vector<1x16xf32>,
        %get3A_1187 = arith.index_cast %add3A_1088 : i32 to index
        %get3A_1188 = arith.constant 112 : index
        %get3A_1189 = tpu.vector_load %arg11[%get3A_1187, %get3A_1188] {strides = array<i32>} : memref<336x128xf32, #tpu.memory_space<vmem>>, vector<1x16xf32>,
        %get3A_1190 = vector.shape_cast %get3A_1189 : vector<1x16xf32> to vector<16xf32>
        %mul3A_1191 = arith.mulf %broadcast_in_dim3A_1083, %get3A_25 : vector<16xf32>
        %add3A_1192 = arith.addf %get3A_1190, %mul3A_1191 : vector<16xf32>
        %max3A_1193 = arith.constant 0.000000e+00 : f32
        %max3A_1194 = vector.broadcast %max3A_1193 : f32 to vector<16xf32>
        %max3A_1195 = arith.maximumf %add3A_1192, %max3A_1194 : vector<16xf32>
        %swap3A_1196 = arith.index_cast %add3A_1088 : i32 to index
        %swap3A_1197 = arith.constant 112 : index
        %swap3A_1198 = tpu.vector_load %arg11[%swap3A_1196, %swap3A_1197] {strides = array<i32>} : memref<336x128xf32, #tpu.memory_space<vmem>>, vector<1x16xf32>,
        %swap3A_1199 = vector.shape_cast %swap3A_1198 : vector<1x16xf32> to vector<16xf32>
        %swap3A_1200 = vector.shape_cast %max3A_1195 : vector<16xf32> to vector<1x16xf32>
        tpu.vector_store %arg11[%swap3A_1196, %swap3A_1197], %swap3A_1200 {strides = array<i32>} : memref<336x128xf32, #tpu.memory_space<vmem>>, vector<1x16xf32>,
        %slice3A_1201 = vector.extract_strided_slice %get3A_365 {offsets = [7], sizes = [1], strides = [1]} : vector<16xf32> to vector<1xf32>
        %squeeze3A_1202 = vector.extract %slice3A_1201[0] : f32 from vector<1xf32>
        %broadcast_in_dim3A_1203 = vector.broadcast %squeeze3A_1202 : f32 to vector<16xf32>
        %mul3A_1204 = arith.constant 16 : i32
        %mul3A_1205 = arith.muli %scan3A_358, %mul3A_1204 : i32
        %add3A_1206 = arith.addi %mul3A_265, %mul3A_1205 : i32
        %add3A_1207 = arith.constant 7 : i32
        %add3A_1208 = arith.addi %add3A_1206, %add3A_1207 : i32
        %get3A_1209 = arith.index_cast %add3A_1208 : i32 to index
        %get3A_1210 = arith.constant 0 : index
        %get3A_1211 = tpu.vector_load %arg11[%get3A_1209, %get3A_1210] {strides = array<i32>} : memref<336x128xf32, #tpu.memory_space<vmem>>, vector<1x16xf32>,
        %get3A_1212 = vector.shape_cast %get3A_1211 : vector<1x16xf32> to vector<16xf32>
        %mul3A_1213 = arith.mulf %broadcast_in_dim3A_1203, %get3A_4 : vector<16xf32>
        %add3A_1214 = arith.addf %get3A_1212, %mul3A_1213 : vector<16xf32>
        %max3A_1215 = arith.constant 0.000000e+00 : f32
        %max3A_1216 = vector.broadcast %max3A_1215 : f32 to vector<16xf32>
        %max3A_1217 = arith.maximumf %add3A_1214, %max3A_1216 : vector<16xf32>
        %swap3A_1218 = arith.index_cast %add3A_1208 : i32 to index
        %swap3A_1219 = arith.constant 0 : index
        %swap3A_1220 = tpu.vector_load %arg11[%swap3A_1218, %swap3A_1219] {strides = array<i32>} : memref<336x128xf32, #tpu.memory_space<vmem>>, vector<1x16xf32>,
        %swap3A_1221 = vector.shape_cast %swap3A_1220 : vector<1x16xf32> to vector<16xf32>
        %swap3A_1222 = vector.shape_cast %max3A_1217 : vector<16xf32> to vector<1x16xf32>
        tpu.vector_store %arg11[%swap3A_1218, %swap3A_1219], %swap3A_1222 {strides = array<i32>} : memref<336x128xf32, #tpu.memory_space<vmem>>, vector<1x16xf32>,
        %get3A_1223 = arith.index_cast %add3A_1208 : i32 to index
        %get3A_1224 = arith.constant 16 : index
        %get3A_1225 = tpu.vector_load %arg11[%get3A_1223, %get3A_1224] {strides = array<i32>} : memref<336x128xf32, #tpu.memory_space<vmem>>, vector<1x16xf32>,
        %get3A_1226 = vector.shape_cast %get3A_1225 : vector<1x16xf32> to vector<16xf32>
        %mul3A_1227 = arith.mulf %broadcast_in_dim3A_1203, %get3A_7 : vector<16xf32>
        %add3A_1228 = arith.addf %get3A_1226, %mul3A_1227 : vector<16xf32>
        %max3A_1229 = arith.constant 0.000000e+00 : f32
        %max3A_1230 = vector.broadcast %max3A_1229 : f32 to vector<16xf32>
        %max3A_1231 = arith.maximumf %add3A_1228, %max3A_1230 : vector<16xf32>
        %swap3A_1232 = arith.index_cast %add3A_1208 : i32 to index
        %swap3A_1233 = arith.constant 16 : index
        %swap3A_1234 = tpu.vector_load %arg11[%swap3A_1232, %swap3A_1233] {strides = array<i32>} : memref<336x128xf32, #tpu.memory_space<vmem>>, vector<1x16xf32>,
        %swap3A_1235 = vector.shape_cast %swap3A_1234 : vector<1x16xf32> to vector<16xf32>
        %swap3A_1236 = vector.shape_cast %max3A_1231 : vector<16xf32> to vector<1x16xf32>
        tpu.vector_store %arg11[%swap3A_1232, %swap3A_1233], %swap3A_1236 {strides = array<i32>} : memref<336x128xf32, #tpu.memory_space<vmem>>, vector<1x16xf32>,
        %get3A_1237 = arith.index_cast %add3A_1208 : i32 to index
        %get3A_1238 = arith.constant 32 : index
        %get3A_1239 = tpu.vector_load %arg11[%get3A_1237, %get3A_1238] {strides = array<i32>} : memref<336x128xf32, #tpu.memory_space<vmem>>, vector<1x16xf32>,
        %get3A_1240 = vector.shape_cast %get3A_1239 : vector<1x16xf32> to vector<16xf32>
        %mul3A_1241 = arith.mulf %broadcast_in_dim3A_1203, %get3A_10 : vector<16xf32>
        %add3A_1242 = arith.addf %get3A_1240, %mul3A_1241 : vector<16xf32>
        %max3A_1243 = arith.constant 0.000000e+00 : f32
        %max3A_1244 = vector.broadcast %max3A_1243 : f32 to vector<16xf32>
        %max3A_1245 = arith.maximumf %add3A_1242, %max3A_1244 : vector<16xf32>
        %swap3A_1246 = arith.index_cast %add3A_1208 : i32 to index
        %swap3A_1247 = arith.constant 32 : index
        %swap3A_1248 = tpu.vector_load %arg11[%swap3A_1246, %swap3A_1247] {strides = array<i32>} : memref<336x128xf32, #tpu.memory_space<vmem>>, vector<1x16xf32>,
        %swap3A_1249 = vector.shape_cast %swap3A_1248 : vector<1x16xf32> to vector<16xf32>
        %swap3A_1250 = vector.shape_cast %max3A_1245 : vector<16xf32> to vector<1x16xf32>
        tpu.vector_store %arg11[%swap3A_1246, %swap3A_1247], %swap3A_1250 {strides = array<i32>} : memref<336x128xf32, #tpu.memory_space<vmem>>, vector<1x16xf32>,
        %get3A_1251 = arith.index_cast %add3A_1208 : i32 to index
        %get3A_1252 = arith.constant 48 : index
        %get3A_1253 = tpu.vector_load %arg11[%get3A_1251, %get3A_1252] {strides = array<i32>} : memref<336x128xf32, #tpu.memory_space<vmem>>, vector<1x16xf32>,
        %get3A_1254 = vector.shape_cast %get3A_1253 : vector<1x16xf32> to vector<16xf32>
        %mul3A_1255 = arith.mulf %broadcast_in_dim3A_1203, %get3A_13 : vector<16xf32>
        %add3A_1256 = arith.addf %get3A_1254, %mul3A_1255 : vector<16xf32>
        %max3A_1257 = arith.constant 0.000000e+00 : f32
        %max3A_1258 = vector.broadcast %max3A_1257 : f32 to vector<16xf32>
        %max3A_1259 = arith.maximumf %add3A_1256, %max3A_1258 : vector<16xf32>
        %swap3A_1260 = arith.index_cast %add3A_1208 : i32 to index
        %swap3A_1261 = arith.constant 48 : index
        %swap3A_1262 = tpu.vector_load %arg11[%swap3A_1260, %swap3A_1261] {strides = array<i32>} : memref<336x128xf32, #tpu.memory_space<vmem>>, vector<1x16xf32>,
        %swap3A_1263 = vector.shape_cast %swap3A_1262 : vector<1x16xf32> to vector<16xf32>
        %swap3A_1264 = vector.shape_cast %max3A_1259 : vector<16xf32> to vector<1x16xf32>
        tpu.vector_store %arg11[%swap3A_1260, %swap3A_1261], %swap3A_1264 {strides = array<i32>} : memref<336x128xf32, #tpu.memory_space<vmem>>, vector<1x16xf32>,
        %get3A_1265 = arith.index_cast %add3A_1208 : i32 to index
        %get3A_1266 = arith.constant 64 : index
        %get3A_1267 = tpu.vector_load %arg11[%get3A_1265, %get3A_1266] {strides = array<i32>} : memref<336x128xf32, #tpu.memory_space<vmem>>, vector<1x16xf32>,
        %get3A_1268 = vector.shape_cast %get3A_1267 : vector<1x16xf32> to vector<16xf32>
        %mul3A_1269 = arith.mulf %broadcast_in_dim3A_1203, %get3A_16 : vector<16xf32>
        %add3A_1270 = arith.addf %get3A_1268, %mul3A_1269 : vector<16xf32>
        %max3A_1271 = arith.constant 0.000000e+00 : f32
        %max3A_1272 = vector.broadcast %max3A_1271 : f32 to vector<16xf32>
        %max3A_1273 = arith.maximumf %add3A_1270, %max3A_1272 : vector<16xf32>
        %swap3A_1274 = arith.index_cast %add3A_1208 : i32 to index
        %swap3A_1275 = arith.constant 64 : index
        %swap3A_1276 = tpu.vector_load %arg11[%swap3A_1274, %swap3A_1275] {strides = array<i32>} : memref<336x128xf32, #tpu.memory_space<vmem>>, vector<1x16xf32>,
        %swap3A_1277 = vector.shape_cast %swap3A_1276 : vector<1x16xf32> to vector<16xf32>
        %swap3A_1278 = vector.shape_cast %max3A_1273 : vector<16xf32> to vector<1x16xf32>
        tpu.vector_store %arg11[%swap3A_1274, %swap3A_1275], %swap3A_1278 {strides = array<i32>} : memref<336x128xf32, #tpu.memory_space<vmem>>, vector<1x16xf32>,
        %get3A_1279 = arith.index_cast %add3A_1208 : i32 to index
        %get3A_1280 = arith.constant 80 : index
        %get3A_1281 = tpu.vector_load %arg11[%get3A_1279, %get3A_1280] {strides = array<i32>} : memref<336x128xf32, #tpu.memory_space<vmem>>, vector<1x16xf32>,
        %get3A_1282 = vector.shape_cast %get3A_1281 : vector<1x16xf32> to vector<16xf32>
        %mul3A_1283 = arith.mulf %broadcast_in_dim3A_1203, %get3A_19 : vector<16xf32>
        %add3A_1284 = arith.addf %get3A_1282, %mul3A_1283 : vector<16xf32>
        %max3A_1285 = arith.constant 0.000000e+00 : f32
        %max3A_1286 = vector.broadcast %max3A_1285 : f32 to vector<16xf32>
        %max3A_1287 = arith.maximumf %add3A_1284, %max3A_1286 : vector<16xf32>
        %swap3A_1288 = arith.index_cast %add3A_1208 : i32 to index
        %swap3A_1289 = arith.constant 80 : index
        %swap3A_1290 = tpu.vector_load %arg11[%swap3A_1288, %swap3A_1289] {strides = array<i32>} : memref<336x128xf32, #tpu.memory_space<vmem>>, vector<1x16xf32>,
        %swap3A_1291 = vector.shape_cast %swap3A_1290 : vector<1x16xf32> to vector<16xf32>
        %swap3A_1292 = vector.shape_cast %max3A_1287 : vector<16xf32> to vector<1x16xf32>
        tpu.vector_store %arg11[%swap3A_1288, %swap3A_1289], %swap3A_1292 {strides = array<i32>} : memref<336x128xf32, #tpu.memory_space<vmem>>, vector<1x16xf32>,
        %get3A_1293 = arith.index_cast %add3A_1208 : i32 to index
        %get3A_1294 = arith.constant 96 : index
        %get3A_1295 = tpu.vector_load %arg11[%get3A_1293, %get3A_1294] {strides = array<i32>} : memref<336x128xf32, #tpu.memory_space<vmem>>, vector<1x16xf32>,
        %get3A_1296 = vector.shape_cast %get3A_1295 : vector<1x16xf32> to vector<16xf32>
        %mul3A_1297 = arith.mulf %broadcast_in_dim3A_1203, %get3A_22 : vector<16xf32>
        %add3A_1298 = arith.addf %get3A_1296, %mul3A_1297 : vector<16xf32>
        %max3A_1299 = arith.constant 0.000000e+00 : f32
        %max3A_1300 = vector.broadcast %max3A_1299 : f32 to vector<16xf32>
        %max3A_1301 = arith.maximumf %add3A_1298, %max3A_1300 : vector<16xf32>
        %swap3A_1302 = arith.index_cast %add3A_1208 : i32 to index
        %swap3A_1303 = arith.constant 96 : index
        %swap3A_1304 = tpu.vector_load %arg11[%swap3A_1302, %swap3A_1303] {strides = array<i32>} : memref<336x128xf32, #tpu.memory_space<vmem>>, vector<1x16xf32>,
        %swap3A_1305 = vector.shape_cast %swap3A_1304 : vector<1x16xf32> to vector<16xf32>
        %swap3A_1306 = vector.shape_cast %max3A_1301 : vector<16xf32> to vector<1x16xf32>
        tpu.vector_store %arg11[%swap3A_1302, %swap3A_1303], %swap3A_1306 {strides = array<i32>} : memref<336x128xf32, #tpu.memory_space<vmem>>, vector<1x16xf32>,
        %get3A_1307 = arith.index_cast %add3A_1208 : i32 to index
        %get3A_1308 = arith.constant 112 : index
        %get3A_1309 = tpu.vector_load %arg11[%get3A_1307, %get3A_1308] {strides = array<i32>} : memref<336x128xf32, #tpu.memory_space<vmem>>, vector<1x16xf32>,
        %get3A_1310 = vector.shape_cast %get3A_1309 : vector<1x16xf32> to vector<16xf32>
        %mul3A_1311 = arith.mulf %broadcast_in_dim3A_1203, %get3A_25 : vector<16xf32>
        %add3A_1312 = arith.addf %get3A_1310, %mul3A_1311 : vector<16xf32>
        %max3A_1313 = arith.constant 0.000000e+00 : f32
        %max3A_1314 = vector.broadcast %max3A_1313 : f32 to vector<16xf32>
        %max3A_1315 = arith.maximumf %add3A_1312, %max3A_1314 : vector<16xf32>
        %swap3A_1316 = arith.index_cast %add3A_1208 : i32 to index
        %swap3A_1317 = arith.constant 112 : index
        %swap3A_1318 = tpu.vector_load %arg11[%swap3A_1316, %swap3A_1317] {strides = array<i32>} : memref<336x128xf32, #tpu.memory_space<vmem>>, vector<1x16xf32>,
        %swap3A_1319 = vector.shape_cast %swap3A_1318 : vector<1x16xf32> to vector<16xf32>
        %swap3A_1320 = vector.shape_cast %max3A_1315 : vector<16xf32> to vector<1x16xf32>
        tpu.vector_store %arg11[%swap3A_1316, %swap3A_1317], %swap3A_1320 {strides = array<i32>} : memref<336x128xf32, #tpu.memory_space<vmem>>, vector<1x16xf32>,
        %slice3A_1321 = vector.extract_strided_slice %get3A_365 {offsets = [8], sizes = [1], strides = [1]} : vector<16xf32> to vector<1xf32>
        %squeeze3A_1322 = vector.extract %slice3A_1321[0] : f32 from vector<1xf32>
        %broadcast_in_dim3A_1323 = vector.broadcast %squeeze3A_1322 : f32 to vector<16xf32>
        %mul3A_1324 = arith.constant 16 : i32
        %mul3A_1325 = arith.muli %scan3A_358, %mul3A_1324 : i32
        %add3A_1326 = arith.addi %mul3A_265, %mul3A_1325 : i32
        %add3A_1327 = arith.constant 8 : i32
        %add3A_1328 = arith.addi %add3A_1326, %add3A_1327 : i32
        %get3A_1329 = arith.index_cast %add3A_1328 : i32 to index
        %get3A_1330 = arith.constant 0 : index
        %get3A_1331 = tpu.vector_load %arg11[%get3A_1329, %get3A_1330] {strides = array<i32>} : memref<336x128xf32, #tpu.memory_space<vmem>>, vector<1x16xf32>,
        %get3A_1332 = vector.shape_cast %get3A_1331 : vector<1x16xf32> to vector<16xf32>
        %mul3A_1333 = arith.mulf %broadcast_in_dim3A_1323, %get3A_4 : vector<16xf32>
        %add3A_1334 = arith.addf %get3A_1332, %mul3A_1333 : vector<16xf32>
        %max3A_1335 = arith.constant 0.000000e+00 : f32
        %max3A_1336 = vector.broadcast %max3A_1335 : f32 to vector<16xf32>
        %max3A_1337 = arith.maximumf %add3A_1334, %max3A_1336 : vector<16xf32>
        %swap3A_1338 = arith.index_cast %add3A_1328 : i32 to index
        %swap3A_1339 = arith.constant 0 : index
        %swap3A_1340 = tpu.vector_load %arg11[%swap3A_1338, %swap3A_1339] {strides = array<i32>} : memref<336x128xf32, #tpu.memory_space<vmem>>, vector<1x16xf32>,
        %swap3A_1341 = vector.shape_cast %swap3A_1340 : vector<1x16xf32> to vector<16xf32>
        %swap3A_1342 = vector.shape_cast %max3A_1337 : vector<16xf32> to vector<1x16xf32>
        tpu.vector_store %arg11[%swap3A_1338, %swap3A_1339], %swap3A_1342 {strides = array<i32>} : memref<336x128xf32, #tpu.memory_space<vmem>>, vector<1x16xf32>,
        %get3A_1343 = arith.index_cast %add3A_1328 : i32 to index
        %get3A_1344 = arith.constant 16 : index
        %get3A_1345 = tpu.vector_load %arg11[%get3A_1343, %get3A_1344] {strides = array<i32>} : memref<336x128xf32, #tpu.memory_space<vmem>>, vector<1x16xf32>,
        %get3A_1346 = vector.shape_cast %get3A_1345 : vector<1x16xf32> to vector<16xf32>
        %mul3A_1347 = arith.mulf %broadcast_in_dim3A_1323, %get3A_7 : vector<16xf32>
        %add3A_1348 = arith.addf %get3A_1346, %mul3A_1347 : vector<16xf32>
        %max3A_1349 = arith.constant 0.000000e+00 : f32
        %max3A_1350 = vector.broadcast %max3A_1349 : f32 to vector<16xf32>
        %max3A_1351 = arith.maximumf %add3A_1348, %max3A_1350 : vector<16xf32>
        %swap3A_1352 = arith.index_cast %add3A_1328 : i32 to index
        %swap3A_1353 = arith.constant 16 : index
        %swap3A_1354 = tpu.vector_load %arg11[%swap3A_1352, %swap3A_1353] {strides = array<i32>} : memref<336x128xf32, #tpu.memory_space<vmem>>, vector<1x16xf32>,
        %swap3A_1355 = vector.shape_cast %swap3A_1354 : vector<1x16xf32> to vector<16xf32>
        %swap3A_1356 = vector.shape_cast %max3A_1351 : vector<16xf32> to vector<1x16xf32>
        tpu.vector_store %arg11[%swap3A_1352, %swap3A_1353], %swap3A_1356 {strides = array<i32>} : memref<336x128xf32, #tpu.memory_space<vmem>>, vector<1x16xf32>,
        %get3A_1357 = arith.index_cast %add3A_1328 : i32 to index
        %get3A_1358 = arith.constant 32 : index
        %get3A_1359 = tpu.vector_load %arg11[%get3A_1357, %get3A_1358] {strides = array<i32>} : memref<336x128xf32, #tpu.memory_space<vmem>>, vector<1x16xf32>,
        %get3A_1360 = vector.shape_cast %get3A_1359 : vector<1x16xf32> to vector<16xf32>
        %mul3A_1361 = arith.mulf %broadcast_in_dim3A_1323, %get3A_10 : vector<16xf32>
        %add3A_1362 = arith.addf %get3A_1360, %mul3A_1361 : vector<16xf32>
        %max3A_1363 = arith.constant 0.000000e+00 : f32
        %max3A_1364 = vector.broadcast %max3A_1363 : f32 to vector<16xf32>
        %max3A_1365 = arith.maximumf %add3A_1362, %max3A_1364 : vector<16xf32>
        %swap3A_1366 = arith.index_cast %add3A_1328 : i32 to index
        %swap3A_1367 = arith.constant 32 : index
        %swap3A_1368 = tpu.vector_load %arg11[%swap3A_1366, %swap3A_1367] {strides = array<i32>} : memref<336x128xf32, #tpu.memory_space<vmem>>, vector<1x16xf32>,
        %swap3A_1369 = vector.shape_cast %swap3A_1368 : vector<1x16xf32> to vector<16xf32>
        %swap3A_1370 = vector.shape_cast %max3A_1365 : vector<16xf32> to vector<1x16xf32>
        tpu.vector_store %arg11[%swap3A_1366, %swap3A_1367], %swap3A_1370 {strides = array<i32>} : memref<336x128xf32, #tpu.memory_space<vmem>>, vector<1x16xf32>,
        %get3A_1371 = arith.index_cast %add3A_1328 : i32 to index
        %get3A_1372 = arith.constant 48 : index
        %get3A_1373 = tpu.vector_load %arg11[%get3A_1371, %get3A_1372] {strides = array<i32>} : memref<336x128xf32, #tpu.memory_space<vmem>>, vector<1x16xf32>,
        %get3A_1374 = vector.shape_cast %get3A_1373 : vector<1x16xf32> to vector<16xf32>
        %mul3A_1375 = arith.mulf %broadcast_in_dim3A_1323, %get3A_13 : vector<16xf32>
        %add3A_1376 = arith.addf %get3A_1374, %mul3A_1375 : vector<16xf32>
        %max3A_1377 = arith.constant 0.000000e+00 : f32
        %max3A_1378 = vector.broadcast %max3A_1377 : f32 to vector<16xf32>
        %max3A_1379 = arith.maximumf %add3A_1376, %max3A_1378 : vector<16xf32>
        %swap3A_1380 = arith.index_cast %add3A_1328 : i32 to index
        %swap3A_1381 = arith.constant 48 : index
        %swap3A_1382 = tpu.vector_load %arg11[%swap3A_1380, %swap3A_1381] {strides = array<i32>} : memref<336x128xf32, #tpu.memory_space<vmem>>, vector<1x16xf32>,
        %swap3A_1383 = vector.shape_cast %swap3A_1382 : vector<1x16xf32> to vector<16xf32>
        %swap3A_1384 = vector.shape_cast %max3A_1379 : vector<16xf32> to vector<1x16xf32>
        tpu.vector_store %arg11[%swap3A_1380, %swap3A_1381], %swap3A_1384 {strides = array<i32>} : memref<336x128xf32, #tpu.memory_space<vmem>>, vector<1x16xf32>,
        %get3A_1385 = arith.index_cast %add3A_1328 : i32 to index
        %get3A_1386 = arith.constant 64 : index
        %get3A_1387 = tpu.vector_load %arg11[%get3A_1385, %get3A_1386] {strides = array<i32>} : memref<336x128xf32, #tpu.memory_space<vmem>>, vector<1x16xf32>,
        %get3A_1388 = vector.shape_cast %get3A_1387 : vector<1x16xf32> to vector<16xf32>
        %mul3A_1389 = arith.mulf %broadcast_in_dim3A_1323, %get3A_16 : vector<16xf32>
        %add3A_1390 = arith.addf %get3A_1388, %mul3A_1389 : vector<16xf32>
        %max3A_1391 = arith.constant 0.000000e+00 : f32
        %max3A_1392 = vector.broadcast %max3A_1391 : f32 to vector<16xf32>
        %max3A_1393 = arith.maximumf %add3A_1390, %max3A_1392 : vector<16xf32>
        %swap3A_1394 = arith.index_cast %add3A_1328 : i32 to index
        %swap3A_1395 = arith.constant 64 : index
        %swap3A_1396 = tpu.vector_load %arg11[%swap3A_1394, %swap3A_1395] {strides = array<i32>} : memref<336x128xf32, #tpu.memory_space<vmem>>, vector<1x16xf32>,
        %swap3A_1397 = vector.shape_cast %swap3A_1396 : vector<1x16xf32> to vector<16xf32>
        %swap3A_1398 = vector.shape_cast %max3A_1393 : vector<16xf32> to vector<1x16xf32>
        tpu.vector_store %arg11[%swap3A_1394, %swap3A_1395], %swap3A_1398 {strides = array<i32>} : memref<336x128xf32, #tpu.memory_space<vmem>>, vector<1x16xf32>,
        %get3A_1399 = arith.index_cast %add3A_1328 : i32 to index
        %get3A_1400 = arith.constant 80 : index
        %get3A_1401 = tpu.vector_load %arg11[%get3A_1399, %get3A_1400] {strides = array<i32>} : memref<336x128xf32, #tpu.memory_space<vmem>>, vector<1x16xf32>,
        %get3A_1402 = vector.shape_cast %get3A_1401 : vector<1x16xf32> to vector<16xf32>
        %mul3A_1403 = arith.mulf %broadcast_in_dim3A_1323, %get3A_19 : vector<16xf32>
        %add3A_1404 = arith.addf %get3A_1402, %mul3A_1403 : vector<16xf32>
        %max3A_1405 = arith.constant 0.000000e+00 : f32
        %max3A_1406 = vector.broadcast %max3A_1405 : f32 to vector<16xf32>
        %max3A_1407 = arith.maximumf %add3A_1404, %max3A_1406 : vector<16xf32>
        %swap3A_1408 = arith.index_cast %add3A_1328 : i32 to index
        %swap3A_1409 = arith.constant 80 : index
        %swap3A_1410 = tpu.vector_load %arg11[%swap3A_1408, %swap3A_1409] {strides = array<i32>} : memref<336x128xf32, #tpu.memory_space<vmem>>, vector<1x16xf32>,
        %swap3A_1411 = vector.shape_cast %swap3A_1410 : vector<1x16xf32> to vector<16xf32>
        %swap3A_1412 = vector.shape_cast %max3A_1407 : vector<16xf32> to vector<1x16xf32>
        tpu.vector_store %arg11[%swap3A_1408, %swap3A_1409], %swap3A_1412 {strides = array<i32>} : memref<336x128xf32, #tpu.memory_space<vmem>>, vector<1x16xf32>,
        %get3A_1413 = arith.index_cast %add3A_1328 : i32 to index
        %get3A_1414 = arith.constant 96 : index
        %get3A_1415 = tpu.vector_load %arg11[%get3A_1413, %get3A_1414] {strides = array<i32>} : memref<336x128xf32, #tpu.memory_space<vmem>>, vector<1x16xf32>,
        %get3A_1416 = vector.shape_cast %get3A_1415 : vector<1x16xf32> to vector<16xf32>
        %mul3A_1417 = arith.mulf %broadcast_in_dim3A_1323, %get3A_22 : vector<16xf32>
        %add3A_1418 = arith.addf %get3A_1416, %mul3A_1417 : vector<16xf32>
        %max3A_1419 = arith.constant 0.000000e+00 : f32
        %max3A_1420 = vector.broadcast %max3A_1419 : f32 to vector<16xf32>
        %max3A_1421 = arith.maximumf %add3A_1418, %max3A_1420 : vector<16xf32>
        %swap3A_1422 = arith.index_cast %add3A_1328 : i32 to index
        %swap3A_1423 = arith.constant 96 : index
        %swap3A_1424 = tpu.vector_load %arg11[%swap3A_1422, %swap3A_1423] {strides = array<i32>} : memref<336x128xf32, #tpu.memory_space<vmem>>, vector<1x16xf32>,
        %swap3A_1425 = vector.shape_cast %swap3A_1424 : vector<1x16xf32> to vector<16xf32>
        %swap3A_1426 = vector.shape_cast %max3A_1421 : vector<16xf32> to vector<1x16xf32>
        tpu.vector_store %arg11[%swap3A_1422, %swap3A_1423], %swap3A_1426 {strides = array<i32>} : memref<336x128xf32, #tpu.memory_space<vmem>>, vector<1x16xf32>,
        %get3A_1427 = arith.index_cast %add3A_1328 : i32 to index
        %get3A_1428 = arith.constant 112 : index
        %get3A_1429 = tpu.vector_load %arg11[%get3A_1427, %get3A_1428] {strides = array<i32>} : memref<336x128xf32, #tpu.memory_space<vmem>>, vector<1x16xf32>,
        %get3A_1430 = vector.shape_cast %get3A_1429 : vector<1x16xf32> to vector<16xf32>
        %mul3A_1431 = arith.mulf %broadcast_in_dim3A_1323, %get3A_25 : vector<16xf32>
        %add3A_1432 = arith.addf %get3A_1430, %mul3A_1431 : vector<16xf32>
        %max3A_1433 = arith.constant 0.000000e+00 : f32
        %max3A_1434 = vector.broadcast %max3A_1433 : f32 to vector<16xf32>
        %max3A_1435 = arith.maximumf %add3A_1432, %max3A_1434 : vector<16xf32>
        %swap3A_1436 = arith.index_cast %add3A_1328 : i32 to index
        %swap3A_1437 = arith.constant 112 : index
        %swap3A_1438 = tpu.vector_load %arg11[%swap3A_1436, %swap3A_1437] {strides = array<i32>} : memref<336x128xf32, #tpu.memory_space<vmem>>, vector<1x16xf32>,
        %swap3A_1439 = vector.shape_cast %swap3A_1438 : vector<1x16xf32> to vector<16xf32>
        %swap3A_1440 = vector.shape_cast %max3A_1435 : vector<16xf32> to vector<1x16xf32>
        tpu.vector_store %arg11[%swap3A_1436, %swap3A_1437], %swap3A_1440 {strides = array<i32>} : memref<336x128xf32, #tpu.memory_space<vmem>>, vector<1x16xf32>,
        %slice3A_1441 = vector.extract_strided_slice %get3A_365 {offsets = [9], sizes = [1], strides = [1]} : vector<16xf32> to vector<1xf32>
        %squeeze3A_1442 = vector.extract %slice3A_1441[0] : f32 from vector<1xf32>
        %broadcast_in_dim3A_1443 = vector.broadcast %squeeze3A_1442 : f32 to vector<16xf32>
        %mul3A_1444 = arith.constant 16 : i32
        %mul3A_1445 = arith.muli %scan3A_358, %mul3A_1444 : i32
        %add3A_1446 = arith.addi %mul3A_265, %mul3A_1445 : i32
        %add3A_1447 = arith.constant 9 : i32
        %add3A_1448 = arith.addi %add3A_1446, %add3A_1447 : i32
        %get3A_1449 = arith.index_cast %add3A_1448 : i32 to index
        %get3A_1450 = arith.constant 0 : index
        %get3A_1451 = tpu.vector_load %arg11[%get3A_1449, %get3A_1450] {strides = array<i32>} : memref<336x128xf32, #tpu.memory_space<vmem>>, vector<1x16xf32>,
        %get3A_1452 = vector.shape_cast %get3A_1451 : vector<1x16xf32> to vector<16xf32>
        %mul3A_1453 = arith.mulf %broadcast_in_dim3A_1443, %get3A_4 : vector<16xf32>
        %add3A_1454 = arith.addf %get3A_1452, %mul3A_1453 : vector<16xf32>
        %max3A_1455 = arith.constant 0.000000e+00 : f32
        %max3A_1456 = vector.broadcast %max3A_1455 : f32 to vector<16xf32>
        %max3A_1457 = arith.maximumf %add3A_1454, %max3A_1456 : vector<16xf32>
        %swap3A_1458 = arith.index_cast %add3A_1448 : i32 to index
        %swap3A_1459 = arith.constant 0 : index
        %swap3A_1460 = tpu.vector_load %arg11[%swap3A_1458, %swap3A_1459] {strides = array<i32>} : memref<336x128xf32, #tpu.memory_space<vmem>>, vector<1x16xf32>,
        %swap3A_1461 = vector.shape_cast %swap3A_1460 : vector<1x16xf32> to vector<16xf32>
        %swap3A_1462 = vector.shape_cast %max3A_1457 : vector<16xf32> to vector<1x16xf32>
        tpu.vector_store %arg11[%swap3A_1458, %swap3A_1459], %swap3A_1462 {strides = array<i32>} : memref<336x128xf32, #tpu.memory_space<vmem>>, vector<1x16xf32>,
        %get3A_1463 = arith.index_cast %add3A_1448 : i32 to index
        %get3A_1464 = arith.constant 16 : index
        %get3A_1465 = tpu.vector_load %arg11[%get3A_1463, %get3A_1464] {strides = array<i32>} : memref<336x128xf32, #tpu.memory_space<vmem>>, vector<1x16xf32>,
        %get3A_1466 = vector.shape_cast %get3A_1465 : vector<1x16xf32> to vector<16xf32>
        %mul3A_1467 = arith.mulf %broadcast_in_dim3A_1443, %get3A_7 : vector<16xf32>
        %add3A_1468 = arith.addf %get3A_1466, %mul3A_1467 : vector<16xf32>
        %max3A_1469 = arith.constant 0.000000e+00 : f32
        %max3A_1470 = vector.broadcast %max3A_1469 : f32 to vector<16xf32>
        %max3A_1471 = arith.maximumf %add3A_1468, %max3A_1470 : vector<16xf32>
        %swap3A_1472 = arith.index_cast %add3A_1448 : i32 to index
        %swap3A_1473 = arith.constant 16 : index
        %swap3A_1474 = tpu.vector_load %arg11[%swap3A_1472, %swap3A_1473] {strides = array<i32>} : memref<336x128xf32, #tpu.memory_space<vmem>>, vector<1x16xf32>,
        %swap3A_1475 = vector.shape_cast %swap3A_1474 : vector<1x16xf32> to vector<16xf32>
        %swap3A_1476 = vector.shape_cast %max3A_1471 : vector<16xf32> to vector<1x16xf32>
        tpu.vector_store %arg11[%swap3A_1472, %swap3A_1473], %swap3A_1476 {strides = array<i32>} : memref<336x128xf32, #tpu.memory_space<vmem>>, vector<1x16xf32>,
        %get3A_1477 = arith.index_cast %add3A_1448 : i32 to index
        %get3A_1478 = arith.constant 32 : index
        %get3A_1479 = tpu.vector_load %arg11[%get3A_1477, %get3A_1478] {strides = array<i32>} : memref<336x128xf32, #tpu.memory_space<vmem>>, vector<1x16xf32>,
        %get3A_1480 = vector.shape_cast %get3A_1479 : vector<1x16xf32> to vector<16xf32>
        %mul3A_1481 = arith.mulf %broadcast_in_dim3A_1443, %get3A_10 : vector<16xf32>
        %add3A_1482 = arith.addf %get3A_1480, %mul3A_1481 : vector<16xf32>
        %max3A_1483 = arith.constant 0.000000e+00 : f32
        %max3A_1484 = vector.broadcast %max3A_1483 : f32 to vector<16xf32>
        %max3A_1485 = arith.maximumf %add3A_1482, %max3A_1484 : vector<16xf32>
        %swap3A_1486 = arith.index_cast %add3A_1448 : i32 to index
        %swap3A_1487 = arith.constant 32 : index
        %swap3A_1488 = tpu.vector_load %arg11[%swap3A_1486, %swap3A_1487] {strides = array<i32>} : memref<336x128xf32, #tpu.memory_space<vmem>>, vector<1x16xf32>,
        %swap3A_1489 = vector.shape_cast %swap3A_1488 : vector<1x16xf32> to vector<16xf32>
        %swap3A_1490 = vector.shape_cast %max3A_1485 : vector<16xf32> to vector<1x16xf32>
        tpu.vector_store %arg11[%swap3A_1486, %swap3A_1487], %swap3A_1490 {strides = array<i32>} : memref<336x128xf32, #tpu.memory_space<vmem>>, vector<1x16xf32>,
        %get3A_1491 = arith.index_cast %add3A_1448 : i32 to index
        %get3A_1492 = arith.constant 48 : index
        %get3A_1493 = tpu.vector_load %arg11[%get3A_1491, %get3A_1492] {strides = array<i32>} : memref<336x128xf32, #tpu.memory_space<vmem>>, vector<1x16xf32>,
        %get3A_1494 = vector.shape_cast %get3A_1493 : vector<1x16xf32> to vector<16xf32>
        %mul3A_1495 = arith.mulf %broadcast_in_dim3A_1443, %get3A_13 : vector<16xf32>
        %add3A_1496 = arith.addf %get3A_1494, %mul3A_1495 : vector<16xf32>
        %max3A_1497 = arith.constant 0.000000e+00 : f32
        %max3A_1498 = vector.broadcast %max3A_1497 : f32 to vector<16xf32>
        %max3A_1499 = arith.maximumf %add3A_1496, %max3A_1498 : vector<16xf32>
        %swap3A_1500 = arith.index_cast %add3A_1448 : i32 to index
        %swap3A_1501 = arith.constant 48 : index
        %swap3A_1502 = tpu.vector_load %arg11[%swap3A_1500, %swap3A_1501] {strides = array<i32>} : memref<336x128xf32, #tpu.memory_space<vmem>>, vector<1x16xf32>,
        %swap3A_1503 = vector.shape_cast %swap3A_1502 : vector<1x16xf32> to vector<16xf32>
        %swap3A_1504 = vector.shape_cast %max3A_1499 : vector<16xf32> to vector<1x16xf32>
        tpu.vector_store %arg11[%swap3A_1500, %swap3A_1501], %swap3A_1504 {strides = array<i32>} : memref<336x128xf32, #tpu.memory_space<vmem>>, vector<1x16xf32>,
        %get3A_1505 = arith.index_cast %add3A_1448 : i32 to index
        %get3A_1506 = arith.constant 64 : index
        %get3A_1507 = tpu.vector_load %arg11[%get3A_1505, %get3A_1506] {strides = array<i32>} : memref<336x128xf32, #tpu.memory_space<vmem>>, vector<1x16xf32>,
        %get3A_1508 = vector.shape_cast %get3A_1507 : vector<1x16xf32> to vector<16xf32>
        %mul3A_1509 = arith.mulf %broadcast_in_dim3A_1443, %get3A_16 : vector<16xf32>
        %add3A_1510 = arith.addf %get3A_1508, %mul3A_1509 : vector<16xf32>
        %max3A_1511 = arith.constant 0.000000e+00 : f32
        %max3A_1512 = vector.broadcast %max3A_1511 : f32 to vector<16xf32>
        %max3A_1513 = arith.maximumf %add3A_1510, %max3A_1512 : vector<16xf32>
        %swap3A_1514 = arith.index_cast %add3A_1448 : i32 to index
        %swap3A_1515 = arith.constant 64 : index
        %swap3A_1516 = tpu.vector_load %arg11[%swap3A_1514, %swap3A_1515] {strides = array<i32>} : memref<336x128xf32, #tpu.memory_space<vmem>>, vector<1x16xf32>,
        %swap3A_1517 = vector.shape_cast %swap3A_1516 : vector<1x16xf32> to vector<16xf32>
        %swap3A_1518 = vector.shape_cast %max3A_1513 : vector<16xf32> to vector<1x16xf32>
        tpu.vector_store %arg11[%swap3A_1514, %swap3A_1515], %swap3A_1518 {strides = array<i32>} : memref<336x128xf32, #tpu.memory_space<vmem>>, vector<1x16xf32>,
        %get3A_1519 = arith.index_cast %add3A_1448 : i32 to index
        %get3A_1520 = arith.constant 80 : index
        %get3A_1521 = tpu.vector_load %arg11[%get3A_1519, %get3A_1520] {strides = array<i32>} : memref<336x128xf32, #tpu.memory_space<vmem>>, vector<1x16xf32>,
        %get3A_1522 = vector.shape_cast %get3A_1521 : vector<1x16xf32> to vector<16xf32>
        %mul3A_1523 = arith.mulf %broadcast_in_dim3A_1443, %get3A_19 : vector<16xf32>
        %add3A_1524 = arith.addf %get3A_1522, %mul3A_1523 : vector<16xf32>
        %max3A_1525 = arith.constant 0.000000e+00 : f32
        %max3A_1526 = vector.broadcast %max3A_1525 : f32 to vector<16xf32>
        %max3A_1527 = arith.maximumf %add3A_1524, %max3A_1526 : vector<16xf32>
        %swap3A_1528 = arith.index_cast %add3A_1448 : i32 to index
        %swap3A_1529 = arith.constant 80 : index
        %swap3A_1530 = tpu.vector_load %arg11[%swap3A_1528, %swap3A_1529] {strides = array<i32>} : memref<336x128xf32, #tpu.memory_space<vmem>>, vector<1x16xf32>,
        %swap3A_1531 = vector.shape_cast %swap3A_1530 : vector<1x16xf32> to vector<16xf32>
        %swap3A_1532 = vector.shape_cast %max3A_1527 : vector<16xf32> to vector<1x16xf32>
        tpu.vector_store %arg11[%swap3A_1528, %swap3A_1529], %swap3A_1532 {strides = array<i32>} : memref<336x128xf32, #tpu.memory_space<vmem>>, vector<1x16xf32>,
        %get3A_1533 = arith.index_cast %add3A_1448 : i32 to index
        %get3A_1534 = arith.constant 96 : index
        %get3A_1535 = tpu.vector_load %arg11[%get3A_1533, %get3A_1534] {strides = array<i32>} : memref<336x128xf32, #tpu.memory_space<vmem>>, vector<1x16xf32>,
        %get3A_1536 = vector.shape_cast %get3A_1535 : vector<1x16xf32> to vector<16xf32>
        %mul3A_1537 = arith.mulf %broadcast_in_dim3A_1443, %get3A_22 : vector<16xf32>
        %add3A_1538 = arith.addf %get3A_1536, %mul3A_1537 : vector<16xf32>
        %max3A_1539 = arith.constant 0.000000e+00 : f32
        %max3A_1540 = vector.broadcast %max3A_1539 : f32 to vector<16xf32>
        %max3A_1541 = arith.maximumf %add3A_1538, %max3A_1540 : vector<16xf32>
        %swap3A_1542 = arith.index_cast %add3A_1448 : i32 to index
        %swap3A_1543 = arith.constant 96 : index
        %swap3A_1544 = tpu.vector_load %arg11[%swap3A_1542, %swap3A_1543] {strides = array<i32>} : memref<336x128xf32, #tpu.memory_space<vmem>>, vector<1x16xf32>,
        %swap3A_1545 = vector.shape_cast %swap3A_1544 : vector<1x16xf32> to vector<16xf32>
        %swap3A_1546 = vector.shape_cast %max3A_1541 : vector<16xf32> to vector<1x16xf32>
        tpu.vector_store %arg11[%swap3A_1542, %swap3A_1543], %swap3A_1546 {strides = array<i32>} : memref<336x128xf32, #tpu.memory_space<vmem>>, vector<1x16xf32>,
        %get3A_1547 = arith.index_cast %add3A_1448 : i32 to index
        %get3A_1548 = arith.constant 112 : index
        %get3A_1549 = tpu.vector_load %arg11[%get3A_1547, %get3A_1548] {strides = array<i32>} : memref<336x128xf32, #tpu.memory_space<vmem>>, vector<1x16xf32>,
        %get3A_1550 = vector.shape_cast %get3A_1549 : vector<1x16xf32> to vector<16xf32>
        %mul3A_1551 = arith.mulf %broadcast_in_dim3A_1443, %get3A_25 : vector<16xf32>
        %add3A_1552 = arith.addf %get3A_1550, %mul3A_1551 : vector<16xf32>
        %max3A_1553 = arith.constant 0.000000e+00 : f32
        %max3A_1554 = vector.broadcast %max3A_1553 : f32 to vector<16xf32>
        %max3A_1555 = arith.maximumf %add3A_1552, %max3A_1554 : vector<16xf32>
        %swap3A_1556 = arith.index_cast %add3A_1448 : i32 to index
        %swap3A_1557 = arith.constant 112 : index
        %swap3A_1558 = tpu.vector_load %arg11[%swap3A_1556, %swap3A_1557] {strides = array<i32>} : memref<336x128xf32, #tpu.memory_space<vmem>>, vector<1x16xf32>,
        %swap3A_1559 = vector.shape_cast %swap3A_1558 : vector<1x16xf32> to vector<16xf32>
        %swap3A_1560 = vector.shape_cast %max3A_1555 : vector<16xf32> to vector<1x16xf32>
        tpu.vector_store %arg11[%swap3A_1556, %swap3A_1557], %swap3A_1560 {strides = array<i32>} : memref<336x128xf32, #tpu.memory_space<vmem>>, vector<1x16xf32>,
        %slice3A_1561 = vector.extract_strided_slice %get3A_365 {offsets = [10], sizes = [1], strides = [1]} : vector<16xf32> to vector<1xf32>
        %squeeze3A_1562 = vector.extract %slice3A_1561[0] : f32 from vector<1xf32>
        %broadcast_in_dim3A_1563 = vector.broadcast %squeeze3A_1562 : f32 to vector<16xf32>
        %mul3A_1564 = arith.constant 16 : i32
        %mul3A_1565 = arith.muli %scan3A_358, %mul3A_1564 : i32
        %add3A_1566 = arith.addi %mul3A_265, %mul3A_1565 : i32
        %add3A_1567 = arith.constant 10 : i32
        %add3A_1568 = arith.addi %add3A_1566, %add3A_1567 : i32
        %get3A_1569 = arith.index_cast %add3A_1568 : i32 to index
        %get3A_1570 = arith.constant 0 : index
        %get3A_1571 = tpu.vector_load %arg11[%get3A_1569, %get3A_1570] {strides = array<i32>} : memref<336x128xf32, #tpu.memory_space<vmem>>, vector<1x16xf32>,
        %get3A_1572 = vector.shape_cast %get3A_1571 : vector<1x16xf32> to vector<16xf32>
        %mul3A_1573 = arith.mulf %broadcast_in_dim3A_1563, %get3A_4 : vector<16xf32>
        %add3A_1574 = arith.addf %get3A_1572, %mul3A_1573 : vector<16xf32>
        %max3A_1575 = arith.constant 0.000000e+00 : f32
        %max3A_1576 = vector.broadcast %max3A_1575 : f32 to vector<16xf32>
        %max3A_1577 = arith.maximumf %add3A_1574, %max3A_1576 : vector<16xf32>
        %swap3A_1578 = arith.index_cast %add3A_1568 : i32 to index
        %swap3A_1579 = arith.constant 0 : index
        %swap3A_1580 = tpu.vector_load %arg11[%swap3A_1578, %swap3A_1579] {strides = array<i32>} : memref<336x128xf32, #tpu.memory_space<vmem>>, vector<1x16xf32>,
        %swap3A_1581 = vector.shape_cast %swap3A_1580 : vector<1x16xf32> to vector<16xf32>
        %swap3A_1582 = vector.shape_cast %max3A_1577 : vector<16xf32> to vector<1x16xf32>
        tpu.vector_store %arg11[%swap3A_1578, %swap3A_1579], %swap3A_1582 {strides = array<i32>} : memref<336x128xf32, #tpu.memory_space<vmem>>, vector<1x16xf32>,
        %get3A_1583 = arith.index_cast %add3A_1568 : i32 to index
        %get3A_1584 = arith.constant 16 : index
        %get3A_1585 = tpu.vector_load %arg11[%get3A_1583, %get3A_1584] {strides = array<i32>} : memref<336x128xf32, #tpu.memory_space<vmem>>, vector<1x16xf32>,
        %get3A_1586 = vector.shape_cast %get3A_1585 : vector<1x16xf32> to vector<16xf32>
        %mul3A_1587 = arith.mulf %broadcast_in_dim3A_1563, %get3A_7 : vector<16xf32>
        %add3A_1588 = arith.addf %get3A_1586, %mul3A_1587 : vector<16xf32>
        %max3A_1589 = arith.constant 0.000000e+00 : f32
        %max3A_1590 = vector.broadcast %max3A_1589 : f32 to vector<16xf32>
        %max3A_1591 = arith.maximumf %add3A_1588, %max3A_1590 : vector<16xf32>
        %swap3A_1592 = arith.index_cast %add3A_1568 : i32 to index
        %swap3A_1593 = arith.constant 16 : index
        %swap3A_1594 = tpu.vector_load %arg11[%swap3A_1592, %swap3A_1593] {strides = array<i32>} : memref<336x128xf32, #tpu.memory_space<vmem>>, vector<1x16xf32>,
        %swap3A_1595 = vector.shape_cast %swap3A_1594 : vector<1x16xf32> to vector<16xf32>
        %swap3A_1596 = vector.shape_cast %max3A_1591 : vector<16xf32> to vector<1x16xf32>
        tpu.vector_store %arg11[%swap3A_1592, %swap3A_1593], %swap3A_1596 {strides = array<i32>} : memref<336x128xf32, #tpu.memory_space<vmem>>, vector<1x16xf32>,
        %get3A_1597 = arith.index_cast %add3A_1568 : i32 to index
        %get3A_1598 = arith.constant 32 : index
        %get3A_1599 = tpu.vector_load %arg11[%get3A_1597, %get3A_1598] {strides = array<i32>} : memref<336x128xf32, #tpu.memory_space<vmem>>, vector<1x16xf32>,
        %get3A_1600 = vector.shape_cast %get3A_1599 : vector<1x16xf32> to vector<16xf32>
        %mul3A_1601 = arith.mulf %broadcast_in_dim3A_1563, %get3A_10 : vector<16xf32>
        %add3A_1602 = arith.addf %get3A_1600, %mul3A_1601 : vector<16xf32>
        %max3A_1603 = arith.constant 0.000000e+00 : f32
        %max3A_1604 = vector.broadcast %max3A_1603 : f32 to vector<16xf32>
        %max3A_1605 = arith.maximumf %add3A_1602, %max3A_1604 : vector<16xf32>
        %swap3A_1606 = arith.index_cast %add3A_1568 : i32 to index
        %swap3A_1607 = arith.constant 32 : index
        %swap3A_1608 = tpu.vector_load %arg11[%swap3A_1606, %swap3A_1607] {strides = array<i32>} : memref<336x128xf32, #tpu.memory_space<vmem>>, vector<1x16xf32>,
        %swap3A_1609 = vector.shape_cast %swap3A_1608 : vector<1x16xf32> to vector<16xf32>
        %swap3A_1610 = vector.shape_cast %max3A_1605 : vector<16xf32> to vector<1x16xf32>
        tpu.vector_store %arg11[%swap3A_1606, %swap3A_1607], %swap3A_1610 {strides = array<i32>} : memref<336x128xf32, #tpu.memory_space<vmem>>, vector<1x16xf32>,
        %get3A_1611 = arith.index_cast %add3A_1568 : i32 to index
        %get3A_1612 = arith.constant 48 : index
        %get3A_1613 = tpu.vector_load %arg11[%get3A_1611, %get3A_1612] {strides = array<i32>} : memref<336x128xf32, #tpu.memory_space<vmem>>, vector<1x16xf32>,
        %get3A_1614 = vector.shape_cast %get3A_1613 : vector<1x16xf32> to vector<16xf32>
        %mul3A_1615 = arith.mulf %broadcast_in_dim3A_1563, %get3A_13 : vector<16xf32>
        %add3A_1616 = arith.addf %get3A_1614, %mul3A_1615 : vector<16xf32>
        %max3A_1617 = arith.constant 0.000000e+00 : f32
        %max3A_1618 = vector.broadcast %max3A_1617 : f32 to vector<16xf32>
        %max3A_1619 = arith.maximumf %add3A_1616, %max3A_1618 : vector<16xf32>
        %swap3A_1620 = arith.index_cast %add3A_1568 : i32 to index
        %swap3A_1621 = arith.constant 48 : index
        %swap3A_1622 = tpu.vector_load %arg11[%swap3A_1620, %swap3A_1621] {strides = array<i32>} : memref<336x128xf32, #tpu.memory_space<vmem>>, vector<1x16xf32>,
        %swap3A_1623 = vector.shape_cast %swap3A_1622 : vector<1x16xf32> to vector<16xf32>
        %swap3A_1624 = vector.shape_cast %max3A_1619 : vector<16xf32> to vector<1x16xf32>
        tpu.vector_store %arg11[%swap3A_1620, %swap3A_1621], %swap3A_1624 {strides = array<i32>} : memref<336x128xf32, #tpu.memory_space<vmem>>, vector<1x16xf32>,
        %get3A_1625 = arith.index_cast %add3A_1568 : i32 to index
        %get3A_1626 = arith.constant 64 : index
        %get3A_1627 = tpu.vector_load %arg11[%get3A_1625, %get3A_1626] {strides = array<i32>} : memref<336x128xf32, #tpu.memory_space<vmem>>, vector<1x16xf32>,
        %get3A_1628 = vector.shape_cast %get3A_1627 : vector<1x16xf32> to vector<16xf32>
        %mul3A_1629 = arith.mulf %broadcast_in_dim3A_1563, %get3A_16 : vector<16xf32>
        %add3A_1630 = arith.addf %get3A_1628, %mul3A_1629 : vector<16xf32>
        %max3A_1631 = arith.constant 0.000000e+00 : f32
        %max3A_1632 = vector.broadcast %max3A_1631 : f32 to vector<16xf32>
        %max3A_1633 = arith.maximumf %add3A_1630, %max3A_1632 : vector<16xf32>
        %swap3A_1634 = arith.index_cast %add3A_1568 : i32 to index
        %swap3A_1635 = arith.constant 64 : index
        %swap3A_1636 = tpu.vector_load %arg11[%swap3A_1634, %swap3A_1635] {strides = array<i32>} : memref<336x128xf32, #tpu.memory_space<vmem>>, vector<1x16xf32>,
        %swap3A_1637 = vector.shape_cast %swap3A_1636 : vector<1x16xf32> to vector<16xf32>
        %swap3A_1638 = vector.shape_cast %max3A_1633 : vector<16xf32> to vector<1x16xf32>
        tpu.vector_store %arg11[%swap3A_1634, %swap3A_1635], %swap3A_1638 {strides = array<i32>} : memref<336x128xf32, #tpu.memory_space<vmem>>, vector<1x16xf32>,
        %get3A_1639 = arith.index_cast %add3A_1568 : i32 to index
        %get3A_1640 = arith.constant 80 : index
        %get3A_1641 = tpu.vector_load %arg11[%get3A_1639, %get3A_1640] {strides = array<i32>} : memref<336x128xf32, #tpu.memory_space<vmem>>, vector<1x16xf32>,
        %get3A_1642 = vector.shape_cast %get3A_1641 : vector<1x16xf32> to vector<16xf32>
        %mul3A_1643 = arith.mulf %broadcast_in_dim3A_1563, %get3A_19 : vector<16xf32>
        %add3A_1644 = arith.addf %get3A_1642, %mul3A_1643 : vector<16xf32>
        %max3A_1645 = arith.constant 0.000000e+00 : f32
        %max3A_1646 = vector.broadcast %max3A_1645 : f32 to vector<16xf32>
        %max3A_1647 = arith.maximumf %add3A_1644, %max3A_1646 : vector<16xf32>
        %swap3A_1648 = arith.index_cast %add3A_1568 : i32 to index
        %swap3A_1649 = arith.constant 80 : index
        %swap3A_1650 = tpu.vector_load %arg11[%swap3A_1648, %swap3A_1649] {strides = array<i32>} : memref<336x128xf32, #tpu.memory_space<vmem>>, vector<1x16xf32>,
        %swap3A_1651 = vector.shape_cast %swap3A_1650 : vector<1x16xf32> to vector<16xf32>
        %swap3A_1652 = vector.shape_cast %max3A_1647 : vector<16xf32> to vector<1x16xf32>
        tpu.vector_store %arg11[%swap3A_1648, %swap3A_1649], %swap3A_1652 {strides = array<i32>} : memref<336x128xf32, #tpu.memory_space<vmem>>, vector<1x16xf32>,
        %get3A_1653 = arith.index_cast %add3A_1568 : i32 to index
        %get3A_1654 = arith.constant 96 : index
        %get3A_1655 = tpu.vector_load %arg11[%get3A_1653, %get3A_1654] {strides = array<i32>} : memref<336x128xf32, #tpu.memory_space<vmem>>, vector<1x16xf32>,
        %get3A_1656 = vector.shape_cast %get3A_1655 : vector<1x16xf32> to vector<16xf32>
        %mul3A_1657 = arith.mulf %broadcast_in_dim3A_1563, %get3A_22 : vector<16xf32>
        %add3A_1658 = arith.addf %get3A_1656, %mul3A_1657 : vector<16xf32>
        %max3A_1659 = arith.constant 0.000000e+00 : f32
        %max3A_1660 = vector.broadcast %max3A_1659 : f32 to vector<16xf32>
        %max3A_1661 = arith.maximumf %add3A_1658, %max3A_1660 : vector<16xf32>
        %swap3A_1662 = arith.index_cast %add3A_1568 : i32 to index
        %swap3A_1663 = arith.constant 96 : index
        %swap3A_1664 = tpu.vector_load %arg11[%swap3A_1662, %swap3A_1663] {strides = array<i32>} : memref<336x128xf32, #tpu.memory_space<vmem>>, vector<1x16xf32>,
        %swap3A_1665 = vector.shape_cast %swap3A_1664 : vector<1x16xf32> to vector<16xf32>
        %swap3A_1666 = vector.shape_cast %max3A_1661 : vector<16xf32> to vector<1x16xf32>
        tpu.vector_store %arg11[%swap3A_1662, %swap3A_1663], %swap3A_1666 {strides = array<i32>} : memref<336x128xf32, #tpu.memory_space<vmem>>, vector<1x16xf32>,
        %get3A_1667 = arith.index_cast %add3A_1568 : i32 to index
        %get3A_1668 = arith.constant 112 : index
        %get3A_1669 = tpu.vector_load %arg11[%get3A_1667, %get3A_1668] {strides = array<i32>} : memref<336x128xf32, #tpu.memory_space<vmem>>, vector<1x16xf32>,
        %get3A_1670 = vector.shape_cast %get3A_1669 : vector<1x16xf32> to vector<16xf32>
        %mul3A_1671 = arith.mulf %broadcast_in_dim3A_1563, %get3A_25 : vector<16xf32>
        %add3A_1672 = arith.addf %get3A_1670, %mul3A_1671 : vector<16xf32>
        %max3A_1673 = arith.constant 0.000000e+00 : f32
        %max3A_1674 = vector.broadcast %max3A_1673 : f32 to vector<16xf32>
        %max3A_1675 = arith.maximumf %add3A_1672, %max3A_1674 : vector<16xf32>
        %swap3A_1676 = arith.index_cast %add3A_1568 : i32 to index
        %swap3A_1677 = arith.constant 112 : index
        %swap3A_1678 = tpu.vector_load %arg11[%swap3A_1676, %swap3A_1677] {strides = array<i32>} : memref<336x128xf32, #tpu.memory_space<vmem>>, vector<1x16xf32>,
        %swap3A_1679 = vector.shape_cast %swap3A_1678 : vector<1x16xf32> to vector<16xf32>
        %swap3A_1680 = vector.shape_cast %max3A_1675 : vector<16xf32> to vector<1x16xf32>
        tpu.vector_store %arg11[%swap3A_1676, %swap3A_1677], %swap3A_1680 {strides = array<i32>} : memref<336x128xf32, #tpu.memory_space<vmem>>, vector<1x16xf32>,
        %slice3A_1681 = vector.extract_strided_slice %get3A_365 {offsets = [11], sizes = [1], strides = [1]} : vector<16xf32> to vector<1xf32>
        %squeeze3A_1682 = vector.extract %slice3A_1681[0] : f32 from vector<1xf32>
        %broadcast_in_dim3A_1683 = vector.broadcast %squeeze3A_1682 : f32 to vector<16xf32>
        %mul3A_1684 = arith.constant 16 : i32
        %mul3A_1685 = arith.muli %scan3A_358, %mul3A_1684 : i32
        %add3A_1686 = arith.addi %mul3A_265, %mul3A_1685 : i32
        %add3A_1687 = arith.constant 11 : i32
        %add3A_1688 = arith.addi %add3A_1686, %add3A_1687 : i32
        %get3A_1689 = arith.index_cast %add3A_1688 : i32 to index
        %get3A_1690 = arith.constant 0 : index
        %get3A_1691 = tpu.vector_load %arg11[%get3A_1689, %get3A_1690] {strides = array<i32>} : memref<336x128xf32, #tpu.memory_space<vmem>>, vector<1x16xf32>,
        %get3A_1692 = vector.shape_cast %get3A_1691 : vector<1x16xf32> to vector<16xf32>
        %mul3A_1693 = arith.mulf %broadcast_in_dim3A_1683, %get3A_4 : vector<16xf32>
        %add3A_1694 = arith.addf %get3A_1692, %mul3A_1693 : vector<16xf32>
        %max3A_1695 = arith.constant 0.000000e+00 : f32
        %max3A_1696 = vector.broadcast %max3A_1695 : f32 to vector<16xf32>
        %max3A_1697 = arith.maximumf %add3A_1694, %max3A_1696 : vector<16xf32>
        %swap3A_1698 = arith.index_cast %add3A_1688 : i32 to index
        %swap3A_1699 = arith.constant 0 : index
        %swap3A_1700 = tpu.vector_load %arg11[%swap3A_1698, %swap3A_1699] {strides = array<i32>} : memref<336x128xf32, #tpu.memory_space<vmem>>, vector<1x16xf32>,
        %swap3A_1701 = vector.shape_cast %swap3A_1700 : vector<1x16xf32> to vector<16xf32>
        %swap3A_1702 = vector.shape_cast %max3A_1697 : vector<16xf32> to vector<1x16xf32>
        tpu.vector_store %arg11[%swap3A_1698, %swap3A_1699], %swap3A_1702 {strides = array<i32>} : memref<336x128xf32, #tpu.memory_space<vmem>>, vector<1x16xf32>,
        %get3A_1703 = arith.index_cast %add3A_1688 : i32 to index
        %get3A_1704 = arith.constant 16 : index
        %get3A_1705 = tpu.vector_load %arg11[%get3A_1703, %get3A_1704] {strides = array<i32>} : memref<336x128xf32, #tpu.memory_space<vmem>>, vector<1x16xf32>,
        %get3A_1706 = vector.shape_cast %get3A_1705 : vector<1x16xf32> to vector<16xf32>
        %mul3A_1707 = arith.mulf %broadcast_in_dim3A_1683, %get3A_7 : vector<16xf32>
        %add3A_1708 = arith.addf %get3A_1706, %mul3A_1707 : vector<16xf32>
        %max3A_1709 = arith.constant 0.000000e+00 : f32
        %max3A_1710 = vector.broadcast %max3A_1709 : f32 to vector<16xf32>
        %max3A_1711 = arith.maximumf %add3A_1708, %max3A_1710 : vector<16xf32>
        %swap3A_1712 = arith.index_cast %add3A_1688 : i32 to index
        %swap3A_1713 = arith.constant 16 : index
        %swap3A_1714 = tpu.vector_load %arg11[%swap3A_1712, %swap3A_1713] {strides = array<i32>} : memref<336x128xf32, #tpu.memory_space<vmem>>, vector<1x16xf32>,
        %swap3A_1715 = vector.shape_cast %swap3A_1714 : vector<1x16xf32> to vector<16xf32>
        %swap3A_1716 = vector.shape_cast %max3A_1711 : vector<16xf32> to vector<1x16xf32>
        tpu.vector_store %arg11[%swap3A_1712, %swap3A_1713], %swap3A_1716 {strides = array<i32>} : memref<336x128xf32, #tpu.memory_space<vmem>>, vector<1x16xf32>,
        %get3A_1717 = arith.index_cast %add3A_1688 : i32 to index
        %get3A_1718 = arith.constant 32 : index
        %get3A_1719 = tpu.vector_load %arg11[%get3A_1717, %get3A_1718] {strides = array<i32>} : memref<336x128xf32, #tpu.memory_space<vmem>>, vector<1x16xf32>,
        %get3A_1720 = vector.shape_cast %get3A_1719 : vector<1x16xf32> to vector<16xf32>
        %mul3A_1721 = arith.mulf %broadcast_in_dim3A_1683, %get3A_10 : vector<16xf32>
        %add3A_1722 = arith.addf %get3A_1720, %mul3A_1721 : vector<16xf32>
        %max3A_1723 = arith.constant 0.000000e+00 : f32
        %max3A_1724 = vector.broadcast %max3A_1723 : f32 to vector<16xf32>
        %max3A_1725 = arith.maximumf %add3A_1722, %max3A_1724 : vector<16xf32>
        %swap3A_1726 = arith.index_cast %add3A_1688 : i32 to index
        %swap3A_1727 = arith.constant 32 : index
        %swap3A_1728 = tpu.vector_load %arg11[%swap3A_1726, %swap3A_1727] {strides = array<i32>} : memref<336x128xf32, #tpu.memory_space<vmem>>, vector<1x16xf32>,
        %swap3A_1729 = vector.shape_cast %swap3A_1728 : vector<1x16xf32> to vector<16xf32>
        %swap3A_1730 = vector.shape_cast %max3A_1725 : vector<16xf32> to vector<1x16xf32>
        tpu.vector_store %arg11[%swap3A_1726, %swap3A_1727], %swap3A_1730 {strides = array<i32>} : memref<336x128xf32, #tpu.memory_space<vmem>>, vector<1x16xf32>,
        %get3A_1731 = arith.index_cast %add3A_1688 : i32 to index
        %get3A_1732 = arith.constant 48 : index
        %get3A_1733 = tpu.vector_load %arg11[%get3A_1731, %get3A_1732] {strides = array<i32>} : memref<336x128xf32, #tpu.memory_space<vmem>>, vector<1x16xf32>,
        %get3A_1734 = vector.shape_cast %get3A_1733 : vector<1x16xf32> to vector<16xf32>
        %mul3A_1735 = arith.mulf %broadcast_in_dim3A_1683, %get3A_13 : vector<16xf32>
        %add3A_1736 = arith.addf %get3A_1734, %mul3A_1735 : vector<16xf32>
        %max3A_1737 = arith.constant 0.000000e+00 : f32
        %max3A_1738 = vector.broadcast %max3A_1737 : f32 to vector<16xf32>
        %max3A_1739 = arith.maximumf %add3A_1736, %max3A_1738 : vector<16xf32>
        %swap3A_1740 = arith.index_cast %add3A_1688 : i32 to index
        %swap3A_1741 = arith.constant 48 : index
        %swap3A_1742 = tpu.vector_load %arg11[%swap3A_1740, %swap3A_1741] {strides = array<i32>} : memref<336x128xf32, #tpu.memory_space<vmem>>, vector<1x16xf32>,
        %swap3A_1743 = vector.shape_cast %swap3A_1742 : vector<1x16xf32> to vector<16xf32>
        %swap3A_1744 = vector.shape_cast %max3A_1739 : vector<16xf32> to vector<1x16xf32>
        tpu.vector_store %arg11[%swap3A_1740, %swap3A_1741], %swap3A_1744 {strides = array<i32>} : memref<336x128xf32, #tpu.memory_space<vmem>>, vector<1x16xf32>,
        %get3A_1745 = arith.index_cast %add3A_1688 : i32 to index
        %get3A_1746 = arith.constant 64 : index
        %get3A_1747 = tpu.vector_load %arg11[%get3A_1745, %get3A_1746] {strides = array<i32>} : memref<336x128xf32, #tpu.memory_space<vmem>>, vector<1x16xf32>,
        %get3A_1748 = vector.shape_cast %get3A_1747 : vector<1x16xf32> to vector<16xf32>
        %mul3A_1749 = arith.mulf %broadcast_in_dim3A_1683, %get3A_16 : vector<16xf32>
        %add3A_1750 = arith.addf %get3A_1748, %mul3A_1749 : vector<16xf32>
        %max3A_1751 = arith.constant 0.000000e+00 : f32
        %max3A_1752 = vector.broadcast %max3A_1751 : f32 to vector<16xf32>
        %max3A_1753 = arith.maximumf %add3A_1750, %max3A_1752 : vector<16xf32>
        %swap3A_1754 = arith.index_cast %add3A_1688 : i32 to index
        %swap3A_1755 = arith.constant 64 : index
        %swap3A_1756 = tpu.vector_load %arg11[%swap3A_1754, %swap3A_1755] {strides = array<i32>} : memref<336x128xf32, #tpu.memory_space<vmem>>, vector<1x16xf32>,
        %swap3A_1757 = vector.shape_cast %swap3A_1756 : vector<1x16xf32> to vector<16xf32>
        %swap3A_1758 = vector.shape_cast %max3A_1753 : vector<16xf32> to vector<1x16xf32>
        tpu.vector_store %arg11[%swap3A_1754, %swap3A_1755], %swap3A_1758 {strides = array<i32>} : memref<336x128xf32, #tpu.memory_space<vmem>>, vector<1x16xf32>,
        %get3A_1759 = arith.index_cast %add3A_1688 : i32 to index
        %get3A_1760 = arith.constant 80 : index
        %get3A_1761 = tpu.vector_load %arg11[%get3A_1759, %get3A_1760] {strides = array<i32>} : memref<336x128xf32, #tpu.memory_space<vmem>>, vector<1x16xf32>,
        %get3A_1762 = vector.shape_cast %get3A_1761 : vector<1x16xf32> to vector<16xf32>
        %mul3A_1763 = arith.mulf %broadcast_in_dim3A_1683, %get3A_19 : vector<16xf32>
        %add3A_1764 = arith.addf %get3A_1762, %mul3A_1763 : vector<16xf32>
        %max3A_1765 = arith.constant 0.000000e+00 : f32
        %max3A_1766 = vector.broadcast %max3A_1765 : f32 to vector<16xf32>
        %max3A_1767 = arith.maximumf %add3A_1764, %max3A_1766 : vector<16xf32>
        %swap3A_1768 = arith.index_cast %add3A_1688 : i32 to index
        %swap3A_1769 = arith.constant 80 : index
        %swap3A_1770 = tpu.vector_load %arg11[%swap3A_1768, %swap3A_1769] {strides = array<i32>} : memref<336x128xf32, #tpu.memory_space<vmem>>, vector<1x16xf32>,
        %swap3A_1771 = vector.shape_cast %swap3A_1770 : vector<1x16xf32> to vector<16xf32>
        %swap3A_1772 = vector.shape_cast %max3A_1767 : vector<16xf32> to vector<1x16xf32>
        tpu.vector_store %arg11[%swap3A_1768, %swap3A_1769], %swap3A_1772 {strides = array<i32>} : memref<336x128xf32, #tpu.memory_space<vmem>>, vector<1x16xf32>,
        %get3A_1773 = arith.index_cast %add3A_1688 : i32 to index
        %get3A_1774 = arith.constant 96 : index
        %get3A_1775 = tpu.vector_load %arg11[%get3A_1773, %get3A_1774] {strides = array<i32>} : memref<336x128xf32, #tpu.memory_space<vmem>>, vector<1x16xf32>,
        %get3A_1776 = vector.shape_cast %get3A_1775 : vector<1x16xf32> to vector<16xf32>
        %mul3A_1777 = arith.mulf %broadcast_in_dim3A_1683, %get3A_22 : vector<16xf32>
        %add3A_1778 = arith.addf %get3A_1776, %mul3A_1777 : vector<16xf32>
        %max3A_1779 = arith.constant 0.000000e+00 : f32
        %max3A_1780 = vector.broadcast %max3A_1779 : f32 to vector<16xf32>
        %max3A_1781 = arith.maximumf %add3A_1778, %max3A_1780 : vector<16xf32>
        %swap3A_1782 = arith.index_cast %add3A_1688 : i32 to index
        %swap3A_1783 = arith.constant 96 : index
        %swap3A_1784 = tpu.vector_load %arg11[%swap3A_1782, %swap3A_1783] {strides = array<i32>} : memref<336x128xf32, #tpu.memory_space<vmem>>, vector<1x16xf32>,
        %swap3A_1785 = vector.shape_cast %swap3A_1784 : vector<1x16xf32> to vector<16xf32>
        %swap3A_1786 = vector.shape_cast %max3A_1781 : vector<16xf32> to vector<1x16xf32>
        tpu.vector_store %arg11[%swap3A_1782, %swap3A_1783], %swap3A_1786 {strides = array<i32>} : memref<336x128xf32, #tpu.memory_space<vmem>>, vector<1x16xf32>,
        %get3A_1787 = arith.index_cast %add3A_1688 : i32 to index
        %get3A_1788 = arith.constant 112 : index
        %get3A_1789 = tpu.vector_load %arg11[%get3A_1787, %get3A_1788] {strides = array<i32>} : memref<336x128xf32, #tpu.memory_space<vmem>>, vector<1x16xf32>,
        %get3A_1790 = vector.shape_cast %get3A_1789 : vector<1x16xf32> to vector<16xf32>
        %mul3A_1791 = arith.mulf %broadcast_in_dim3A_1683, %get3A_25 : vector<16xf32>
        %add3A_1792 = arith.addf %get3A_1790, %mul3A_1791 : vector<16xf32>
        %max3A_1793 = arith.constant 0.000000e+00 : f32
        %max3A_1794 = vector.broadcast %max3A_1793 : f32 to vector<16xf32>
        %max3A_1795 = arith.maximumf %add3A_1792, %max3A_1794 : vector<16xf32>
        %swap3A_1796 = arith.index_cast %add3A_1688 : i32 to index
        %swap3A_1797 = arith.constant 112 : index
        %swap3A_1798 = tpu.vector_load %arg11[%swap3A_1796, %swap3A_1797] {strides = array<i32>} : memref<336x128xf32, #tpu.memory_space<vmem>>, vector<1x16xf32>,
        %swap3A_1799 = vector.shape_cast %swap3A_1798 : vector<1x16xf32> to vector<16xf32>
        %swap3A_1800 = vector.shape_cast %max3A_1795 : vector<16xf32> to vector<1x16xf32>
        tpu.vector_store %arg11[%swap3A_1796, %swap3A_1797], %swap3A_1800 {strides = array<i32>} : memref<336x128xf32, #tpu.memory_space<vmem>>, vector<1x16xf32>,
        %slice3A_1801 = vector.extract_strided_slice %get3A_365 {offsets = [12], sizes = [1], strides = [1]} : vector<16xf32> to vector<1xf32>
        %squeeze3A_1802 = vector.extract %slice3A_1801[0] : f32 from vector<1xf32>
        %broadcast_in_dim3A_1803 = vector.broadcast %squeeze3A_1802 : f32 to vector<16xf32>
        %mul3A_1804 = arith.constant 16 : i32
        %mul3A_1805 = arith.muli %scan3A_358, %mul3A_1804 : i32
        %add3A_1806 = arith.addi %mul3A_265, %mul3A_1805 : i32
        %add3A_1807 = arith.constant 12 : i32
        %add3A_1808 = arith.addi %add3A_1806, %add3A_1807 : i32
        %get3A_1809 = arith.index_cast %add3A_1808 : i32 to index
        %get3A_1810 = arith.constant 0 : index
        %get3A_1811 = tpu.vector_load %arg11[%get3A_1809, %get3A_1810] {strides = array<i32>} : memref<336x128xf32, #tpu.memory_space<vmem>>, vector<1x16xf32>,
        %get3A_1812 = vector.shape_cast %get3A_1811 : vector<1x16xf32> to vector<16xf32>
        %mul3A_1813 = arith.mulf %broadcast_in_dim3A_1803, %get3A_4 : vector<16xf32>
        %add3A_1814 = arith.addf %get3A_1812, %mul3A_1813 : vector<16xf32>
        %max3A_1815 = arith.constant 0.000000e+00 : f32
        %max3A_1816 = vector.broadcast %max3A_1815 : f32 to vector<16xf32>
        %max3A_1817 = arith.maximumf %add3A_1814, %max3A_1816 : vector<16xf32>
        %swap3A_1818 = arith.index_cast %add3A_1808 : i32 to index
        %swap3A_1819 = arith.constant 0 : index
        %swap3A_1820 = tpu.vector_load %arg11[%swap3A_1818, %swap3A_1819] {strides = array<i32>} : memref<336x128xf32, #tpu.memory_space<vmem>>, vector<1x16xf32>,
        %swap3A_1821 = vector.shape_cast %swap3A_1820 : vector<1x16xf32> to vector<16xf32>
        %swap3A_1822 = vector.shape_cast %max3A_1817 : vector<16xf32> to vector<1x16xf32>
        tpu.vector_store %arg11[%swap3A_1818, %swap3A_1819], %swap3A_1822 {strides = array<i32>} : memref<336x128xf32, #tpu.memory_space<vmem>>, vector<1x16xf32>,
        %get3A_1823 = arith.index_cast %add3A_1808 : i32 to index
        %get3A_1824 = arith.constant 16 : index
        %get3A_1825 = tpu.vector_load %arg11[%get3A_1823, %get3A_1824] {strides = array<i32>} : memref<336x128xf32, #tpu.memory_space<vmem>>, vector<1x16xf32>,
        %get3A_1826 = vector.shape_cast %get3A_1825 : vector<1x16xf32> to vector<16xf32>
        %mul3A_1827 = arith.mulf %broadcast_in_dim3A_1803, %get3A_7 : vector<16xf32>
        %add3A_1828 = arith.addf %get3A_1826, %mul3A_1827 : vector<16xf32>
        %max3A_1829 = arith.constant 0.000000e+00 : f32
        %max3A_1830 = vector.broadcast %max3A_1829 : f32 to vector<16xf32>
        %max3A_1831 = arith.maximumf %add3A_1828, %max3A_1830 : vector<16xf32>
        %swap3A_1832 = arith.index_cast %add3A_1808 : i32 to index
        %swap3A_1833 = arith.constant 16 : index
        %swap3A_1834 = tpu.vector_load %arg11[%swap3A_1832, %swap3A_1833] {strides = array<i32>} : memref<336x128xf32, #tpu.memory_space<vmem>>, vector<1x16xf32>,
        %swap3A_1835 = vector.shape_cast %swap3A_1834 : vector<1x16xf32> to vector<16xf32>
        %swap3A_1836 = vector.shape_cast %max3A_1831 : vector<16xf32> to vector<1x16xf32>
        tpu.vector_store %arg11[%swap3A_1832, %swap3A_1833], %swap3A_1836 {strides = array<i32>} : memref<336x128xf32, #tpu.memory_space<vmem>>, vector<1x16xf32>,
        %get3A_1837 = arith.index_cast %add3A_1808 : i32 to index
        %get3A_1838 = arith.constant 32 : index
        %get3A_1839 = tpu.vector_load %arg11[%get3A_1837, %get3A_1838] {strides = array<i32>} : memref<336x128xf32, #tpu.memory_space<vmem>>, vector<1x16xf32>,
        %get3A_1840 = vector.shape_cast %get3A_1839 : vector<1x16xf32> to vector<16xf32>
        %mul3A_1841 = arith.mulf %broadcast_in_dim3A_1803, %get3A_10 : vector<16xf32>
        %add3A_1842 = arith.addf %get3A_1840, %mul3A_1841 : vector<16xf32>
        %max3A_1843 = arith.constant 0.000000e+00 : f32
        %max3A_1844 = vector.broadcast %max3A_1843 : f32 to vector<16xf32>
        %max3A_1845 = arith.maximumf %add3A_1842, %max3A_1844 : vector<16xf32>
        %swap3A_1846 = arith.index_cast %add3A_1808 : i32 to index
        %swap3A_1847 = arith.constant 32 : index
        %swap3A_1848 = tpu.vector_load %arg11[%swap3A_1846, %swap3A_1847] {strides = array<i32>} : memref<336x128xf32, #tpu.memory_space<vmem>>, vector<1x16xf32>,
        %swap3A_1849 = vector.shape_cast %swap3A_1848 : vector<1x16xf32> to vector<16xf32>
        %swap3A_1850 = vector.shape_cast %max3A_1845 : vector<16xf32> to vector<1x16xf32>
        tpu.vector_store %arg11[%swap3A_1846, %swap3A_1847], %swap3A_1850 {strides = array<i32>} : memref<336x128xf32, #tpu.memory_space<vmem>>, vector<1x16xf32>,
        %get3A_1851 = arith.index_cast %add3A_1808 : i32 to index
        %get3A_1852 = arith.constant 48 : index
        %get3A_1853 = tpu.vector_load %arg11[%get3A_1851, %get3A_1852] {strides = array<i32>} : memref<336x128xf32, #tpu.memory_space<vmem>>, vector<1x16xf32>,
        %get3A_1854 = vector.shape_cast %get3A_1853 : vector<1x16xf32> to vector<16xf32>
        %mul3A_1855 = arith.mulf %broadcast_in_dim3A_1803, %get3A_13 : vector<16xf32>
        %add3A_1856 = arith.addf %get3A_1854, %mul3A_1855 : vector<16xf32>
        %max3A_1857 = arith.constant 0.000000e+00 : f32
        %max3A_1858 = vector.broadcast %max3A_1857 : f32 to vector<16xf32>
        %max3A_1859 = arith.maximumf %add3A_1856, %max3A_1858 : vector<16xf32>
        %swap3A_1860 = arith.index_cast %add3A_1808 : i32 to index
        %swap3A_1861 = arith.constant 48 : index
        %swap3A_1862 = tpu.vector_load %arg11[%swap3A_1860, %swap3A_1861] {strides = array<i32>} : memref<336x128xf32, #tpu.memory_space<vmem>>, vector<1x16xf32>,
        %swap3A_1863 = vector.shape_cast %swap3A_1862 : vector<1x16xf32> to vector<16xf32>
        %swap3A_1864 = vector.shape_cast %max3A_1859 : vector<16xf32> to vector<1x16xf32>
        tpu.vector_store %arg11[%swap3A_1860, %swap3A_1861], %swap3A_1864 {strides = array<i32>} : memref<336x128xf32, #tpu.memory_space<vmem>>, vector<1x16xf32>,
        %get3A_1865 = arith.index_cast %add3A_1808 : i32 to index
        %get3A_1866 = arith.constant 64 : index
        %get3A_1867 = tpu.vector_load %arg11[%get3A_1865, %get3A_1866] {strides = array<i32>} : memref<336x128xf32, #tpu.memory_space<vmem>>, vector<1x16xf32>,
        %get3A_1868 = vector.shape_cast %get3A_1867 : vector<1x16xf32> to vector<16xf32>
        %mul3A_1869 = arith.mulf %broadcast_in_dim3A_1803, %get3A_16 : vector<16xf32>
        %add3A_1870 = arith.addf %get3A_1868, %mul3A_1869 : vector<16xf32>
        %max3A_1871 = arith.constant 0.000000e+00 : f32
        %max3A_1872 = vector.broadcast %max3A_1871 : f32 to vector<16xf32>
        %max3A_1873 = arith.maximumf %add3A_1870, %max3A_1872 : vector<16xf32>
        %swap3A_1874 = arith.index_cast %add3A_1808 : i32 to index
        %swap3A_1875 = arith.constant 64 : index
        %swap3A_1876 = tpu.vector_load %arg11[%swap3A_1874, %swap3A_1875] {strides = array<i32>} : memref<336x128xf32, #tpu.memory_space<vmem>>, vector<1x16xf32>,
        %swap3A_1877 = vector.shape_cast %swap3A_1876 : vector<1x16xf32> to vector<16xf32>
        %swap3A_1878 = vector.shape_cast %max3A_1873 : vector<16xf32> to vector<1x16xf32>
        tpu.vector_store %arg11[%swap3A_1874, %swap3A_1875], %swap3A_1878 {strides = array<i32>} : memref<336x128xf32, #tpu.memory_space<vmem>>, vector<1x16xf32>,
        %get3A_1879 = arith.index_cast %add3A_1808 : i32 to index
        %get3A_1880 = arith.constant 80 : index
        %get3A_1881 = tpu.vector_load %arg11[%get3A_1879, %get3A_1880] {strides = array<i32>} : memref<336x128xf32, #tpu.memory_space<vmem>>, vector<1x16xf32>,
        %get3A_1882 = vector.shape_cast %get3A_1881 : vector<1x16xf32> to vector<16xf32>
        %mul3A_1883 = arith.mulf %broadcast_in_dim3A_1803, %get3A_19 : vector<16xf32>
        %add3A_1884 = arith.addf %get3A_1882, %mul3A_1883 : vector<16xf32>
        %max3A_1885 = arith.constant 0.000000e+00 : f32
        %max3A_1886 = vector.broadcast %max3A_1885 : f32 to vector<16xf32>
        %max3A_1887 = arith.maximumf %add3A_1884, %max3A_1886 : vector<16xf32>
        %swap3A_1888 = arith.index_cast %add3A_1808 : i32 to index
        %swap3A_1889 = arith.constant 80 : index
        %swap3A_1890 = tpu.vector_load %arg11[%swap3A_1888, %swap3A_1889] {strides = array<i32>} : memref<336x128xf32, #tpu.memory_space<vmem>>, vector<1x16xf32>,
        %swap3A_1891 = vector.shape_cast %swap3A_1890 : vector<1x16xf32> to vector<16xf32>
        %swap3A_1892 = vector.shape_cast %max3A_1887 : vector<16xf32> to vector<1x16xf32>
        tpu.vector_store %arg11[%swap3A_1888, %swap3A_1889], %swap3A_1892 {strides = array<i32>} : memref<336x128xf32, #tpu.memory_space<vmem>>, vector<1x16xf32>,
        %get3A_1893 = arith.index_cast %add3A_1808 : i32 to index
        %get3A_1894 = arith.constant 96 : index
        %get3A_1895 = tpu.vector_load %arg11[%get3A_1893, %get3A_1894] {strides = array<i32>} : memref<336x128xf32, #tpu.memory_space<vmem>>, vector<1x16xf32>,
        %get3A_1896 = vector.shape_cast %get3A_1895 : vector<1x16xf32> to vector<16xf32>
        %mul3A_1897 = arith.mulf %broadcast_in_dim3A_1803, %get3A_22 : vector<16xf32>
        %add3A_1898 = arith.addf %get3A_1896, %mul3A_1897 : vector<16xf32>
        %max3A_1899 = arith.constant 0.000000e+00 : f32
        %max3A_1900 = vector.broadcast %max3A_1899 : f32 to vector<16xf32>
        %max3A_1901 = arith.maximumf %add3A_1898, %max3A_1900 : vector<16xf32>
        %swap3A_1902 = arith.index_cast %add3A_1808 : i32 to index
        %swap3A_1903 = arith.constant 96 : index
        %swap3A_1904 = tpu.vector_load %arg11[%swap3A_1902, %swap3A_1903] {strides = array<i32>} : memref<336x128xf32, #tpu.memory_space<vmem>>, vector<1x16xf32>,
        %swap3A_1905 = vector.shape_cast %swap3A_1904 : vector<1x16xf32> to vector<16xf32>
        %swap3A_1906 = vector.shape_cast %max3A_1901 : vector<16xf32> to vector<1x16xf32>
        tpu.vector_store %arg11[%swap3A_1902, %swap3A_1903], %swap3A_1906 {strides = array<i32>} : memref<336x128xf32, #tpu.memory_space<vmem>>, vector<1x16xf32>,
        %get3A_1907 = arith.index_cast %add3A_1808 : i32 to index
        %get3A_1908 = arith.constant 112 : index
        %get3A_1909 = tpu.vector_load %arg11[%get3A_1907, %get3A_1908] {strides = array<i32>} : memref<336x128xf32, #tpu.memory_space<vmem>>, vector<1x16xf32>,
        %get3A_1910 = vector.shape_cast %get3A_1909 : vector<1x16xf32> to vector<16xf32>
        %mul3A_1911 = arith.mulf %broadcast_in_dim3A_1803, %get3A_25 : vector<16xf32>
        %add3A_1912 = arith.addf %get3A_1910, %mul3A_1911 : vector<16xf32>
        %max3A_1913 = arith.constant 0.000000e+00 : f32
        %max3A_1914 = vector.broadcast %max3A_1913 : f32 to vector<16xf32>
        %max3A_1915 = arith.maximumf %add3A_1912, %max3A_1914 : vector<16xf32>
        %swap3A_1916 = arith.index_cast %add3A_1808 : i32 to index
        %swap3A_1917 = arith.constant 112 : index
        %swap3A_1918 = tpu.vector_load %arg11[%swap3A_1916, %swap3A_1917] {strides = array<i32>} : memref<336x128xf32, #tpu.memory_space<vmem>>, vector<1x16xf32>,
        %swap3A_1919 = vector.shape_cast %swap3A_1918 : vector<1x16xf32> to vector<16xf32>
        %swap3A_1920 = vector.shape_cast %max3A_1915 : vector<16xf32> to vector<1x16xf32>
        tpu.vector_store %arg11[%swap3A_1916, %swap3A_1917], %swap3A_1920 {strides = array<i32>} : memref<336x128xf32, #tpu.memory_space<vmem>>, vector<1x16xf32>,
        %slice3A_1921 = vector.extract_strided_slice %get3A_365 {offsets = [13], sizes = [1], strides = [1]} : vector<16xf32> to vector<1xf32>
        %squeeze3A_1922 = vector.extract %slice3A_1921[0] : f32 from vector<1xf32>
        %broadcast_in_dim3A_1923 = vector.broadcast %squeeze3A_1922 : f32 to vector<16xf32>
        %mul3A_1924 = arith.constant 16 : i32
        %mul3A_1925 = arith.muli %scan3A_358, %mul3A_1924 : i32
        %add3A_1926 = arith.addi %mul3A_265, %mul3A_1925 : i32
        %add3A_1927 = arith.constant 13 : i32
        %add3A_1928 = arith.addi %add3A_1926, %add3A_1927 : i32
        %get3A_1929 = arith.index_cast %add3A_1928 : i32 to index
        %get3A_1930 = arith.constant 0 : index
        %get3A_1931 = tpu.vector_load %arg11[%get3A_1929, %get3A_1930] {strides = array<i32>} : memref<336x128xf32, #tpu.memory_space<vmem>>, vector<1x16xf32>,
        %get3A_1932 = vector.shape_cast %get3A_1931 : vector<1x16xf32> to vector<16xf32>
        %mul3A_1933 = arith.mulf %broadcast_in_dim3A_1923, %get3A_4 : vector<16xf32>
        %add3A_1934 = arith.addf %get3A_1932, %mul3A_1933 : vector<16xf32>
        %max3A_1935 = arith.constant 0.000000e+00 : f32
        %max3A_1936 = vector.broadcast %max3A_1935 : f32 to vector<16xf32>
        %max3A_1937 = arith.maximumf %add3A_1934, %max3A_1936 : vector<16xf32>
        %swap3A_1938 = arith.index_cast %add3A_1928 : i32 to index
        %swap3A_1939 = arith.constant 0 : index
        %swap3A_1940 = tpu.vector_load %arg11[%swap3A_1938, %swap3A_1939] {strides = array<i32>} : memref<336x128xf32, #tpu.memory_space<vmem>>, vector<1x16xf32>,
        %swap3A_1941 = vector.shape_cast %swap3A_1940 : vector<1x16xf32> to vector<16xf32>
        %swap3A_1942 = vector.shape_cast %max3A_1937 : vector<16xf32> to vector<1x16xf32>
        tpu.vector_store %arg11[%swap3A_1938, %swap3A_1939], %swap3A_1942 {strides = array<i32>} : memref<336x128xf32, #tpu.memory_space<vmem>>, vector<1x16xf32>,
        %get3A_1943 = arith.index_cast %add3A_1928 : i32 to index
        %get3A_1944 = arith.constant 16 : index
        %get3A_1945 = tpu.vector_load %arg11[%get3A_1943, %get3A_1944] {strides = array<i32>} : memref<336x128xf32, #tpu.memory_space<vmem>>, vector<1x16xf32>,
        %get3A_1946 = vector.shape_cast %get3A_1945 : vector<1x16xf32> to vector<16xf32>
        %mul3A_1947 = arith.mulf %broadcast_in_dim3A_1923, %get3A_7 : vector<16xf32>
        %add3A_1948 = arith.addf %get3A_1946, %mul3A_1947 : vector<16xf32>
        %max3A_1949 = arith.constant 0.000000e+00 : f32
        %max3A_1950 = vector.broadcast %max3A_1949 : f32 to vector<16xf32>
        %max3A_1951 = arith.maximumf %add3A_1948, %max3A_1950 : vector<16xf32>
        %swap3A_1952 = arith.index_cast %add3A_1928 : i32 to index
        %swap3A_1953 = arith.constant 16 : index
        %swap3A_1954 = tpu.vector_load %arg11[%swap3A_1952, %swap3A_1953] {strides = array<i32>} : memref<336x128xf32, #tpu.memory_space<vmem>>, vector<1x16xf32>,
        %swap3A_1955 = vector.shape_cast %swap3A_1954 : vector<1x16xf32> to vector<16xf32>
        %swap3A_1956 = vector.shape_cast %max3A_1951 : vector<16xf32> to vector<1x16xf32>
        tpu.vector_store %arg11[%swap3A_1952, %swap3A_1953], %swap3A_1956 {strides = array<i32>} : memref<336x128xf32, #tpu.memory_space<vmem>>, vector<1x16xf32>,
        %get3A_1957 = arith.index_cast %add3A_1928 : i32 to index
        %get3A_1958 = arith.constant 32 : index
        %get3A_1959 = tpu.vector_load %arg11[%get3A_1957, %get3A_1958] {strides = array<i32>} : memref<336x128xf32, #tpu.memory_space<vmem>>, vector<1x16xf32>,
        %get3A_1960 = vector.shape_cast %get3A_1959 : vector<1x16xf32> to vector<16xf32>
        %mul3A_1961 = arith.mulf %broadcast_in_dim3A_1923, %get3A_10 : vector<16xf32>
        %add3A_1962 = arith.addf %get3A_1960, %mul3A_1961 : vector<16xf32>
        %max3A_1963 = arith.constant 0.000000e+00 : f32
        %max3A_1964 = vector.broadcast %max3A_1963 : f32 to vector<16xf32>
        %max3A_1965 = arith.maximumf %add3A_1962, %max3A_1964 : vector<16xf32>
        %swap3A_1966 = arith.index_cast %add3A_1928 : i32 to index
        %swap3A_1967 = arith.constant 32 : index
        %swap3A_1968 = tpu.vector_load %arg11[%swap3A_1966, %swap3A_1967] {strides = array<i32>} : memref<336x128xf32, #tpu.memory_space<vmem>>, vector<1x16xf32>,
        %swap3A_1969 = vector.shape_cast %swap3A_1968 : vector<1x16xf32> to vector<16xf32>
        %swap3A_1970 = vector.shape_cast %max3A_1965 : vector<16xf32> to vector<1x16xf32>
        tpu.vector_store %arg11[%swap3A_1966, %swap3A_1967], %swap3A_1970 {strides = array<i32>} : memref<336x128xf32, #tpu.memory_space<vmem>>, vector<1x16xf32>,
        %get3A_1971 = arith.index_cast %add3A_1928 : i32 to index
        %get3A_1972 = arith.constant 48 : index
        %get3A_1973 = tpu.vector_load %arg11[%get3A_1971, %get3A_1972] {strides = array<i32>} : memref<336x128xf32, #tpu.memory_space<vmem>>, vector<1x16xf32>,
        %get3A_1974 = vector.shape_cast %get3A_1973 : vector<1x16xf32> to vector<16xf32>
        %mul3A_1975 = arith.mulf %broadcast_in_dim3A_1923, %get3A_13 : vector<16xf32>
        %add3A_1976 = arith.addf %get3A_1974, %mul3A_1975 : vector<16xf32>
        %max3A_1977 = arith.constant 0.000000e+00 : f32
        %max3A_1978 = vector.broadcast %max3A_1977 : f32 to vector<16xf32>
        %max3A_1979 = arith.maximumf %add3A_1976, %max3A_1978 : vector<16xf32>
        %swap3A_1980 = arith.index_cast %add3A_1928 : i32 to index
        %swap3A_1981 = arith.constant 48 : index
        %swap3A_1982 = tpu.vector_load %arg11[%swap3A_1980, %swap3A_1981] {strides = array<i32>} : memref<336x128xf32, #tpu.memory_space<vmem>>, vector<1x16xf32>,
        %swap3A_1983 = vector.shape_cast %swap3A_1982 : vector<1x16xf32> to vector<16xf32>
        %swap3A_1984 = vector.shape_cast %max3A_1979 : vector<16xf32> to vector<1x16xf32>
        tpu.vector_store %arg11[%swap3A_1980, %swap3A_1981], %swap3A_1984 {strides = array<i32>} : memref<336x128xf32, #tpu.memory_space<vmem>>, vector<1x16xf32>,
        %get3A_1985 = arith.index_cast %add3A_1928 : i32 to index
        %get3A_1986 = arith.constant 64 : index
        %get3A_1987 = tpu.vector_load %arg11[%get3A_1985, %get3A_1986] {strides = array<i32>} : memref<336x128xf32, #tpu.memory_space<vmem>>, vector<1x16xf32>,
        %get3A_1988 = vector.shape_cast %get3A_1987 : vector<1x16xf32> to vector<16xf32>
        %mul3A_1989 = arith.mulf %broadcast_in_dim3A_1923, %get3A_16 : vector<16xf32>
        %add3A_1990 = arith.addf %get3A_1988, %mul3A_1989 : vector<16xf32>
        %max3A_1991 = arith.constant 0.000000e+00 : f32
        %max3A_1992 = vector.broadcast %max3A_1991 : f32 to vector<16xf32>
        %max3A_1993 = arith.maximumf %add3A_1990, %max3A_1992 : vector<16xf32>
        %swap3A_1994 = arith.index_cast %add3A_1928 : i32 to index
        %swap3A_1995 = arith.constant 64 : index
        %swap3A_1996 = tpu.vector_load %arg11[%swap3A_1994, %swap3A_1995] {strides = array<i32>} : memref<336x128xf32, #tpu.memory_space<vmem>>, vector<1x16xf32>,
        %swap3A_1997 = vector.shape_cast %swap3A_1996 : vector<1x16xf32> to vector<16xf32>
        %swap3A_1998 = vector.shape_cast %max3A_1993 : vector<16xf32> to vector<1x16xf32>
        tpu.vector_store %arg11[%swap3A_1994, %swap3A_1995], %swap3A_1998 {strides = array<i32>} : memref<336x128xf32, #tpu.memory_space<vmem>>, vector<1x16xf32>,
        %get3A_1999 = arith.index_cast %add3A_1928 : i32 to index
        %get3A_2000 = arith.constant 80 : index
        %get3A_2001 = tpu.vector_load %arg11[%get3A_1999, %get3A_2000] {strides = array<i32>} : memref<336x128xf32, #tpu.memory_space<vmem>>, vector<1x16xf32>,
        %get3A_2002 = vector.shape_cast %get3A_2001 : vector<1x16xf32> to vector<16xf32>
        %mul3A_2003 = arith.mulf %broadcast_in_dim3A_1923, %get3A_19 : vector<16xf32>
        %add3A_2004 = arith.addf %get3A_2002, %mul3A_2003 : vector<16xf32>
        %max3A_2005 = arith.constant 0.000000e+00 : f32
        %max3A_2006 = vector.broadcast %max3A_2005 : f32 to vector<16xf32>
        %max3A_2007 = arith.maximumf %add3A_2004, %max3A_2006 : vector<16xf32>
        %swap3A_2008 = arith.index_cast %add3A_1928 : i32 to index
        %swap3A_2009 = arith.constant 80 : index
        %swap3A_2010 = tpu.vector_load %arg11[%swap3A_2008, %swap3A_2009] {strides = array<i32>} : memref<336x128xf32, #tpu.memory_space<vmem>>, vector<1x16xf32>,
        %swap3A_2011 = vector.shape_cast %swap3A_2010 : vector<1x16xf32> to vector<16xf32>
        %swap3A_2012 = vector.shape_cast %max3A_2007 : vector<16xf32> to vector<1x16xf32>
        tpu.vector_store %arg11[%swap3A_2008, %swap3A_2009], %swap3A_2012 {strides = array<i32>} : memref<336x128xf32, #tpu.memory_space<vmem>>, vector<1x16xf32>,
        %get3A_2013 = arith.index_cast %add3A_1928 : i32 to index
        %get3A_2014 = arith.constant 96 : index
        %get3A_2015 = tpu.vector_load %arg11[%get3A_2013, %get3A_2014] {strides = array<i32>} : memref<336x128xf32, #tpu.memory_space<vmem>>, vector<1x16xf32>,
        %get3A_2016 = vector.shape_cast %get3A_2015 : vector<1x16xf32> to vector<16xf32>
        %mul3A_2017 = arith.mulf %broadcast_in_dim3A_1923, %get3A_22 : vector<16xf32>
        %add3A_2018 = arith.addf %get3A_2016, %mul3A_2017 : vector<16xf32>
        %max3A_2019 = arith.constant 0.000000e+00 : f32
        %max3A_2020 = vector.broadcast %max3A_2019 : f32 to vector<16xf32>
        %max3A_2021 = arith.maximumf %add3A_2018, %max3A_2020 : vector<16xf32>
        %swap3A_2022 = arith.index_cast %add3A_1928 : i32 to index
        %swap3A_2023 = arith.constant 96 : index
        %swap3A_2024 = tpu.vector_load %arg11[%swap3A_2022, %swap3A_2023] {strides = array<i32>} : memref<336x128xf32, #tpu.memory_space<vmem>>, vector<1x16xf32>,
        %swap3A_2025 = vector.shape_cast %swap3A_2024 : vector<1x16xf32> to vector<16xf32>
        %swap3A_2026 = vector.shape_cast %max3A_2021 : vector<16xf32> to vector<1x16xf32>
        tpu.vector_store %arg11[%swap3A_2022, %swap3A_2023], %swap3A_2026 {strides = array<i32>} : memref<336x128xf32, #tpu.memory_space<vmem>>, vector<1x16xf32>,
        %get3A_2027 = arith.index_cast %add3A_1928 : i32 to index
        %get3A_2028 = arith.constant 112 : index
        %get3A_2029 = tpu.vector_load %arg11[%get3A_2027, %get3A_2028] {strides = array<i32>} : memref<336x128xf32, #tpu.memory_space<vmem>>, vector<1x16xf32>,
        %get3A_2030 = vector.shape_cast %get3A_2029 : vector<1x16xf32> to vector<16xf32>
        %mul3A_2031 = arith.mulf %broadcast_in_dim3A_1923, %get3A_25 : vector<16xf32>
        %add3A_2032 = arith.addf %get3A_2030, %mul3A_2031 : vector<16xf32>
        %max3A_2033 = arith.constant 0.000000e+00 : f32
        %max3A_2034 = vector.broadcast %max3A_2033 : f32 to vector<16xf32>
        %max3A_2035 = arith.maximumf %add3A_2032, %max3A_2034 : vector<16xf32>
        %swap3A_2036 = arith.index_cast %add3A_1928 : i32 to index
        %swap3A_2037 = arith.constant 112 : index
        %swap3A_2038 = tpu.vector_load %arg11[%swap3A_2036, %swap3A_2037] {strides = array<i32>} : memref<336x128xf32, #tpu.memory_space<vmem>>, vector<1x16xf32>,
        %swap3A_2039 = vector.shape_cast %swap3A_2038 : vector<1x16xf32> to vector<16xf32>
        %swap3A_2040 = vector.shape_cast %max3A_2035 : vector<16xf32> to vector<1x16xf32>
        tpu.vector_store %arg11[%swap3A_2036, %swap3A_2037], %swap3A_2040 {strides = array<i32>} : memref<336x128xf32, #tpu.memory_space<vmem>>, vector<1x16xf32>,
        %slice3A_2041 = vector.extract_strided_slice %get3A_365 {offsets = [14], sizes = [1], strides = [1]} : vector<16xf32> to vector<1xf32>
        %squeeze3A_2042 = vector.extract %slice3A_2041[0] : f32 from vector<1xf32>
        %broadcast_in_dim3A_2043 = vector.broadcast %squeeze3A_2042 : f32 to vector<16xf32>
        %mul3A_2044 = arith.constant 16 : i32
        %mul3A_2045 = arith.muli %scan3A_358, %mul3A_2044 : i32
        %add3A_2046 = arith.addi %mul3A_265, %mul3A_2045 : i32
        %add3A_2047 = arith.constant 14 : i32
        %add3A_2048 = arith.addi %add3A_2046, %add3A_2047 : i32
        %get3A_2049 = arith.index_cast %add3A_2048 : i32 to index
        %get3A_2050 = arith.constant 0 : index
        %get3A_2051 = tpu.vector_load %arg11[%get3A_2049, %get3A_2050] {strides = array<i32>} : memref<336x128xf32, #tpu.memory_space<vmem>>, vector<1x16xf32>,
        %get3A_2052 = vector.shape_cast %get3A_2051 : vector<1x16xf32> to vector<16xf32>
        %mul3A_2053 = arith.mulf %broadcast_in_dim3A_2043, %get3A_4 : vector<16xf32>
        %add3A_2054 = arith.addf %get3A_2052, %mul3A_2053 : vector<16xf32>
        %max3A_2055 = arith.constant 0.000000e+00 : f32
        %max3A_2056 = vector.broadcast %max3A_2055 : f32 to vector<16xf32>
        %max3A_2057 = arith.maximumf %add3A_2054, %max3A_2056 : vector<16xf32>
        %swap3A_2058 = arith.index_cast %add3A_2048 : i32 to index
        %swap3A_2059 = arith.constant 0 : index
        %swap3A_2060 = tpu.vector_load %arg11[%swap3A_2058, %swap3A_2059] {strides = array<i32>} : memref<336x128xf32, #tpu.memory_space<vmem>>, vector<1x16xf32>,
        %swap3A_2061 = vector.shape_cast %swap3A_2060 : vector<1x16xf32> to vector<16xf32>
        %swap3A_2062 = vector.shape_cast %max3A_2057 : vector<16xf32> to vector<1x16xf32>
        tpu.vector_store %arg11[%swap3A_2058, %swap3A_2059], %swap3A_2062 {strides = array<i32>} : memref<336x128xf32, #tpu.memory_space<vmem>>, vector<1x16xf32>,
        %get3A_2063 = arith.index_cast %add3A_2048 : i32 to index
        %get3A_2064 = arith.constant 16 : index
        %get3A_2065 = tpu.vector_load %arg11[%get3A_2063, %get3A_2064] {strides = array<i32>} : memref<336x128xf32, #tpu.memory_space<vmem>>, vector<1x16xf32>,
        %get3A_2066 = vector.shape_cast %get3A_2065 : vector<1x16xf32> to vector<16xf32>
        %mul3A_2067 = arith.mulf %broadcast_in_dim3A_2043, %get3A_7 : vector<16xf32>
        %add3A_2068 = arith.addf %get3A_2066, %mul3A_2067 : vector<16xf32>
        %max3A_2069 = arith.constant 0.000000e+00 : f32
        %max3A_2070 = vector.broadcast %max3A_2069 : f32 to vector<16xf32>
        %max3A_2071 = arith.maximumf %add3A_2068, %max3A_2070 : vector<16xf32>
        %swap3A_2072 = arith.index_cast %add3A_2048 : i32 to index
        %swap3A_2073 = arith.constant 16 : index
        %swap3A_2074 = tpu.vector_load %arg11[%swap3A_2072, %swap3A_2073] {strides = array<i32>} : memref<336x128xf32, #tpu.memory_space<vmem>>, vector<1x16xf32>,
        %swap3A_2075 = vector.shape_cast %swap3A_2074 : vector<1x16xf32> to vector<16xf32>
        %swap3A_2076 = vector.shape_cast %max3A_2071 : vector<16xf32> to vector<1x16xf32>
        tpu.vector_store %arg11[%swap3A_2072, %swap3A_2073], %swap3A_2076 {strides = array<i32>} : memref<336x128xf32, #tpu.memory_space<vmem>>, vector<1x16xf32>,
        %get3A_2077 = arith.index_cast %add3A_2048 : i32 to index
        %get3A_2078 = arith.constant 32 : index
        %get3A_2079 = tpu.vector_load %arg11[%get3A_2077, %get3A_2078] {strides = array<i32>} : memref<336x128xf32, #tpu.memory_space<vmem>>, vector<1x16xf32>,
        %get3A_2080 = vector.shape_cast %get3A_2079 : vector<1x16xf32> to vector<16xf32>
        %mul3A_2081 = arith.mulf %broadcast_in_dim3A_2043, %get3A_10 : vector<16xf32>
        %add3A_2082 = arith.addf %get3A_2080, %mul3A_2081 : vector<16xf32>
        %max3A_2083 = arith.constant 0.000000e+00 : f32
        %max3A_2084 = vector.broadcast %max3A_2083 : f32 to vector<16xf32>
        %max3A_2085 = arith.maximumf %add3A_2082, %max3A_2084 : vector<16xf32>
        %swap3A_2086 = arith.index_cast %add3A_2048 : i32 to index
        %swap3A_2087 = arith.constant 32 : index
        %swap3A_2088 = tpu.vector_load %arg11[%swap3A_2086, %swap3A_2087] {strides = array<i32>} : memref<336x128xf32, #tpu.memory_space<vmem>>, vector<1x16xf32>,
        %swap3A_2089 = vector.shape_cast %swap3A_2088 : vector<1x16xf32> to vector<16xf32>
        %swap3A_2090 = vector.shape_cast %max3A_2085 : vector<16xf32> to vector<1x16xf32>
        tpu.vector_store %arg11[%swap3A_2086, %swap3A_2087], %swap3A_2090 {strides = array<i32>} : memref<336x128xf32, #tpu.memory_space<vmem>>, vector<1x16xf32>,
        %get3A_2091 = arith.index_cast %add3A_2048 : i32 to index
        %get3A_2092 = arith.constant 48 : index
        %get3A_2093 = tpu.vector_load %arg11[%get3A_2091, %get3A_2092] {strides = array<i32>} : memref<336x128xf32, #tpu.memory_space<vmem>>, vector<1x16xf32>,
        %get3A_2094 = vector.shape_cast %get3A_2093 : vector<1x16xf32> to vector<16xf32>
        %mul3A_2095 = arith.mulf %broadcast_in_dim3A_2043, %get3A_13 : vector<16xf32>
        %add3A_2096 = arith.addf %get3A_2094, %mul3A_2095 : vector<16xf32>
        %max3A_2097 = arith.constant 0.000000e+00 : f32
        %max3A_2098 = vector.broadcast %max3A_2097 : f32 to vector<16xf32>
        %max3A_2099 = arith.maximumf %add3A_2096, %max3A_2098 : vector<16xf32>
        %swap3A_2100 = arith.index_cast %add3A_2048 : i32 to index
        %swap3A_2101 = arith.constant 48 : index
        %swap3A_2102 = tpu.vector_load %arg11[%swap3A_2100, %swap3A_2101] {strides = array<i32>} : memref<336x128xf32, #tpu.memory_space<vmem>>, vector<1x16xf32>,
        %swap3A_2103 = vector.shape_cast %swap3A_2102 : vector<1x16xf32> to vector<16xf32>
        %swap3A_2104 = vector.shape_cast %max3A_2099 : vector<16xf32> to vector<1x16xf32>
        tpu.vector_store %arg11[%swap3A_2100, %swap3A_2101], %swap3A_2104 {strides = array<i32>} : memref<336x128xf32, #tpu.memory_space<vmem>>, vector<1x16xf32>,
        %get3A_2105 = arith.index_cast %add3A_2048 : i32 to index
        %get3A_2106 = arith.constant 64 : index
        %get3A_2107 = tpu.vector_load %arg11[%get3A_2105, %get3A_2106] {strides = array<i32>} : memref<336x128xf32, #tpu.memory_space<vmem>>, vector<1x16xf32>,
        %get3A_2108 = vector.shape_cast %get3A_2107 : vector<1x16xf32> to vector<16xf32>
        %mul3A_2109 = arith.mulf %broadcast_in_dim3A_2043, %get3A_16 : vector<16xf32>
        %add3A_2110 = arith.addf %get3A_2108, %mul3A_2109 : vector<16xf32>
        %max3A_2111 = arith.constant 0.000000e+00 : f32
        %max3A_2112 = vector.broadcast %max3A_2111 : f32 to vector<16xf32>
        %max3A_2113 = arith.maximumf %add3A_2110, %max3A_2112 : vector<16xf32>
        %swap3A_2114 = arith.index_cast %add3A_2048 : i32 to index
        %swap3A_2115 = arith.constant 64 : index
        %swap3A_2116 = tpu.vector_load %arg11[%swap3A_2114, %swap3A_2115] {strides = array<i32>} : memref<336x128xf32, #tpu.memory_space<vmem>>, vector<1x16xf32>,
        %swap3A_2117 = vector.shape_cast %swap3A_2116 : vector<1x16xf32> to vector<16xf32>
        %swap3A_2118 = vector.shape_cast %max3A_2113 : vector<16xf32> to vector<1x16xf32>
        tpu.vector_store %arg11[%swap3A_2114, %swap3A_2115], %swap3A_2118 {strides = array<i32>} : memref<336x128xf32, #tpu.memory_space<vmem>>, vector<1x16xf32>,
        %get3A_2119 = arith.index_cast %add3A_2048 : i32 to index
        %get3A_2120 = arith.constant 80 : index
        %get3A_2121 = tpu.vector_load %arg11[%get3A_2119, %get3A_2120] {strides = array<i32>} : memref<336x128xf32, #tpu.memory_space<vmem>>, vector<1x16xf32>,
        %get3A_2122 = vector.shape_cast %get3A_2121 : vector<1x16xf32> to vector<16xf32>
        %mul3A_2123 = arith.mulf %broadcast_in_dim3A_2043, %get3A_19 : vector<16xf32>
        %add3A_2124 = arith.addf %get3A_2122, %mul3A_2123 : vector<16xf32>
        %max3A_2125 = arith.constant 0.000000e+00 : f32
        %max3A_2126 = vector.broadcast %max3A_2125 : f32 to vector<16xf32>
        %max3A_2127 = arith.maximumf %add3A_2124, %max3A_2126 : vector<16xf32>
        %swap3A_2128 = arith.index_cast %add3A_2048 : i32 to index
        %swap3A_2129 = arith.constant 80 : index
        %swap3A_2130 = tpu.vector_load %arg11[%swap3A_2128, %swap3A_2129] {strides = array<i32>} : memref<336x128xf32, #tpu.memory_space<vmem>>, vector<1x16xf32>,
        %swap3A_2131 = vector.shape_cast %swap3A_2130 : vector<1x16xf32> to vector<16xf32>
        %swap3A_2132 = vector.shape_cast %max3A_2127 : vector<16xf32> to vector<1x16xf32>
        tpu.vector_store %arg11[%swap3A_2128, %swap3A_2129], %swap3A_2132 {strides = array<i32>} : memref<336x128xf32, #tpu.memory_space<vmem>>, vector<1x16xf32>,
        %get3A_2133 = arith.index_cast %add3A_2048 : i32 to index
        %get3A_2134 = arith.constant 96 : index
        %get3A_2135 = tpu.vector_load %arg11[%get3A_2133, %get3A_2134] {strides = array<i32>} : memref<336x128xf32, #tpu.memory_space<vmem>>, vector<1x16xf32>,
        %get3A_2136 = vector.shape_cast %get3A_2135 : vector<1x16xf32> to vector<16xf32>
        %mul3A_2137 = arith.mulf %broadcast_in_dim3A_2043, %get3A_22 : vector<16xf32>
        %add3A_2138 = arith.addf %get3A_2136, %mul3A_2137 : vector<16xf32>
        %max3A_2139 = arith.constant 0.000000e+00 : f32
        %max3A_2140 = vector.broadcast %max3A_2139 : f32 to vector<16xf32>
        %max3A_2141 = arith.maximumf %add3A_2138, %max3A_2140 : vector<16xf32>
        %swap3A_2142 = arith.index_cast %add3A_2048 : i32 to index
        %swap3A_2143 = arith.constant 96 : index
        %swap3A_2144 = tpu.vector_load %arg11[%swap3A_2142, %swap3A_2143] {strides = array<i32>} : memref<336x128xf32, #tpu.memory_space<vmem>>, vector<1x16xf32>,
        %swap3A_2145 = vector.shape_cast %swap3A_2144 : vector<1x16xf32> to vector<16xf32>
        %swap3A_2146 = vector.shape_cast %max3A_2141 : vector<16xf32> to vector<1x16xf32>
        tpu.vector_store %arg11[%swap3A_2142, %swap3A_2143], %swap3A_2146 {strides = array<i32>} : memref<336x128xf32, #tpu.memory_space<vmem>>, vector<1x16xf32>,
        %get3A_2147 = arith.index_cast %add3A_2048 : i32 to index
        %get3A_2148 = arith.constant 112 : index
        %get3A_2149 = tpu.vector_load %arg11[%get3A_2147, %get3A_2148] {strides = array<i32>} : memref<336x128xf32, #tpu.memory_space<vmem>>, vector<1x16xf32>,
        %get3A_2150 = vector.shape_cast %get3A_2149 : vector<1x16xf32> to vector<16xf32>
        %mul3A_2151 = arith.mulf %broadcast_in_dim3A_2043, %get3A_25 : vector<16xf32>
        %add3A_2152 = arith.addf %get3A_2150, %mul3A_2151 : vector<16xf32>
        %max3A_2153 = arith.constant 0.000000e+00 : f32
        %max3A_2154 = vector.broadcast %max3A_2153 : f32 to vector<16xf32>
        %max3A_2155 = arith.maximumf %add3A_2152, %max3A_2154 : vector<16xf32>
        %swap3A_2156 = arith.index_cast %add3A_2048 : i32 to index
        %swap3A_2157 = arith.constant 112 : index
        %swap3A_2158 = tpu.vector_load %arg11[%swap3A_2156, %swap3A_2157] {strides = array<i32>} : memref<336x128xf32, #tpu.memory_space<vmem>>, vector<1x16xf32>,
        %swap3A_2159 = vector.shape_cast %swap3A_2158 : vector<1x16xf32> to vector<16xf32>
        %swap3A_2160 = vector.shape_cast %max3A_2155 : vector<16xf32> to vector<1x16xf32>
        tpu.vector_store %arg11[%swap3A_2156, %swap3A_2157], %swap3A_2160 {strides = array<i32>} : memref<336x128xf32, #tpu.memory_space<vmem>>, vector<1x16xf32>,
        %slice3A_2161 = vector.extract_strided_slice %get3A_365 {offsets = [15], sizes = [1], strides = [1]} : vector<16xf32> to vector<1xf32>
        %squeeze3A_2162 = vector.extract %slice3A_2161[0] : f32 from vector<1xf32>
        %broadcast_in_dim3A_2163 = vector.broadcast %squeeze3A_2162 : f32 to vector<16xf32>
        %mul3A_2164 = arith.constant 16 : i32
        %mul3A_2165 = arith.muli %scan3A_358, %mul3A_2164 : i32
        %add3A_2166 = arith.addi %mul3A_265, %mul3A_2165 : i32
        %add3A_2167 = arith.constant 15 : i32
        %add3A_2168 = arith.addi %add3A_2166, %add3A_2167 : i32
        %get3A_2169 = arith.index_cast %add3A_2168 : i32 to index
        %get3A_2170 = arith.constant 0 : index
        %get3A_2171 = tpu.vector_load %arg11[%get3A_2169, %get3A_2170] {strides = array<i32>} : memref<336x128xf32, #tpu.memory_space<vmem>>, vector<1x16xf32>,
        %get3A_2172 = vector.shape_cast %get3A_2171 : vector<1x16xf32> to vector<16xf32>
        %mul3A_2173 = arith.mulf %broadcast_in_dim3A_2163, %get3A_4 : vector<16xf32>
        %add3A_2174 = arith.addf %get3A_2172, %mul3A_2173 : vector<16xf32>
        %max3A_2175 = arith.constant 0.000000e+00 : f32
        %max3A_2176 = vector.broadcast %max3A_2175 : f32 to vector<16xf32>
        %max3A_2177 = arith.maximumf %add3A_2174, %max3A_2176 : vector<16xf32>
        %swap3A_2178 = arith.index_cast %add3A_2168 : i32 to index
        %swap3A_2179 = arith.constant 0 : index
        %swap3A_2180 = tpu.vector_load %arg11[%swap3A_2178, %swap3A_2179] {strides = array<i32>} : memref<336x128xf32, #tpu.memory_space<vmem>>, vector<1x16xf32>,
        %swap3A_2181 = vector.shape_cast %swap3A_2180 : vector<1x16xf32> to vector<16xf32>
        %swap3A_2182 = vector.shape_cast %max3A_2177 : vector<16xf32> to vector<1x16xf32>
        tpu.vector_store %arg11[%swap3A_2178, %swap3A_2179], %swap3A_2182 {strides = array<i32>} : memref<336x128xf32, #tpu.memory_space<vmem>>, vector<1x16xf32>,
        %get3A_2183 = arith.index_cast %add3A_2168 : i32 to index
        %get3A_2184 = arith.constant 16 : index
        %get3A_2185 = tpu.vector_load %arg11[%get3A_2183, %get3A_2184] {strides = array<i32>} : memref<336x128xf32, #tpu.memory_space<vmem>>, vector<1x16xf32>,
        %get3A_2186 = vector.shape_cast %get3A_2185 : vector<1x16xf32> to vector<16xf32>
        %mul3A_2187 = arith.mulf %broadcast_in_dim3A_2163, %get3A_7 : vector<16xf32>
        %add3A_2188 = arith.addf %get3A_2186, %mul3A_2187 : vector<16xf32>
        %max3A_2189 = arith.constant 0.000000e+00 : f32
        %max3A_2190 = vector.broadcast %max3A_2189 : f32 to vector<16xf32>
        %max3A_2191 = arith.maximumf %add3A_2188, %max3A_2190 : vector<16xf32>
        %swap3A_2192 = arith.index_cast %add3A_2168 : i32 to index
        %swap3A_2193 = arith.constant 16 : index
        %swap3A_2194 = tpu.vector_load %arg11[%swap3A_2192, %swap3A_2193] {strides = array<i32>} : memref<336x128xf32, #tpu.memory_space<vmem>>, vector<1x16xf32>,
        %swap3A_2195 = vector.shape_cast %swap3A_2194 : vector<1x16xf32> to vector<16xf32>
        %swap3A_2196 = vector.shape_cast %max3A_2191 : vector<16xf32> to vector<1x16xf32>
        tpu.vector_store %arg11[%swap3A_2192, %swap3A_2193], %swap3A_2196 {strides = array<i32>} : memref<336x128xf32, #tpu.memory_space<vmem>>, vector<1x16xf32>,
        %get3A_2197 = arith.index_cast %add3A_2168 : i32 to index
        %get3A_2198 = arith.constant 32 : index
        %get3A_2199 = tpu.vector_load %arg11[%get3A_2197, %get3A_2198] {strides = array<i32>} : memref<336x128xf32, #tpu.memory_space<vmem>>, vector<1x16xf32>,
        %get3A_2200 = vector.shape_cast %get3A_2199 : vector<1x16xf32> to vector<16xf32>
        %mul3A_2201 = arith.mulf %broadcast_in_dim3A_2163, %get3A_10 : vector<16xf32>
        %add3A_2202 = arith.addf %get3A_2200, %mul3A_2201 : vector<16xf32>
        %max3A_2203 = arith.constant 0.000000e+00 : f32
        %max3A_2204 = vector.broadcast %max3A_2203 : f32 to vector<16xf32>
        %max3A_2205 = arith.maximumf %add3A_2202, %max3A_2204 : vector<16xf32>
        %swap3A_2206 = arith.index_cast %add3A_2168 : i32 to index
        %swap3A_2207 = arith.constant 32 : index
        %swap3A_2208 = tpu.vector_load %arg11[%swap3A_2206, %swap3A_2207] {strides = array<i32>} : memref<336x128xf32, #tpu.memory_space<vmem>>, vector<1x16xf32>,
        %swap3A_2209 = vector.shape_cast %swap3A_2208 : vector<1x16xf32> to vector<16xf32>
        %swap3A_2210 = vector.shape_cast %max3A_2205 : vector<16xf32> to vector<1x16xf32>
        tpu.vector_store %arg11[%swap3A_2206, %swap3A_2207], %swap3A_2210 {strides = array<i32>} : memref<336x128xf32, #tpu.memory_space<vmem>>, vector<1x16xf32>,
        %get3A_2211 = arith.index_cast %add3A_2168 : i32 to index
        %get3A_2212 = arith.constant 48 : index
        %get3A_2213 = tpu.vector_load %arg11[%get3A_2211, %get3A_2212] {strides = array<i32>} : memref<336x128xf32, #tpu.memory_space<vmem>>, vector<1x16xf32>,
        %get3A_2214 = vector.shape_cast %get3A_2213 : vector<1x16xf32> to vector<16xf32>
        %mul3A_2215 = arith.mulf %broadcast_in_dim3A_2163, %get3A_13 : vector<16xf32>
        %add3A_2216 = arith.addf %get3A_2214, %mul3A_2215 : vector<16xf32>
        %max3A_2217 = arith.constant 0.000000e+00 : f32
        %max3A_2218 = vector.broadcast %max3A_2217 : f32 to vector<16xf32>
        %max3A_2219 = arith.maximumf %add3A_2216, %max3A_2218 : vector<16xf32>
        %swap3A_2220 = arith.index_cast %add3A_2168 : i32 to index
        %swap3A_2221 = arith.constant 48 : index
        %swap3A_2222 = tpu.vector_load %arg11[%swap3A_2220, %swap3A_2221] {strides = array<i32>} : memref<336x128xf32, #tpu.memory_space<vmem>>, vector<1x16xf32>,
        %swap3A_2223 = vector.shape_cast %swap3A_2222 : vector<1x16xf32> to vector<16xf32>
        %swap3A_2224 = vector.shape_cast %max3A_2219 : vector<16xf32> to vector<1x16xf32>
        tpu.vector_store %arg11[%swap3A_2220, %swap3A_2221], %swap3A_2224 {strides = array<i32>} : memref<336x128xf32, #tpu.memory_space<vmem>>, vector<1x16xf32>,
        %get3A_2225 = arith.index_cast %add3A_2168 : i32 to index
        %get3A_2226 = arith.constant 64 : index
        %get3A_2227 = tpu.vector_load %arg11[%get3A_2225, %get3A_2226] {strides = array<i32>} : memref<336x128xf32, #tpu.memory_space<vmem>>, vector<1x16xf32>,
        %get3A_2228 = vector.shape_cast %get3A_2227 : vector<1x16xf32> to vector<16xf32>
        %mul3A_2229 = arith.mulf %broadcast_in_dim3A_2163, %get3A_16 : vector<16xf32>
        %add3A_2230 = arith.addf %get3A_2228, %mul3A_2229 : vector<16xf32>
        %max3A_2231 = arith.constant 0.000000e+00 : f32
        %max3A_2232 = vector.broadcast %max3A_2231 : f32 to vector<16xf32>
        %max3A_2233 = arith.maximumf %add3A_2230, %max3A_2232 : vector<16xf32>
        %swap3A_2234 = arith.index_cast %add3A_2168 : i32 to index
        %swap3A_2235 = arith.constant 64 : index
        %swap3A_2236 = tpu.vector_load %arg11[%swap3A_2234, %swap3A_2235] {strides = array<i32>} : memref<336x128xf32, #tpu.memory_space<vmem>>, vector<1x16xf32>,
        %swap3A_2237 = vector.shape_cast %swap3A_2236 : vector<1x16xf32> to vector<16xf32>
        %swap3A_2238 = vector.shape_cast %max3A_2233 : vector<16xf32> to vector<1x16xf32>
        tpu.vector_store %arg11[%swap3A_2234, %swap3A_2235], %swap3A_2238 {strides = array<i32>} : memref<336x128xf32, #tpu.memory_space<vmem>>, vector<1x16xf32>,
        %get3A_2239 = arith.index_cast %add3A_2168 : i32 to index
        %get3A_2240 = arith.constant 80 : index
        %get3A_2241 = tpu.vector_load %arg11[%get3A_2239, %get3A_2240] {strides = array<i32>} : memref<336x128xf32, #tpu.memory_space<vmem>>, vector<1x16xf32>,
        %get3A_2242 = vector.shape_cast %get3A_2241 : vector<1x16xf32> to vector<16xf32>
        %mul3A_2243 = arith.mulf %broadcast_in_dim3A_2163, %get3A_19 : vector<16xf32>
        %add3A_2244 = arith.addf %get3A_2242, %mul3A_2243 : vector<16xf32>
        %max3A_2245 = arith.constant 0.000000e+00 : f32
        %max3A_2246 = vector.broadcast %max3A_2245 : f32 to vector<16xf32>
        %max3A_2247 = arith.maximumf %add3A_2244, %max3A_2246 : vector<16xf32>
        %swap3A_2248 = arith.index_cast %add3A_2168 : i32 to index
        %swap3A_2249 = arith.constant 80 : index
        %swap3A_2250 = tpu.vector_load %arg11[%swap3A_2248, %swap3A_2249] {strides = array<i32>} : memref<336x128xf32, #tpu.memory_space<vmem>>, vector<1x16xf32>,
        %swap3A_2251 = vector.shape_cast %swap3A_2250 : vector<1x16xf32> to vector<16xf32>
        %swap3A_2252 = vector.shape_cast %max3A_2247 : vector<16xf32> to vector<1x16xf32>
        tpu.vector_store %arg11[%swap3A_2248, %swap3A_2249], %swap3A_2252 {strides = array<i32>} : memref<336x128xf32, #tpu.memory_space<vmem>>, vector<1x16xf32>,
        %get3A_2253 = arith.index_cast %add3A_2168 : i32 to index
        %get3A_2254 = arith.constant 96 : index
        %get3A_2255 = tpu.vector_load %arg11[%get3A_2253, %get3A_2254] {strides = array<i32>} : memref<336x128xf32, #tpu.memory_space<vmem>>, vector<1x16xf32>,
        %get3A_2256 = vector.shape_cast %get3A_2255 : vector<1x16xf32> to vector<16xf32>
        %mul3A_2257 = arith.mulf %broadcast_in_dim3A_2163, %get3A_22 : vector<16xf32>
        %add3A_2258 = arith.addf %get3A_2256, %mul3A_2257 : vector<16xf32>
        %max3A_2259 = arith.constant 0.000000e+00 : f32
        %max3A_2260 = vector.broadcast %max3A_2259 : f32 to vector<16xf32>
        %max3A_2261 = arith.maximumf %add3A_2258, %max3A_2260 : vector<16xf32>
        %swap3A_2262 = arith.index_cast %add3A_2168 : i32 to index
        %swap3A_2263 = arith.constant 96 : index
        %swap3A_2264 = tpu.vector_load %arg11[%swap3A_2262, %swap3A_2263] {strides = array<i32>} : memref<336x128xf32, #tpu.memory_space<vmem>>, vector<1x16xf32>,
        %swap3A_2265 = vector.shape_cast %swap3A_2264 : vector<1x16xf32> to vector<16xf32>
        %swap3A_2266 = vector.shape_cast %max3A_2261 : vector<16xf32> to vector<1x16xf32>
        tpu.vector_store %arg11[%swap3A_2262, %swap3A_2263], %swap3A_2266 {strides = array<i32>} : memref<336x128xf32, #tpu.memory_space<vmem>>, vector<1x16xf32>,
        %get3A_2267 = arith.index_cast %add3A_2168 : i32 to index
        %get3A_2268 = arith.constant 112 : index
        %get3A_2269 = tpu.vector_load %arg11[%get3A_2267, %get3A_2268] {strides = array<i32>} : memref<336x128xf32, #tpu.memory_space<vmem>>, vector<1x16xf32>,
        %get3A_2270 = vector.shape_cast %get3A_2269 : vector<1x16xf32> to vector<16xf32>
        %mul3A_2271 = arith.mulf %broadcast_in_dim3A_2163, %get3A_25 : vector<16xf32>
        %add3A_2272 = arith.addf %get3A_2270, %mul3A_2271 : vector<16xf32>
        %max3A_2273 = arith.constant 0.000000e+00 : f32
        %max3A_2274 = vector.broadcast %max3A_2273 : f32 to vector<16xf32>
        %max3A_2275 = arith.maximumf %add3A_2272, %max3A_2274 : vector<16xf32>
        %swap3A_2276 = arith.index_cast %add3A_2168 : i32 to index
        %swap3A_2277 = arith.constant 112 : index
        %swap3A_2278 = tpu.vector_load %arg11[%swap3A_2276, %swap3A_2277] {strides = array<i32>} : memref<336x128xf32, #tpu.memory_space<vmem>>, vector<1x16xf32>,
        %swap3A_2279 = vector.shape_cast %swap3A_2278 : vector<1x16xf32> to vector<16xf32>
        %swap3A_2280 = vector.shape_cast %max3A_2275 : vector<16xf32> to vector<1x16xf32>
        tpu.vector_store %arg11[%swap3A_2276, %swap3A_2277], %swap3A_2280 {strides = array<i32>} : memref<336x128xf32, #tpu.memory_space<vmem>>, vector<1x16xf32>,
      }
      %scan3A_338 = arith.constant 7 : i32
      %rem3A_339 = arith.constant 3 : i32
      %rem3A_340 = arith.remsi %scan3A_261, %rem3A_339 : i32
      %mul3A_341 = arith.constant 112 : i32
      %mul3A_342 = arith.muli %rem3A_340, %mul3A_341 : i32
      %div3A_343 = arith.constant 5 : i32
      %div3A_344 = arith.divsi %scan3A_261, %div3A_343 : i32
      %rem3A_345 = arith.constant 2 : i32
      %rem3A_346 = arith.remsi %div3A_344, %rem3A_345 : i32
      %rem3A_347 = arith.constant 5 : i32
      %rem3A_348 = arith.remsi %scan3A_261, %rem3A_347 : i32
      %dma_start3A_349 = arith.constant 0 : i32
      %dma_start3A_350 = arith.constant 0 : i32
      %dma_start3A_351 = tpu.memref_slice %arg11[%mul3A_342, %dma_start3A_350] : memref<336x128xf32, #tpu.memory_space<vmem>> -> memref<112x128xf32, #tpu.memory_space<vmem>>
      %dma_start3A_352 = arith.constant 0 : i32
      %dma_start3A_353 = tpu.memref_slice %arg9[%rem3A_346, %rem3A_348, %dma_start3A_349, %dma_start3A_352] : memref<2x5x2x112xi32, #tpu.memory_space<vmem>> -> memref<1x1x1x112xi32, #tpu.memory_space<vmem>>
      %dma_start3A_354 = tpu.memref_squeeze %dma_start3A_353 : memref<1x1x1x112xi32, #tpu.memory_space<vmem>> -> memref<112xi32, #tpu.memory_space<vmem>>
      %dma_start3A_355 = arith.constant 0 : i32
      %dma_start3A_356 = arith.constant 0 : i32
      %dma_start3A_357 = tpu.memref_slice %arg13[%dma_start3A_355, %dma_start3A_356] : memref<10112x128xf32, #tpu.memory_space<vmem_shared>> -> memref<10112x128xf32, #tpu.memory_space<vmem_shared>>
      tpu.enqueue_indirect_dma source(%dma_start3A_351 : memref<112x128xf32, #tpu.memory_space<vmem>>) target(%dma_start3A_357 : memref<10112x128xf32, #tpu.memory_space<vmem_shared>>) offsets(%dma_start3A_354 : memref<112xi32, #tpu.memory_space<vmem>>) semaphore(%arg17 : memref<!tpu.dma_semaphore, #tpu.memory_space<semaphore_mem>>) {add = true}
    }
    %scan3A_237 = arith.constant 90 : i32
    %rem3A_238 = arith.constant 89 : i32
    %rem3A_239 = arith.constant 3 : i32
    %rem3A_240 = arith.remsi %rem3A_238, %rem3A_239 : i32
    %mul3A_241 = arith.constant 112 : i32
    %mul3A_242 = arith.muli %rem3A_240, %mul3A_241 : i32
    %div3A_243 = arith.constant 89 : i32
    %div3A_244 = arith.constant 5 : i32
    %div3A_245 = arith.divsi %div3A_243, %div3A_244 : i32
    %rem3A_246 = arith.constant 2 : i32
    %rem3A_247 = arith.remsi %div3A_245, %rem3A_246 : i32
    %rem3A_248 = arith.constant 89 : i32
    %rem3A_249 = arith.constant 5 : i32
    %rem3A_250 = arith.remsi %rem3A_248, %rem3A_249 : i32
    %dma_wait3A_251 = arith.constant 0 : i32
    %dma_wait3A_252 = arith.constant 0 : i32
    %dma_wait3A_253 = tpu.memref_slice %arg11[%mul3A_242, %dma_wait3A_252] : memref<336x128xf32, #tpu.memory_space<vmem>> -> memref<112x128xf32, #tpu.memory_space<vmem>>
    %dma_wait3A_254 = arith.constant 0 : i32
    %dma_wait3A_255 = tpu.memref_slice %arg9[%rem3A_247, %rem3A_250, %dma_wait3A_251, %dma_wait3A_254] : memref<2x5x2x112xi32, #tpu.memory_space<vmem>> -> memref<1x1x1x112xi32, #tpu.memory_space<vmem>>
    %dma_wait3A_256 = tpu.memref_squeeze %dma_wait3A_255 : memref<1x1x1x112xi32, #tpu.memory_space<vmem>> -> memref<112xi32, #tpu.memory_space<vmem>>
    %dma_wait3A_257 = arith.constant 0 : i32
    %dma_wait3A_258 = arith.constant 0 : i32
    %dma_wait3A_259 = tpu.memref_slice %arg13[%dma_wait3A_257, %dma_wait3A_258] : memref<10112x128xf32, #tpu.memory_space<vmem_shared>> -> memref<10112x128xf32, #tpu.memory_space<vmem_shared>>
    tpu.wait_indirect_dma semaphore(%arg17 : memref<!tpu.dma_semaphore, #tpu.memory_space<semaphore_mem>>) src(%dma_wait3A_253 : memref<112x128xf32, #tpu.memory_space<vmem>>) dst(%dma_wait3A_259 : memref<10112x128xf32, #tpu.memory_space<vmem_shared>>)
    %barrier3A_260 = arith.constant 0 : index
    tpu.barrier barrier_id(%barrier3A_260)
    "tpu.region"() ({
      %run_scoped3A = tpu.sem_alloc : memref<!tpu.dma_semaphore, #tpu.memory_space<semaphore_mem>>
      %dma_start3A_261 = arith.constant 0 : i32
      %dma_start3A_262 = tpu.memref_slice %arg8[%arg0, %mul3A_2, %dma_start3A_261] : memref<2x10112x128xf32, #tpu.memory_space<hbm>> -> memref<1x632x128xf32, #tpu.memory_space<hbm>>
      %dma_start3A_263 = tpu.memref_squeeze %dma_start3A_262 : memref<1x632x128xf32, #tpu.memory_space<hbm>> -> memref<632x128xf32, #tpu.memory_space<hbm>>
      %dma_start3A_264 = arith.constant 0 : i32
      %dma_start3A_265 = tpu.memref_slice %arg13[%mul3A_2, %dma_start3A_264] : memref<10112x128xf32, #tpu.memory_space<vmem_shared>> -> memref<632x128xf32, #tpu.memory_space<vmem_shared>>
      tpu.enqueue_dma source(%dma_start3A_265 : memref<632x128xf32, #tpu.memory_space<vmem_shared>>) target(%dma_start3A_263 : memref<632x128xf32, #tpu.memory_space<hbm>>) target_semaphore(%run_scoped3A : memref<!tpu.dma_semaphore, #tpu.memory_space<semaphore_mem>>)
      %dma_wait3A_266 = arith.constant 0 : i32
      %dma_wait3A_267 = tpu.memref_slice %arg8[%arg0, %mul3A_2, %dma_wait3A_266] : memref<2x10112x128xf32, #tpu.memory_space<hbm>> -> memref<1x632x128xf32, #tpu.memory_space<hbm>>
      %dma_wait3A_268 = tpu.memref_squeeze %dma_wait3A_267 : memref<1x632x128xf32, #tpu.memory_space<hbm>> -> memref<632x128xf32, #tpu.memory_space<hbm>>
      %dma_wait3A_269 = arith.constant 0 : i32
      %dma_wait3A_270 = tpu.memref_slice %arg13[%mul3A_2, %dma_wait3A_269] : memref<10112x128xf32, #tpu.memory_space<vmem_shared>> -> memref<632x128xf32, #tpu.memory_space<vmem_shared>>
      tpu.wait_dma2 semaphore(%run_scoped3A : memref<!tpu.dma_semaphore, #tpu.memory_space<semaphore_mem>>) src(%dma_wait3A_270 : memref<632x128xf32, #tpu.memory_space<vmem_shared>>) dst(%dma_wait3A_268 : memref<632x128xf32, #tpu.memory_space<hbm>>)
      tpu.yield
    }) : () -> ()
    return
  }
}

</mosaic_0001>

<sc_bundles>
// kernel: _sc_edge.3.cloned.1.call-start
scs
__scs_entry_jumppad:
0x0: {  	(pc) =	sbr.rel $0x88, $3  }
0x1: {  	(tag) =	ssettag $0x0;
	lr =	simm.s32 $0x1  }
0x2: {  	[smem:$0x3F9B] =	sst lr;
	_ =	strace $0xD0000000  }
0x3: {  	_ = 	snop  }
0x4: {  	_ = 	snop  }
0x5: {  	_ = 	snop  }
0x6: {  	_ = 	snop  }
0x7: {  	_ = 	snop  }
__scs_overlays_trampoline_lowered:
0x8: {  	[smem:$0x3FAA] =	sst s0  }
0x9: {  	[smem:$0x3FAB] =	sst s1  }
0xa: {  	[smem:$0x3FAC] =	sst s2  }
0xb: {  	[smem:$0x3FAD] =	sst s3  }
0xc: {  	[smem:$0x3FAE] =	sst s4  }
0xd: {  	[smem:$0x3FAF] =	sst s5  }
0xe: {  	[smem:$0x3FB0] =	sst s6  }
0xf: {  	[smem:$0x3FB1] =	sst s7  }
0x10: {  	[smem:$0x3FB2] =	sst s8  }
0x11: {  	[smem:$0x3FB3] =	sst s9;
	s0 =	simm.s32 @!p0 $0x0  }
0x12: {  	s1 =	sld [smem:$0x3F99];
	s0 =	simm.s32 @p0 $0x1  }
0x13: {  	[smem:$0x3FB4] =	sst s0;
	s0 =	simm.s32 @!p1 $0x0  }
0x14: {  	s2 =	sld [smem:$0x3F98];
	s0 =	simm.s32 @p1 $0x1  }
0x15: {  	[smem:$0x3FB5] =	sst s0;
	s0 =	simm.s32 @!p2 $0x0  }
0x16: {  	s3 =	sld [smem:$0x3FDB];
	s0 =	simm.s32 @p2 $0x1  }
0x17: {  	s4 =	simm.s32 $0x1BF5;
	[smem:$0x3FB7] =	sst s0  }
0x18: {  	s0 =	sld [smem:$0x3F9A];
	_ =	swait.ge [sflag:s4], $0x0  }
0x19: {  	s7 =	sld [smem:$0x3F9B]  }
0x1a: {  	s8 =	sadd.s32 $0xFFFFE003, lr  }
0x1b: {  	s9 =	sadd.s32 $0xFFFFFEF7, lr;
	s5 =	simm.s32 $0xFFFFFFFF;
	p2 =	slt.u32 s8, $0xFFFFF086  }
0x1c: {  	p1 =	slt.u32 s9, $0xF7A;
	s5 =	simm.s32 @!p2 $0x0  }
0x1d: {  	s5 =	simm.s32 @p1 $0x1;
	p0 =	seq.s32 s7, s2  }
0x1e: {  	s7 =	smul.u32 @!p0 $0xF7A, s2;
	p2 =	seq.s32 @!p0 s5, $0x0  }
0x1f: {  	s9 =	smul.u32 $0xF7A, s1;
	s8 =	simm.s32 @!p0 $0x1BF5;
	p2 =	por !p2, p0  }
0x20: {  	[sflag:s8] =	ssyncset.s32 @!p0 $0xFFFFF086;
	s6 =	sadd.s32 @!p0 s3, s7;
	s7 =	simm.s32 @!p0 $0x108  }
0x21: {  	s3 =	sadd.s32 s3, s9;
	s6 =	sadd.s32 @!p0 $0x88, s6;
	s7 =	simm.s32 @p2 $0x1082  }
0x22: {  	[simem:s7], [sflag:s8] =	dma.local @!p0 [hbm:s6], $0xF7A  }
0x23: {  	s9 =	sor.u32 $0xD0000000, s2;
	s6 =	simm.s32 $0x108;
	_ =	swait.ge @!p0 [sflag:s8], $0x0  }
0x24: {  	s3 =	sadd.s32 $0x88, s3;
	s6 =	simm.s32 @!p1 $0x1082;
	[sflag:s4] =	ssyncset.s32 $0xFFFFF086  }
0x25: {  	[simem:s6], [sflag:s4] =	dma.local [hbm:s3], $0xF7A  }
0x26: {  	[smem:$0x3F9B] =	sst s1;
	(tag) =	ssettag s2;
	_ =	strace s9  }
0x27: {  	s1 =	sld [smem:$0x3FAB]  }
0x28: {  	s2 =	sld [smem:$0x3FAC]  }
0x29: {  	s4 =	sld [smem:$0x3FAE]  }
0x2a: {  	p0 =	seq.s32 s5, $0x0;
	s5 =	sld [smem:$0x3FAF]  }
0x2b: {  	s6 =	sld [smem:$0x3FB0]  }
0x2c: {  	s7 =	sld [smem:$0x3FB1]  }
0x2d: {  	s3 =	simm.s32 $0x108;
	s8 =	sld [smem:$0x3FB2]  }
0x2e: {  	s3 =	simm.s32 @!p0 $0x1082;
	s9 =	sld [smem:$0x3FB3]  }
0x2f: {  	lr =	sadd.s32 s0, s3;
	s0 =	sld [smem:$0x3FAA]  }
0x30: {  	s3 =	sld [smem:$0x3FAD]  }
0x31: {  	[smem:$0x3FB6] =	sst s10  }
0x32: {  	s10 =	sld [smem:$0x3FB4];
	_ =	sdelay $0x3  }
0x33: {  	p0 =	seq.s32 s10, $0x1;
	s10 =	sld [smem:$0x3FB6];
	_ =	sdelay $0x3  }
0x34: {  	[smem:$0x3FB6] =	sst s10  }
0x35: {  	s10 =	sld [smem:$0x3FB5];
	_ =	sdelay $0x3  }
0x36: {  	p1 =	seq.s32 s10, $0x1;
	s10 =	sld [smem:$0x3FB6];
	_ =	sdelay $0x3  }
0x37: {  	[smem:$0x3FB6] =	sst s10  }
0x38: {  	s10 =	sld [smem:$0x3FB7]  }
0x39: {  	_ = 	snop;
	(pc) =	sbr.ind lr, $3  }
0x3a: {  	_ = 	snop  }
0x3b: {  	_ = 	snop  }
0x3c: {  	p2 =	seq.s32 s10, $0x1;
	s10 =	sld [smem:$0x3FB6]  }
0x3d: {  	_ =	shalt  }
0x3e: {  	_ =	shalt  }
0x3f: {  	_ =	shalt  }
0x40: {  	_ =	shalt  }
0x41: {  	_ =	shalt  }
0x42: {  	_ =	shalt  }
0x43: {  	_ =	shalt  }
0x44: {  	_ =	shalt  }
0x45: {  	_ =	shalt  }
0x46: {  	_ =	shalt  }
0x47: {  	_ =	shalt  }
0x48: {  	_ =	shalt  }
0x49: {  	_ =	shalt  }
0x4a: {  	_ =	shalt  }
0x4b: {  	_ =	shalt  }
0x4c: {  	_ =	shalt  }
0x4d: {  	_ =	shalt  }
0x4e: {  	_ =	shalt  }
0x4f: {  	_ =	shalt  }
0x50: {  	_ =	shalt  }
0x51: {  	_ =	shalt  }
0x52: {  	_ =	shalt  }
0x53: {  	_ =	shalt  }
0x54: {  	_ =	shalt  }
0x55: {  	_ =	shalt  }
0x56: {  	_ =	shalt  }
0x57: {  	_ =	shalt  }
0x58: {  	_ =	shalt  }
0x59: {  	_ =	shalt  }
0x5a: {  	_ =	shalt  }
0x5b: {  	_ =	shalt  }
0x5c: {  	_ =	shalt  }
0x5d: {  	_ =	shalt  }
0x5e: {  	_ =	shalt  }
0x5f: {  	_ =	shalt  }
0x60: {  	_ =	shalt  }
0x61: {  	_ =	shalt  }
0x62: {  	_ =	shalt  }
0x63: {  	_ =	shalt  }
0x64: {  	_ =	shalt  }
0x65: {  	_ =	shalt  }
0x66: {  	_ =	shalt  }
0x67: {  	_ =	shalt  }
0x68: {  	_ =	shalt  }
0x69: {  	_ =	shalt  }
0x6a: {  	_ =	shalt  }
0x6b: {  	_ =	shalt  }
0x6c: {  	_ =	shalt  }
0x6d: {  	_ =	shalt  }
0x6e: {  	_ =	shalt  }
0x6f: {  	_ =	shalt  }
0x70: {  	_ =	shalt  }
0x71: {  	_ =	shalt  }
0x72: {  	_ =	shalt  }
0x73: {  	_ =	shalt  }
0x74: {  	_ =	shalt  }
0x75: {  	_ =	shalt  }
0x76: {  	_ =	shalt  }
0x77: {  	_ =	shalt  }
0x78: {  	_ =	shalt  }
0x79: {  	_ =	shalt  }
0x7a: {  	_ =	shalt  }
0x7b: {  	_ =	shalt  }
0x7c: {  	_ =	shalt  }
0x7d: {  	_ =	shalt  }
0x7e: {  	_ =	shalt  }
0x7f: {  	_ =	shalt  }
0x80: {  	_ =	shalt  }
0x81: {  	_ =	shalt  }
0x82: {  	_ =	shalt  }
0x83: {  	_ =	shalt  }
0x84: {  	_ =	shalt  }
0x85: {  	_ =	shalt  }
0x86: {  	_ =	shalt  }
0x87: {  	_ =	shalt  }
.Lfunc_end0:
.L_simem_size_0:
called_computation_lowered:
.L_overlay_start_0:
0x88: {  	s2 =	sld [smem:$0x3FD9]  }
0x89: {  	s3 =	sld [smem:$0x3FFE];
	_ =	sdelay $0x1  }
0x8a: {  	s1 =	srdreg.scid  }
0x8b: {  	s0 =	sand.u32 $0x1, s1  }
0x8c: {  	s17 =	sshll.u32 s0, $0xA;
	s2 =	sadd.s32 s3, s2  }
0x8d: {  	s2 =	sadd.s32 s2, s17  }
0x8e: {  	[smem:$0x3FC2] =	sst s2  }
0x8f: {  	_ = 	snop  }
0x90: {  	s2 =	sld [smem:$0x3FC9]  }
0x91: {  	s18 =	sld [smem:$0x3FC8]  }
0x92: {  	s4 =	sld [smem:$0x3FC7]  }
0x93: {  	s5 =	sld [smem:$0x3FC5]  }
0x94: {  	s6 =	sld [smem:$0x3FC4]  }
0x95: {  	s7 =	sld [smem:$0x3FD0];
	(tm) =	ssettm $0x1  }
0x96: {  	s8 =	sld [smem:$0x3FFB];
	_ =	sdelay $0x3  }
0x97: {  	_ =	strace s8  }
0x98: {  	s8 =	sld [smem:$0x3FFC];
	_ =	sdelay $0x3  }
0x99: {  	_ =	strace s8  }
0x9a: {  	s8 =	sld [smem:$0x3FFD];
	_ =	sdelay $0x3  }
0x9b: {  	_ =	strace s8  }
0x9c: {  	_ =	strace $0x8FFFFFFF  }
0x9d: {  	s19 =	sld [smem:$0x3FDB];
	_ =	sdelay $0x1  }
0x9e: {  	s9 =	simm.s32 $_scs_section_size  }
0x9f: {  	s10 =	simm.s32 $_size__tile_overlayer_lowered;
	s11 =	simm.s32 $_tile_overlayer_lowered  }
0xa0: {  	s22 =	simm.s32 $0x1BFF;
	s21 =	sshll.u32 s11, $0x1;
	s8 =	sadd.s32 s9, s19  }
0xa1: {  	s12 =	simm.s32 $0x0;
	s20 =	sshll.u32 s10, $0x1;
	s10 =	sadd.s32 s21, s8  }
0xa2: {  	[timem:s12], [sflag:s22] =	dma.local [hbm:s10], s20  }
0xa3: {  	_ =	swait.ge [sflag:s22], s20  }
0xa4: {  	s9 =	ssub.s32 $0x0, s20;
	[sflag:s22] =	ssyncset.done $0x0  }
0xa5: {  	[sflag:s22] =	ssyncadd.s32 s9;
	_ =	sdelay $0x1  }
0xa6: {  	s23 =	simm.s32 $0x1B8B  }
0xa7: {  	_ =	swait.ge [sflag:s23], $0x1  }
0xa8: {  	[sflag:s23] =	ssyncset.done $0x0  }
0xa9: {  	s25 =	simm.s32 $0x1B8E;
	s24 =	sld [smem:$0x3FFE];
	[sflag:s23] =	ssyncadd.s32 $0xFFFFFFFF  }
0xaa: {  	s26 =	simm.s32 $execute0_lowered;
	[smem:$0x3FD2] =	sst s25  }
0xab: {  	s10 =	sshll.u32 s26, $0x1;
	_ =	strace $0x80000046;
	[dreg:$0x1] =	wrdreg $0xFFFFFFFF  }
0xac: {  	s28 =	simm.s32 $_size_execute0_lowered;
	s8 =	sadd.s32 s8, s10;
	[dreg:$0x0] =	wrdreg $0x0  }
0xad: {  	s10 =	sshll.u32 s28, $0x1;
	[dreg:$0x2] =	wrdreg s8  }
0xae: {  	[dreg:$0x3] =	wrdreg s10  }
0xaf: {  	[dreg:$0x4] =	wrdreg $0xC0  }
0xb0: {  	_ =	task [dreg:s12], $0x5FFFF  }
0xb1: {  	[dreg:$0x1] =	wrdreg $0xFFFFFFFF  }
0xb2: {  	[dreg:$0x0] =	wrdreg $0x60  }
0xb3: {  	[dreg:$0x2] =	wrdreg s2  }
0xb4: {  	[dreg:$0x3] =	wrdreg s18  }
0xb5: {  	[dreg:$0x4] =	wrdreg s4  }
0xb6: {  	[dreg:$0x5] =	wrdreg s24  }
0xb7: {  	[dreg:$0x6] =	wrdreg s5  }
0xb8: {  	[dreg:$0x7] =	wrdreg s6  }
0xb9: {  	[dreg:$0x8] =	wrdreg s7  }
0xba: {  	[dreg:$0x9] =	wrdreg $0xBA800  }
0xbb: {  	[dreg:$0xa] =	wrdreg $0x9  }
0xbc: {  	_ =	task.clear_ibuf [dreg:s12], $0xBFFFF;
	_ =	strace $0x90000046  }
0xbd: {  	s29 =	simm.s32 $0x9;
	_ =	strace $0x80000048  }
0xbe: {  	_ =	swait.ge [sflag:s29], $0x1  }
0xbf: {  	[sflag:s29] =	ssyncadd.s32 $0xFFFFFFFF  }
0xc0: {  	_ =	strace $0x90000048  }
0xc1: {  	_ =	sfence  }
0xc2: {  	s30 =	sld [smem:$0x0];
	_ =	sdelay $0x2  }
0xc3: {  	s31 =	sshll.u32 s1, $0xD;
	s1 =	sshrl.u32 s1, $0x2  }
0xc4: {  	s3 =	sand.u32 $0x4000, s31;
	s1 =	sadd.s32 s1, s30  }
0xc5: {  	s0 =	sor.u32 s3, s0;
	s1 =	sshll.u32 s1, $0x11  }
0xc6: {  	s0 =	sor.u32 s1, s0  }
0xc7: {  	s0 =	sadd.s32 $0x8F2B, s0  }
0xc8: {  	[sflag:s0] =	ssyncadd.remote.s32 $0x1  }
0xc9: {  	_ =	sfence.sel $0xFFFF  }
0xca: {  	[dreg:$0x0] =	wrdreg $0xFFFFFFFF;
	(pc) =	sbr.abs _section_cstart, $3  }
0xcb: {  	[dreg:$0x1] =	wrdreg $0xFFFFFFFF  }
0xcc: {  	_ =	task.clear_ibuf [dreg:s12], $0x2FFFF;
	_ =	strace $0x9FFFFFFF  }
0xcd: {  	(tm) =	ssettm $0x7FFFFFFF  }
tec
execute0_lowered:
.L_overlay_start_1:
0x0: {  	(tag) =	ssettag $0x1  }
0x1: {  	s0 =	rddreg [dreg:$0x0]  }
0x2: {  	s1 =	rddreg [dreg:$0x1]  }
0x3: {  	s3 =	rddreg [dreg:$0x2]  }
0x4: {  	s2 =	rddreg [dreg:$0x3]  }
0x5: {  	s4 =	rddreg [dreg:$0x5]  }
0x6: {  	s7 =	rddreg [dreg:$0x6]  }
0x7: {  	s5 =	rddreg [dreg:$0x7];
	s6 =	simm.s32 $0x0;
	s9 =	srdreg.scid  }
0x8: {  	s13 =	stileid.u32;
	s20 =	simm.s32 $0x5;
	s23 =	simm.s32 $0x1  }
0x9: {  	s29 =	simm.s32 $0x2;
	s21 =	simm.s32 $0x0;
	[smem:$0x7FF] =	sst s6  }
0xa: {  	s8 =	sadd.s32 $0x400, s2;
	s26 =	sand.u32 $0x1, s9;
	s11 =	smul.u32 $0x4F000, s13  }
0xb: {  	s15 =	smul.u32 $0x13C00, s13;
	s30 =	sshll.u32 s13, $0x6;
	_ =	strace $0x80000047  }
0xc: {  	s9 =	ssub.s32 $0x2, s26;
	s10 =	sshll.u32 s26, $0x4;
	s2 =	smul.u32 $0x13C000, s26  }
0xd: {  	s26 =	simm.s32 $0x70;
	s12 =	sshrl.u32 s9, $0x1;
	s10 =	sor.u32 s13, s10  }
0xe: {  	s11 =	sshrl.u32 s11, $0x2;
	s18 =	ssub.s32 s9, s12;
	s9 =	smul.u32 $0x5A00, s10  }
0xf: {  	s28 =	sshrl.u32 s15, $0x3;
	s11 =	sadd.s32 s11, s5;
	s10 =	smul.u32 $0x4800, s10  }
0x10: {  	s4 =	sadd.s32 s4, s28;
	s12 =	sor.u32 $0x1C05, s30;
	s2 =	sadd.s32 s15, s2  }
.Ltmp0:
0x11: {  	[dreg:$0x9] =	wrdreg s4;
	s2 =	sshrl.u32 s2, $0x3;
	(pc) =	sbr.rel .LBB2_1-.Ltmp0, $4  }
0x12: {  	s18 =	smax.u32 s18, $0x1;
	s19 =	sshrl.u32 s11, $0x3;
	s31 =	sshrl.u32 s9, $0x3  }
0x13: {  	s14 =	sshrl.u32 s10, $0x3;
	s17 =	sadd.s32 s7, s2;
	s13 =	sadd.s32 s3, s31  }
0x14: {  	s7 =	simm.s32 $0x3;
	s14 =	sadd.s32 s8, s14;
	s4 =	sadd.s32 $0xA0, s13  }
0x15: {  	s16 =	sadd.s32 $0x80, s14;
	[dreg:$0xa] =	wrdreg s4;
	s4 =	simm.s32 $0x4  }
.LBB2_11:
0x16: {  	_ =	swait.ge [sflag:s4], $0x3800  }
0x17: {  	s21 =	sadd.s32 $0x1, s21;
	[sflag:s4] =	ssyncset.done $0x0  }
0x18: {  	p0 =	sne.s32 s21, s18;
	[sflag:s4] =	ssyncadd.s32 $0xFFFFC800  }
.Ltmp1:
0x19: {  	[bflag:$0x0] =	sbarrier.arrive $0xFFFF;
	(pc) =	sbr.rel @!p0 .LBB2_12-.Ltmp1, $4  }
0x1a: {  	[hbm:s17], [sflag:s12] =	dma.local [spmem:s19], $0x2780  }
0x1b: {  	_ =	swait.ge [sflag:s20], $0x2780  }
0x1c: {  	[sflag:s20] =	ssyncset.done $0x0  }
0x1d: {  	[sflag:s20] =	ssyncadd.s32 $0xFFFFD880  }
.LBB2_1:
0x1e: {  	s2 =	rddreg [dreg:$0x9]  }
0x1f: {  	[spmem:s19], [sflag:s12] =	dma.local [hbm:s2], $0x2780  }
0x20: {  	_ =	swait.ge [sflag:s20], $0x2780  }
0x21: {  	[sflag:s20] =	ssyncset.done $0x0  }
0x22: {  	[sflag:s20] =	ssyncadd.s32 $0xFFFFD880  }
0x23: {  	s11 =	simm.s32 $0xBA00;
	s31 =	rddreg [dreg:$0x4]  }
0x24: {  	[tilespmem:s11], [sflag:$0x5] =	stream.linear.gather [hbm4b:s31+s6], $0x80, $0x38;
	[tilespmem:$0x1F680] =	vst v63  }
0x25: {  	_ =	swait.ge [sflag:s20], $0x80  }
0x26: {  	[sflag:s20] =	ssyncset.done $0x0  }
0x27: {  	[sflag:s20] =	ssyncadd.s32 $0xFFFFFF80  }
0x28: {  	[bflag:$0x0] =	sbarrier.arrive $0xFFFF  }
0x29: {  	v0 =	vld [tilespmem:$0xBA00]  }
0x2a: {  	v1 =	vld [tilespmem:$0xBA10]  }
0x2b: {  	v2 =	vld [tilespmem:$0xBA20]  }
0x2c: {  	v3 =	vld [tilespmem:$0xBA30]  }
0x2d: {  	v4 =	vld [tilespmem:$0xBA40]  }
0x2e: {  	v5 =	vld [tilespmem:$0xBA50]  }
0x2f: {  	v6 =	vld [tilespmem:$0xBA60]  }
0x30: {  	v7 =	vld [tilespmem:$0xBA70];
	[tilespmem:s6], [sflag:$0x1] =	stream.linear.gather [hbm4b:s13+s6], $0x500, $0x38  }
0x31: {  	s11 =	simm.s32 $0xA00  }
0x32: {  	[tilespmem:s11], [sflag:$0x1] =	stream.linear.gather [hbm4b:s14+s6], $0x280, $0x38;
	[tilespmem:$0x1F680] =	vst v63  }
0x33: {  	_ =	swait.ge [sflag:s23], $0x500  }
0x34: {  	[sflag:s23] =	ssyncset.done $0x0  }
0x35: {  	[sflag:s23] =	ssyncadd.s32 $0xFFFFFB00  }
0x36: {  	_ =	swait.ge [sflag:s23], $0x280  }
0x37: {  	[sflag:s23] =	ssyncset.done $0x0  }
0x38: {  	s22 =	simm.s32 $0x500;
	s15 =	rddreg [dreg:$0xa];
	[sflag:s23] =	ssyncadd.s32 $0xFFFFFD80  }
0x39: {  	[tilespmem:s22], [sflag:$0x1] =	stream.linear.gather [hbm4b:s15+s6], $0x500, $0x38;
	[tilespmem:$0x1F680] =	vst v63  }
0x3a: {  	s24 =	simm.s32 $0xE00  }
0x3b: {  	[tilespmem:s24], [sflag:$0x1] =	stream.linear.gather [hbm4b:s16+s6], $0x280, $0x38;
	[tilespmem:$0x1F680] =	vst v63  }
0x3c: {  	s25 =	simm.s32 $0x1200  }
0x3d: {  	[tilespmem:s25], [sflag:$0x2] =	stream.indirect.gather [hbm4b:s0+s26], $0x80, s6, s26, $0xb8;
	[tilespmem:$0x1F680] =	vst v63  }
0x3e: {  	_ =	swait.ge [sflag:s29], $0x3800  }
0x3f: {  	[sflag:s29] =	ssyncset.done $0x0  }
0x40: {  	s28 =	simm.s32 $0x80;
	[sflag:s29] =	ssyncadd.s32 $0xFFFFC800  }
0x41: {  	[tilespmem:s25], [sflag:$0x3] =	stream.indirect.gather.add.f32 [hbm:s1], $0x80, s28, s26, $0xb8;
	[tilespmem:$0x1F680] =	vst v63  }
0x42: {  	s30 =	simm.s32 $0x100;
	s2 =	simm.s32 $0x0;
	s31 =	simm.s32 $0x4A00  }
0x43: {  	[tilespmem:s31], [sflag:$0x2] =	stream.indirect.gather [hbm4b:s0+s26], $0x80, s30, s26, $0xb8;
	[tilespmem:$0x1F680] =	vst v63  }
.LBB2_2:
0x44: {  	s22 =	sadd.s32 $0x1, s2;
	p0 =	seq.s32 s2, $0x59  }
0x45: {  	s11 =	smul.u32 @!p0 $0xAB, s22  }
0x46: {  	_ =	swait.ge [sflag:s7], $0x3800;
	s25 =	smul.u32 @!p0 $0xCD, s22  }
0x47: {  	s24 =	smul.u32 $0xCD, s2;
	[sflag:s7] =	ssyncset.done $0x0;
	s11 =	sshrl.u32 @!p0 s11, $0x9  }
0x48: {  	[sflag:s7] =	ssyncadd.s32 $0xFFFFC800;
	s25 =	sshrl.u32 @!p0 s25, $0xA;
	s11 =	sand.u32 @!p0 $0x7F, s11  }
0x49: {  	s28 =	sand.u32 @!p0 $0x3F, s25;
	s31 =	sand.u32 @!p0 $0x1, s25;
	s11 =	smul.u32 @!p0 $0x3, s11  }
0x4a: {  	s25 =	simm.s32 @!p0 $0x2;
	s28 =	smul.u32 @!p0 $0x5, s28;
	p1 =	seq.s32 @!p0 s31, $0x1  }
0x4b: {  	s31 =	simm.s32 @!p0 $0x500;
	_ =	swait.ge @!p0 [sflag:s25], $0x3800;
	s11 =	ssub.s32 @!p0 s22, s11  }
0x4c: {  	p1 =	por !p1, p0;
	s28 =	ssub.s32 @!p0 s22, s28;
	s11 =	sand.u32 @!p0 $0xFF, s11  }
0x4d: {  	[sflag:s25] =	ssyncset.done @!p0 $0x0;
	s28 =	sand.u32 @!p0 $0xFF, s28;
	s11 =	smul.u32 @!p0 $0xE000, s11  }
0x4e: {  	s31 =	simm.s32 @p1 $0x0;
	[sflag:s25] =	ssyncadd.s32 @!p0 $0xFFFFC800;
	s28 =	sshll.u32 @!p0 s28, $0x8  }
0x4f: {  	p1 =	seq.s32 @!p0 s2, $0x0;
	s28 =	sadd.s32 @!p0 s28, s31;
	s11 =	sshrl.u32 @!p0 s11, $0x2  }
0x50: {  	s31 =	simm.s32 @!p0 $0x70;
	s28 =	sor.u32 @!p0 $0x80, s28;
	s11 =	sadd.s32 @!p0 $0x1200, s11  }
0x51: {  	[tilespmem:s11], [sflag:$0x3] =	stream.indirect.gather.add.f32 @!p0 [hbm:s1], $0x80, s28, s31, $0xb8;
	[tilespmem:$0x1F680] =	vst v63  }
0x52: {  	p0 =	por p0, !p1  }
.Ltmp2:
0x53: {  	s24 =	sshrl.u32 s24, $0xA;
	(pc) =	sbr.rel @!p0 .LBB2_7-.Ltmp2, $3  }
0x54: {  	s30 =	sand.u32 $0x3F, s24  }
0x55: {  	s15 =	smul.u32 $0x5, s30;
	_ =	sdelay $0x1  }
0x56: {  	s28 =	ssub.s32 s2, s15;
	s31 =	smov.u32 s25  }
0x57: {  	p0 =	sgt.u32 s2, $0x54  }
0x58: {  	s11 =	sand.u32 @!p0 $0xFF, s28  }
0x59: {  	p1 =	sne.s32 @!p0 s11, $0x0  }
0x5a: {  	p0 =	por p1, p0  }
0x5b: {  	s11 =	sadd.s32 @!p0 $0x1, s30  }
0x5c: {  	s25 =	smul.u32 @!p0 $0x500, s11  }
0x5d: {  	_ =	swait.ge [sflag:s4], $0x3800;
	s30 =	sand.u32 @!p0 $0x1, s11  }
0x5e: {  	[sflag:s4] =	ssyncset.done $0x0;
	s31 =	smul.u32 @!p0 $0x1400, s30;
	s25 =	sadd.s32 @!p0 s9, s25  }
0x5f: {  	[sflag:s4] =	ssyncadd.s32 $0xFFFFC800;
	s25 =	sshrl.u32 @!p0 s25, $0x3  }
0x60: {  	s15 =	simm.s32 @!p0 $0x0;
	s31 =	sshrl.u32 @!p0 s31, $0x2;
	s25 =	sadd.s32 @!p0 s3, s25  }
0x61: {  	[tilespmem:s31], [sflag:$0x1] =	stream.linear.gather @!p0 [hbm4b:s25+s15], $0x500, $0x38;
	[tilespmem:$0x1F680] =	vst v63  }
0x62: {  	s25 =	sadd.s32 $0x2, s2  }
0x63: {  	s31 =	smul.u32 $0xCD, s25  }
0x64: {  	s11 =	sshll.u32 @!p0 s11, $0xA  }
0x65: {  	s11 =	sadd.s32 @!p0 s10, s11;
	s31 =	sshrl.u32 s31, $0xA  }
0x66: {  	s30 =	sshll.u32 @!p0 s30, $0xA;
	s11 =	sshrl.u32 @!p0 s11, $0x3;
	s31 =	sand.u32 $0x3F, s31  }
0x67: {  	s30 =	sor.u32 @!p0 $0xA00, s30;
	s11 =	sadd.s32 @!p0 s8, s11;
	s31 =	smul.u32 $0x5, s31  }
0x68: {  	[tilespmem:s30], [sflag:$0x1] =	stream.linear.gather @!p0 [hbm4b:s11+s15], $0x280, $0x38;
	[tilespmem:$0x1F680] =	vst v63  }
0x69: {  	p0 =	sgt.u32 s2, $0x57;
	s11 =	ssub.s32 s25, s31  }
0x6a: {  	s15 =	sand.u32 @!p0 $0xFF, s11  }
0x6b: {  	p1 =	sne.s32 @!p0 s15, $0x0  }
0x6c: {  	p1 =	por p0, p1  }
.Ltmp3:
0x6d: {  	_ = 	snop;
	(pc) =	sbr.rel @p1 .LBB2_5-.Ltmp3, $1  }
0x6e: {  	_ =	sdelay $0x3  }
0x6f: {  	_ =	swait.ge [sflag:s23], $0x500  }
0x70: {  	[sflag:s23] =	ssyncset.done $0x0  }
0x71: {  	[sflag:s23] =	ssyncadd.s32 $0xFFFFFB00  }
0x72: {  	_ =	swait.ge [sflag:s23], $0x280  }
0x73: {  	[sflag:s23] =	ssyncset.done $0x0  }
0x74: {  	s31 =	simm.s32 $0x0;
	[sflag:s23] =	ssyncadd.s32 $0xFFFFFD80  }
.LBB2_7:
0x75: {  	s11 =	smul.u32 $0xAB, s25;
	_ =	sdelay $0x1  }
0x76: {  	s11 =	sshrl.u32 s11, $0x9  }
0x77: {  	s11 =	sand.u32 $0x7F, s11  }
0x78: {  	s11 =	smul.u32 $0x3, s11  }
0x79: {  	s15 =	smul.u32 $0xCD, s25  }
0x7a: {  	s11 =	ssub.s32 s25, s11  }
0x7b: {  	s15 =	sshrl.u32 s15, $0xA;
	s11 =	sand.u32 $0xFF, s11  }
0x7c: {  	s15 =	sand.u32 $0x1, s15;
	s11 =	smul.u32 $0xE000, s11  }
0x7d: {  	p0 =	seq.s32 s15, $0x1;
	s15 =	simm.s32 $0x500  }
0x7e: {  	s31 =	sshll.u32 s31, $0x8;
	s15 =	simm.s32 @!p0 $0x0;
	s11 =	sshrl.u32 s11, $0x2  }
0x7f: {  	s15 =	sadd.s32 s31, s15;
	s11 =	sadd.s32 $0x1200, s11  }
0x80: {  	[tilespmem:s11], [sflag:$0x2] =	stream.indirect.gather [hbm4b:s0+s26], $0x80, s15, s26, $0xb8;
	[tilespmem:$0x1F680] =	vst v63  }
.LBB2_8:
0x81: {  	s11 =	smul.u32 $0xAB, s2;
	_ =	sdelay $0x1  }
0x82: {  	s11 =	sshrl.u32 s11, $0x9  }
0x83: {  	s11 =	sand.u32 $0x7F, s11  }
0x84: {  	s11 =	smul.u32 $0x3, s11;
	_ =	sdelay $0x1  }
0x85: {  	s25 =	ssub.s32 s2, s11  }
0x86: {  	s2 =	sand.u32 $0xFF, s25;
	s25 =	sand.u32 $0x1, s24;
	s24 =	sand.u32 $0xFF, s28  }
0x87: {  	s15 =	sshll.u32 s25, $0xA;
	s28 =	sshll.u32 s24, $0x7  }
0x88: {  	s15 =	sadd.s32 s28, s15  }
0x89: {  	s28 =	sadd.s32 $0xA00, s15  }
0x8a: {  	v8 =	vmov s28  }
0x8b: {  	s11 =	smul.u32 $0xE000, s2;
	_ =	sdelay $0x1  }
0x8c: {  	s31 =	smul.u32 $0x70, s2;
	s11 =	sshrl.u32 s11, $0x2  }
0x8d: {  	s2 =	simm.s32 $0x1;
	s30 =	sadd.s32 $0x1200, s11;
	s11 =	simm.s32 $0x0  }
.LBB2_9:
0x8e: {  	p0 =	sne.s32 s2, $0x6;
	v9 =	vld.idx.msk [tilespmem:v8+s11+$0x0 ss:$0x1], $0xffff;
	s11 =	sadd.s32 s31, s11  }
0x8f: {  	s11 =	sshll.u32 s11, $0x7  }
0x90: {  	s28 =	sand.u32 $0x3FFFFF80, s11  }
0x91: {  	v11 =	vld [tilespmem:s28+$0x1230]  }
0x92: {  	v12 =	vld [tilespmem:s28+$0x1210]  }
0x93: {  	v13 =	vld [tilespmem:s28+$0x1200]  }
0x94: {  	v14 =	vbroadcast v9, $0x0;
	v16 =	vbroadcast v9, $0x1;
	v15 =	vld [tilespmem:s28+$0x1220]  }
0x95: {  	v18 =	vbroadcast v9, $0x2;
	v10 =	vbroadcast v9, $0x3;
	v17 =	vld [tilespmem:s28+$0x1240]  }
0x96: {  	v19 =	vmul.f32 v14, v0;
	v20 =	vmul.f32 v14, v1;
	v21 =	vld [tilespmem:s28+$0x1250]  }
0x97: {  	v22 =	vmul.f32 v14, v2;
	v23 =	vmul.f32 v14, v3;
	v24 =	vld [tilespmem:s28+$0x1290]  }
0x98: {  	v12 =	vadd.f32 v12, v20;
	v13 =	vadd.f32 v19, v13;
	v19 =	vmul.f32 v14, v4;
	v20 =	vld [tilespmem:s28+$0x1270]  }
0x99: {  	v11 =	vadd.f32 v11, v23;
	v15 =	vadd.f32 v15, v22;
	v22 =	vmul.f32 v14, v5;
	v23 =	vld [tilespmem:s28+$0x1260]  }
0x9a: {  	v12 =	vmax.f32 v12, $0.0e+00;
	v13 =	vmax.f32 v13, $0.0e+00;
	v17 =	vadd.f32 v17, v19;
	v19 =	vld [tilespmem:s28+$0x1280]  }
0x9b: {  	v11 =	vmax.f32 v11, $0.0e+00;
	[tilespmem:s28+$0x1200] =	vst v13;
	v13 =	vmax.f32 v15, $0.0e+00;
	v15 =	vadd.f32 v21, v22;
	v21 =	vld [tilespmem:s28+$0x12A0]  }
0x9c: {  	[tilespmem:s28+$0x1210] =	vst v12;
	v12 =	vmax.f32 v17, $0.0e+00;
	v17 =	vmul.f32 v14, v6;
	v14 =	vmul.f32 v14, v7;
	v22 =	vld [tilespmem:s28+$0x12B0]  }
0x9d: {  	v25 =	vmul.f32 v16, v1;
	[tilespmem:s28+$0x1220] =	vst v13;
	v13 =	vmax.f32 v15, $0.0e+00;
	v15 =	vmul.f32 v16, v0;
	v26 =	vld [tilespmem:s28+$0x12F0]  }
0x9e: {  	[tilespmem:s28+$0x1230] =	vst v11;
	v11 =	vadd.f32 v23, v17;
	v14 =	vadd.f32 v20, v14;
	v17 =	vmul.f32 v16, v2;
	v20 =	vld [tilespmem:s28+$0x12D0]  }
0x9f: {  	[tilespmem:s28+$0x1240] =	vst v12;
	v12 =	vadd.f32 v19, v15;
	v15 =	vadd.f32 v24, v25;
	v19 =	vmul.f32 v16, v3;
	v23 =	vld [tilespmem:s28+$0x12C0]  }
0xa0: {  	[tilespmem:s28+$0x1250] =	vst v13;
	v11 =	vmax.f32 v11, $0.0e+00;
	v13 =	vmax.f32 v14, $0.0e+00;
	v14 =	vadd.f32 v21, v17;
	v17 =	vld [tilespmem:s28+$0x12E0]  }
0xa1: {  	[tilespmem:s28+$0x1260] =	vst v11;
	v11 =	vmax.f32 v12, $0.0e+00;
	v12 =	vmax.f32 v15, $0.0e+00;
	v15 =	vadd.f32 v22, v19;
	v19 =	vld [tilespmem:s28+$0x1300]  }
0xa2: {  	v21 =	vmul.f32 v16, v5;
	[tilespmem:s28+$0x1270] =	vst v13;
	v13 =	vmax.f32 v14, $0.0e+00;
	v14 =	vmul.f32 v16, v4;
	v22 =	vld [tilespmem:s28+$0x1310]  }
0xa3: {  	[tilespmem:s28+$0x1280] =	vst v11;
	v11 =	vmax.f32 v15, $0.0e+00;
	v15 =	vmul.f32 v16, v6;
	v16 =	vmul.f32 v16, v7;
	v24 =	vld [tilespmem:s28+$0x1350]  }
0xa4: {  	[tilespmem:s28+$0x1290] =	vst v12;
	v12 =	vadd.f32 v23, v14;
	v14 =	vadd.f32 v20, v21;
	v20 =	vmul.f32 v18, v0;
	v21 =	vld [tilespmem:s28+$0x1330]  }
0xa5: {  	[tilespmem:s28+$0x12A0] =	vst v13;
	v13 =	vadd.f32 v17, v15;
	v15 =	vadd.f32 v26, v16;
	v16 =	vmul.f32 v18, v1;
	v17 =	vld [tilespmem:s28+$0x1320]  }
0xa6: {  	[tilespmem:s28+$0x12B0] =	vst v11;
	v11 =	vmax.f32 v12, $0.0e+00;
	v12 =	vmax.f32 v14, $0.0e+00;
	v14 =	vadd.f32 v19, v20;
	v19 =	vld [tilespmem:s28+$0x1340]  }
0xa7: {  	[tilespmem:s28+$0x12C0] =	vst v11;
	v11 =	vmax.f32 v13, $0.0e+00;
	v13 =	vmax.f32 v15, $0.0e+00;
	v15 =	vadd.f32 v22, v16;
	v16 =	vld [tilespmem:s28+$0x1360]  }
0xa8: {  	v20 =	vmul.f32 v18, v3;
	[tilespmem:s28+$0x12D0] =	vst v12;
	v12 =	vmax.f32 v14, $0.0e+00;
	v14 =	vmul.f32 v18, v2;
	v22 =	vld [tilespmem:s28+$0x1370]  }
0xa9: {  	v23 =	vmul.f32 v18, v5;
	[tilespmem:s28+$0x12E0] =	vst v11;
	v11 =	vmax.f32 v15, $0.0e+00;
	v15 =	vmul.f32 v18, v4;
	v25 =	vld [tilespmem:s28+$0x13B0]  }
0xaa: {  	[tilespmem:s28+$0x12F0] =	vst v13;
	v13 =	vadd.f32 v17, v14;
	v14 =	vadd.f32 v21, v20;
	v17 =	vmul.f32 v18, v6;
	v20 =	vld [tilespmem:s28+$0x1390]  }
0xab: {  	v18 =	vmul.f32 v18, v7;
	[tilespmem:s28+$0x1300] =	vst v12;
	v12 =	vadd.f32 v19, v15;
	v15 =	vadd.f32 v24, v23;
	v19 =	vld [tilespmem:s28+$0x1380]  }
0xac: {  	[tilespmem:s28+$0x1310] =	vst v11;
	v11 =	vmax.f32 v13, $0.0e+00;
	v13 =	vmax.f32 v14, $0.0e+00;
	v14 =	vadd.f32 v16, v17;
	v16 =	vld [tilespmem:s28+$0x13A0]  }
0xad: {  	[tilespmem:s28+$0x1320] =	vst v11;
	v11 =	vmax.f32 v12, $0.0e+00;
	v12 =	vmax.f32 v15, $0.0e+00;
	v15 =	vadd.f32 v22, v18;
	v17 =	vld [tilespmem:s28+$0x13C0]  }
0xae: {  	v18 =	vmul.f32 v10, v1;
	[tilespmem:s28+$0x1330] =	vst v13;
	v13 =	vmax.f32 v14, $0.0e+00;
	v14 =	vmul.f32 v10, v0;
	v21 =	vld [tilespmem:s28+$0x13D0]  }
0xaf: {  	v22 =	vmul.f32 v10, v3;
	[tilespmem:s28+$0x1340] =	vst v11;
	v11 =	vmax.f32 v15, $0.0e+00;
	v15 =	vmul.f32 v10, v2  }
0xb0: {  	[tilespmem:s28+$0x1350] =	vst v12;
	v12 =	vadd.f32 v19, v14;
	v14 =	vadd.f32 v20, v18;
	v18 =	vmul.f32 v10, v4;
	v19 =	vld [tilespmem:s28+$0x13F0]  }
0xb1: {  	[tilespmem:s28+$0x1360] =	vst v13;
	v13 =	vadd.f32 v16, v15;
	v15 =	vadd.f32 v25, v22;
	v16 =	vmul.f32 v10, v5;
	v20 =	vld [tilespmem:s28+$0x13E0]  }
0xb2: {  	[tilespmem:s28+$0x1370] =	vst v11;
	v11 =	vmax.f32 v12, $0.0e+00;
	v12 =	vmax.f32 v14, $0.0e+00;
	v14 =	vadd.f32 v17, v18;
	v17 =	vld [tilespmem:s28+$0x1450]  }
0xb3: {  	[tilespmem:s28+$0x1380] =	vst v11;
	v11 =	vmax.f32 v13, $0.0e+00;
	v13 =	vmax.f32 v15, $0.0e+00;
	v15 =	vadd.f32 v21, v16;
	v16 =	vld [tilespmem:s28+$0x1410]  }
0xb4: {  	[tilespmem:s28+$0x1390] =	vst v12;
	v12 =	vmax.f32 v14, $0.0e+00;
	v14 =	vmul.f32 v10, v6;
	v10 =	vmul.f32 v10, v7;
	v18 =	vld [tilespmem:s28+$0x1400]  }
0xb5: {  	v22 =	vbroadcast v9, $0x5;
	[tilespmem:s28+$0x13A0] =	vst v11;
	v11 =	vmax.f32 v15, $0.0e+00;
	v15 =	vbroadcast v9, $0x4;
	v21 =	vld [tilespmem:s28+$0x1420]  }
0xb6: {  	[tilespmem:s28+$0x13B0] =	vst v13;
	v13 =	vadd.f32 v20, v14;
	v10 =	vadd.f32 v19, v10;
	v14 =	vld [tilespmem:s28+$0x1430];
	v19 =	vbroadcast v9, $0x6  }
0xb7: {  	[tilespmem:s28+$0x13C0] =	vst v12;
	v12 =	vmul.f32 v15, v0;
	v20 =	vmul.f32 v15, v1;
	v23 =	vld [tilespmem:s28+$0x1440]  }
0xb8: {  	[tilespmem:s28+$0x13D0] =	vst v11;
	v11 =	vmax.f32 v13, $0.0e+00;
	v10 =	vmax.f32 v10, $0.0e+00;
	v13 =	vmul.f32 v15, v2;
	v24 =	vld [tilespmem:s28+$0x14B0]  }
0xb9: {  	[tilespmem:s28+$0x13E0] =	vst v11;
	v11 =	vadd.f32 v18, v12;
	v12 =	vadd.f32 v16, v20;
	v16 =	vmul.f32 v15, v3;
	v18 =	vld [tilespmem:s28+$0x1470]  }
0xba: {  	v20 =	vmul.f32 v15, v5;
	[tilespmem:s28+$0x13F0] =	vst v10;
	v10 =	vadd.f32 v21, v13;
	v13 =	vmul.f32 v15, v4;
	v21 =	vld [tilespmem:s28+$0x1460]  }
0xbb: {  	v11 =	vmax.f32 v11, $0.0e+00;
	v12 =	vmax.f32 v12, $0.0e+00;
	v14 =	vadd.f32 v14, v16;
	v16 =	vld [tilespmem:s28+$0x1480]  }
0xbc: {  	[tilespmem:s28+$0x1400] =	vst v11;
	v10 =	vmax.f32 v10, $0.0e+00;
	v11 =	vadd.f32 v23, v13;
	v13 =	vadd.f32 v17, v20;
	v17 =	vld [tilespmem:s28+$0x1490]  }
0xbd: {  	[tilespmem:s28+$0x1410] =	vst v12;
	v12 =	vmax.f32 v14, $0.0e+00;
	v14 =	vmul.f32 v15, v6;
	v15 =	vmul.f32 v15, v7;
	v20 =	vld [tilespmem:s28+$0x14A0]  }
0xbe: {  	[tilespmem:s28+$0x1420] =	vst v10;
	v10 =	vmax.f32 v11, $0.0e+00;
	v11 =	vmax.f32 v13, $0.0e+00;
	v13 =	vmul.f32 v22, v0;
	v23 =	vld [tilespmem:s28+$0x1510]  }
0xbf: {  	[tilespmem:s28+$0x1430] =	vst v12;
	v12 =	vadd.f32 v21, v14;
	v14 =	vadd.f32 v18, v15;
	v15 =	vmul.f32 v22, v1;
	v18 =	vld [tilespmem:s28+$0x14D0]  }
0xc0: {  	[tilespmem:s28+$0x1440] =	vst v10;
	v10 =	vadd.f32 v16, v13;
	v13 =	vmul.f32 v22, v2;
	v16 =	vmul.f32 v22, v3;
	v21 =	vld [tilespmem:s28+$0x14C0]  }
0xc1: {  	[tilespmem:s28+$0x1450] =	vst v11;
	v11 =	vmax.f32 v12, $0.0e+00;
	v12 =	vmax.f32 v14, $0.0e+00;
	v14 =	vadd.f32 v17, v15;
	v15 =	vld [tilespmem:s28+$0x14E0]  }
0xc2: {  	[tilespmem:s28+$0x1460] =	vst v11;
	v10 =	vmax.f32 v10, $0.0e+00;
	v11 =	vadd.f32 v20, v13;
	v13 =	vadd.f32 v24, v16;
	v16 =	vld [tilespmem:s28+$0x14F0]  }
0xc3: {  	v17 =	vmul.f32 v22, v5;
	[tilespmem:s28+$0x1470] =	vst v12;
	v12 =	vmax.f32 v14, $0.0e+00;
	v14 =	vmul.f32 v22, v4;
	v20 =	vld [tilespmem:s28+$0x1500]  }
0xc4: {  	[tilespmem:s28+$0x1480] =	vst v10;
	v10 =	vmax.f32 v11, $0.0e+00;
	v11 =	vmax.f32 v13, $0.0e+00;
	v13 =	vmul.f32 v22, v6;
	v24 =	vld [tilespmem:s28+$0x1570]  }
0xc5: {  	[tilespmem:s28+$0x1490] =	vst v12;
	v12 =	vadd.f32 v21, v14;
	v14 =	vadd.f32 v18, v17;
	v17 =	vmul.f32 v22, v7;
	v18 =	vld [tilespmem:s28+$0x1530]  }
0xc6: {  	[tilespmem:s28+$0x14A0] =	vst v10;
	v10 =	vadd.f32 v15, v13;
	v13 =	vmul.f32 v19, v0;
	v15 =	vmul.f32 v19, v1;
	v21 =	vld [tilespmem:s28+$0x1520]  }
0xc7: {  	[tilespmem:s28+$0x14B0] =	vst v11;
	v11 =	vmax.f32 v12, $0.0e+00;
	v12 =	vmax.f32 v14, $0.0e+00;
	v14 =	vadd.f32 v16, v17;
	v16 =	vld [tilespmem:s28+$0x1540]  }
0xc8: {  	[tilespmem:s28+$0x14C0] =	vst v11;
	v10 =	vmax.f32 v10, $0.0e+00;
	v11 =	vadd.f32 v20, v13;
	v13 =	vadd.f32 v23, v15;
	v15 =	vld [tilespmem:s28+$0x1550]  }
0xc9: {  	v17 =	vmul.f32 v19, v3;
	[tilespmem:s28+$0x14D0] =	vst v12;
	v12 =	vmax.f32 v14, $0.0e+00;
	v14 =	vmul.f32 v19, v2;
	v20 =	vld [tilespmem:s28+$0x1560]  }
0xca: {  	[tilespmem:s28+$0x14E0] =	vst v10;
	v10 =	vmax.f32 v11, $0.0e+00;
	v11 =	vmax.f32 v13, $0.0e+00;
	v13 =	vmul.f32 v19, v4  }
0xcb: {  	[tilespmem:s28+$0x14F0] =	vst v12;
	v12 =	vadd.f32 v21, v14;
	v14 =	vadd.f32 v18, v17;
	v17 =	vmul.f32 v19, v5  }
0xcc: {  	[tilespmem:s28+$0x1500] =	vst v10;
	v10 =	vadd.f32 v16, v13;
	v13 =	vmul.f32 v19, v6;
	v16 =	vmul.f32 v19, v7;
	v18 =	vld [tilespmem:s28+$0x15B0]  }
0xcd: {  	[tilespmem:s28+$0x1510] =	vst v11;
	v11 =	vmax.f32 v12, $0.0e+00;
	v12 =	vmax.f32 v14, $0.0e+00;
	v14 =	vadd.f32 v15, v17;
	v15 =	vld [tilespmem:s28+$0x1590]  }
0xce: {  	[tilespmem:s28+$0x1520] =	vst v11;
	v10 =	vmax.f32 v10, $0.0e+00;
	v11 =	vadd.f32 v20, v13;
	v13 =	vadd.f32 v24, v16;
	v16 =	vld [tilespmem:s28+$0x1580]  }
0xcf: {  	v19 =	vbroadcast v9, $0x8;
	[tilespmem:s28+$0x1530] =	vst v12;
	v12 =	vmax.f32 v14, $0.0e+00;
	v14 =	vbroadcast v9, $0x7;
	v17 =	vld [tilespmem:s28+$0x15A0]  }
0xd0: {  	v20 =	vbroadcast v9, $0x9;
	[tilespmem:s28+$0x1540] =	vst v10;
	v10 =	vmax.f32 v11, $0.0e+00;
	v11 =	vmax.f32 v13, $0.0e+00;
	v13 =	vld [tilespmem:s28+$0x15C0]  }
0xd1: {  	[tilespmem:s28+$0x1550] =	vst v12;
	v12 =	vmul.f32 v14, v0;
	v21 =	vmul.f32 v14, v1;
	v22 =	vld [tilespmem:s28+$0x15D0]  }
0xd2: {  	v23 =	vmul.f32 v14, v3;
	[tilespmem:s28+$0x1560] =	vst v10;
	v10 =	vmul.f32 v14, v2;
	v24 =	vld [tilespmem:s28+$0x1610]  }
0xd3: {  	[tilespmem:s28+$0x1570] =	vst v11;
	v11 =	vadd.f32 v16, v12;
	v12 =	vadd.f32 v15, v21;
	v15 =	vmul.f32 v14, v4;
	v16 =	vld [tilespmem:s28+$0x15F0]  }
0xd4: {  	v10 =	vadd.f32 v17, v10;
	v17 =	vadd.f32 v18, v23;
	v18 =	vmul.f32 v14, v5;
	v21 =	vld [tilespmem:s28+$0x15E0]  }
0xd5: {  	v11 =	vmax.f32 v11, $0.0e+00;
	v12 =	vmax.f32 v12, $0.0e+00;
	v13 =	vadd.f32 v13, v15;
	v15 =	vld [tilespmem:s28+$0x1600]  }
0xd6: {  	[tilespmem:s28+$0x1580] =	vst v11;
	v10 =	vmax.f32 v10, $0.0e+00;
	v11 =	vmax.f32 v17, $0.0e+00;
	v17 =	vadd.f32 v22, v18;
	v18 =	vld [tilespmem:s28+$0x1620]  }
0xd7: {  	[tilespmem:s28+$0x1590] =	vst v12;
	v12 =	vmax.f32 v13, $0.0e+00;
	v13 =	vmul.f32 v14, v6;
	v14 =	vmul.f32 v14, v7;
	v22 =	vld [tilespmem:s28+$0x1630]  }
0xd8: {  	v23 =	vmul.f32 v19, v1;
	[tilespmem:s28+$0x15A0] =	vst v10;
	v10 =	vmax.f32 v17, $0.0e+00;
	v17 =	vmul.f32 v19, v0;
	v25 =	vld [tilespmem:s28+$0x1670]  }
0xd9: {  	[tilespmem:s28+$0x15B0] =	vst v11;
	v11 =	vadd.f32 v21, v13;
	v13 =	vadd.f32 v16, v14;
	v14 =	vmul.f32 v19, v2;
	v16 =	vld [tilespmem:s28+$0x1650]  }
0xda: {  	[tilespmem:s28+$0x15C0] =	vst v12;
	v12 =	vadd.f32 v15, v17;
	v15 =	vadd.f32 v24, v23;
	v17 =	vmul.f32 v19, v3;
	v21 =	vld [tilespmem:s28+$0x1640]  }
0xdb: {  	[tilespmem:s28+$0x15D0] =	vst v10;
	v10 =	vmax.f32 v11, $0.0e+00;
	v11 =	vmax.f32 v13, $0.0e+00;
	v13 =	vadd.f32 v18, v14;
	v14 =	vld [tilespmem:s28+$0x1660]  }
0xdc: {  	[tilespmem:s28+$0x15E0] =	vst v10;
	v10 =	vmax.f32 v12, $0.0e+00;
	v12 =	vmax.f32 v15, $0.0e+00;
	v15 =	vadd.f32 v22, v17;
	v17 =	vld [tilespmem:s28+$0x1680]  }
0xdd: {  	v18 =	vmul.f32 v19, v5;
	[tilespmem:s28+$0x15F0] =	vst v11;
	v11 =	vmax.f32 v13, $0.0e+00;
	v13 =	vmul.f32 v19, v4;
	v22 =	vld [tilespmem:s28+$0x1690]  }
0xde: {  	[tilespmem:s28+$0x1600] =	vst v10;
	v10 =	vmax.f32 v15, $0.0e+00;
	v15 =	vmul.f32 v19, v6;
	v19 =	vmul.f32 v19, v7;
	v23 =	vld [tilespmem:s28+$0x16D0]  }
0xdf: {  	[tilespmem:s28+$0x1610] =	vst v12;
	v12 =	vadd.f32 v21, v13;
	v13 =	vadd.f32 v16, v18;
	v16 =	vmul.f32 v20, v0;
	v18 =	vld [tilespmem:s28+$0x16B0]  }
0xe0: {  	[tilespmem:s28+$0x1620] =	vst v11;
	v11 =	vadd.f32 v14, v15;
	v14 =	vadd.f32 v25, v19;
	v15 =	vmul.f32 v20, v1;
	v19 =	vld [tilespmem:s28+$0x16A0]  }
0xe1: {  	[tilespmem:s28+$0x1630] =	vst v10;
	v10 =	vmax.f32 v12, $0.0e+00;
	v12 =	vmax.f32 v13, $0.0e+00;
	v13 =	vadd.f32 v17, v16;
	v16 =	vld [tilespmem:s28+$0x16C0]  }
0xe2: {  	[tilespmem:s28+$0x1640] =	vst v10;
	v10 =	vmax.f32 v11, $0.0e+00;
	v11 =	vmax.f32 v14, $0.0e+00;
	v14 =	vadd.f32 v22, v15;
	v15 =	vld [tilespmem:s28+$0x16E0]  }
0xe3: {  	v17 =	vmul.f32 v20, v3;
	[tilespmem:s28+$0x1650] =	vst v12;
	v12 =	vmax.f32 v13, $0.0e+00;
	v13 =	vmul.f32 v20, v2;
	v21 =	vld [tilespmem:s28+$0x16F0]  }
0xe4: {  	v22 =	vmul.f32 v20, v5;
	[tilespmem:s28+$0x1660] =	vst v10;
	v10 =	vmax.f32 v14, $0.0e+00;
	v14 =	vmul.f32 v20, v4  }
0xe5: {  	[tilespmem:s28+$0x1670] =	vst v11;
	v11 =	vadd.f32 v19, v13;
	v13 =	vadd.f32 v18, v17;
	v17 =	vmul.f32 v20, v6  }
0xe6: {  	[tilespmem:s28+$0x1680] =	vst v12;
	v12 =	vadd.f32 v16, v14;
	v14 =	vadd.f32 v23, v22;
	v16 =	vmul.f32 v20, v7;
	v18 =	vld [tilespmem:s28+$0x1730]  }
0xe7: {  	[tilespmem:s28+$0x1690] =	vst v10;
	v10 =	vmax.f32 v11, $0.0e+00;
	v11 =	vmax.f32 v13, $0.0e+00;
	v13 =	vadd.f32 v15, v17;
	v15 =	vld [tilespmem:s28+$0x1710]  }
0xe8: {  	[tilespmem:s28+$0x16A0] =	vst v10;
	v10 =	vmax.f32 v12, $0.0e+00;
	v12 =	vmax.f32 v14, $0.0e+00;
	v14 =	vadd.f32 v21, v16;
	v16 =	vld [tilespmem:s28+$0x1700]  }
0xe9: {  	v19 =	vbroadcast v9, $0xB;
	[tilespmem:s28+$0x16B0] =	vst v11;
	v11 =	vmax.f32 v13, $0.0e+00;
	v13 =	vbroadcast v9, $0xA;
	v17 =	vld [tilespmem:s28+$0x1720]  }
0xea: {  	v21 =	vbroadcast v9, $0xC;
	[tilespmem:s28+$0x16C0] =	vst v10;
	v14 =	vmax.f32 v14, $0.0e+00;
	v20 =	vld [tilespmem:s28+$0x1740];
	v10 =	vbroadcast v9, $0xD  }
0xeb: {  	[tilespmem:s28+$0x16D0] =	vst v12;
	v12 =	vmul.f32 v13, v0;
	v22 =	vmul.f32 v13, v1;
	v23 =	vld [tilespmem:s28+$0x1750]  }
0xec: {  	v24 =	vmul.f32 v13, v3;
	[tilespmem:s28+$0x16E0] =	vst v11;
	v11 =	vmul.f32 v13, v2;
	v25 =	vld [tilespmem:s28+$0x1790]  }
0xed: {  	[tilespmem:s28+$0x16F0] =	vst v14;
	v12 =	vadd.f32 v16, v12;
	v14 =	vadd.f32 v15, v22;
	v15 =	vmul.f32 v13, v4;
	v16 =	vld [tilespmem:s28+$0x1770]  }
0xee: {  	v11 =	vadd.f32 v17, v11;
	v17 =	vadd.f32 v18, v24;
	v18 =	vmul.f32 v13, v5;
	v22 =	vld [tilespmem:s28+$0x1760]  }
0xef: {  	v12 =	vmax.f32 v12, $0.0e+00;
	v14 =	vmax.f32 v14, $0.0e+00;
	v15 =	vadd.f32 v20, v15;
	v20 =	vld [tilespmem:s28+$0x1780]  }
0xf0: {  	[tilespmem:s28+$0x1700] =	vst v12;
	v11 =	vmax.f32 v11, $0.0e+00;
	v12 =	vmax.f32 v17, $0.0e+00;
	v17 =	vadd.f32 v23, v18;
	v18 =	vld [tilespmem:s28+$0x17A0]  }
0xf1: {  	[tilespmem:s28+$0x1710] =	vst v14;
	v14 =	vmax.f32 v15, $0.0e+00;
	v15 =	vmul.f32 v13, v6;
	v13 =	vmul.f32 v13, v7;
	v23 =	vld [tilespmem:s28+$0x17B0]  }
0xf2: {  	v24 =	vmul.f32 v19, v1;
	[tilespmem:s28+$0x1720] =	vst v11;
	v11 =	vmax.f32 v17, $0.0e+00;
	v17 =	vmul.f32 v19, v0;
	v26 =	vld [tilespmem:s28+$0x17F0]  }
0xf3: {  	[tilespmem:s28+$0x1730] =	vst v12;
	v12 =	vadd.f32 v22, v15;
	v13 =	vadd.f32 v16, v13;
	v15 =	vmul.f32 v19, v2;
	v16 =	vld [tilespmem:s28+$0x17D0]  }
0xf4: {  	[tilespmem:s28+$0x1740] =	vst v14;
	v14 =	vadd.f32 v20, v17;
	v17 =	vadd.f32 v25, v24;
	v20 =	vmul.f32 v19, v3;
	v22 =	vld [tilespmem:s28+$0x17C0]  }
0xf5: {  	[tilespmem:s28+$0x1750] =	vst v11;
	v11 =	vmax.f32 v12, $0.0e+00;
	v12 =	vmax.f32 v13, $0.0e+00;
	v13 =	vadd.f32 v18, v15;
	v15 =	vld [tilespmem:s28+$0x17E0]  }
0xf6: {  	[tilespmem:s28+$0x1760] =	vst v11;
	v11 =	vmax.f32 v14, $0.0e+00;
	v14 =	vmax.f32 v17, $0.0e+00;
	v17 =	vadd.f32 v23, v20;
	v18 =	vld [tilespmem:s28+$0x1800]  }
0xf7: {  	v20 =	vmul.f32 v19, v5;
	[tilespmem:s28+$0x1770] =	vst v12;
	v12 =	vmax.f32 v13, $0.0e+00;
	v13 =	vmul.f32 v19, v4;
	v23 =	vld [tilespmem:s28+$0x1810]  }
0xf8: {  	[tilespmem:s28+$0x1780] =	vst v11;
	v11 =	vmax.f32 v17, $0.0e+00;
	v17 =	vmul.f32 v19, v6;
	v19 =	vmul.f32 v19, v7;
	v24 =	vld [tilespmem:s28+$0x1850]  }
0xf9: {  	[tilespmem:s28+$0x1790] =	vst v14;
	v13 =	vadd.f32 v22, v13;
	v14 =	vadd.f32 v16, v20;
	v16 =	vmul.f32 v21, v0;
	v20 =	vld [tilespmem:s28+$0x1830]  }
0xfa: {  	[tilespmem:s28+$0x17A0] =	vst v12;
	v12 =	vadd.f32 v15, v17;
	v15 =	vadd.f32 v26, v19;
	v17 =	vmul.f32 v21, v1;
	v19 =	vld [tilespmem:s28+$0x1820]  }
0xfb: {  	[tilespmem:s28+$0x17B0] =	vst v11;
	v11 =	vmax.f32 v13, $0.0e+00;
	v13 =	vmax.f32 v14, $0.0e+00;
	v14 =	vadd.f32 v18, v16;
	v16 =	vld [tilespmem:s28+$0x1840]  }
0xfc: {  	[tilespmem:s28+$0x17C0] =	vst v11;
	v11 =	vmax.f32 v12, $0.0e+00;
	v12 =	vmax.f32 v15, $0.0e+00;
	v15 =	vadd.f32 v23, v17;
	v17 =	vld [tilespmem:s28+$0x1860]  }
0xfd: {  	v18 =	vmul.f32 v21, v3;
	[tilespmem:s28+$0x17D0] =	vst v13;
	v13 =	vmax.f32 v14, $0.0e+00;
	v14 =	vmul.f32 v21, v2;
	v22 =	vld [tilespmem:s28+$0x1870]  }
0xfe: {  	v23 =	vmul.f32 v21, v5;
	[tilespmem:s28+$0x17E0] =	vst v11;
	v11 =	vmax.f32 v15, $0.0e+00;
	v15 =	vmul.f32 v21, v4;
	v25 =	vld [tilespmem:s28+$0x18B0]  }
0xff: {  	[tilespmem:s28+$0x17F0] =	vst v12;
	v12 =	vadd.f32 v19, v14;
	v14 =	vadd.f32 v20, v18;
	v18 =	vmul.f32 v21, v6;
	v19 =	vld [tilespmem:s28+$0x1890]  }
0x100: {  	[tilespmem:s28+$0x1800] =	vst v13;
	v13 =	vadd.f32 v16, v15;
	v15 =	vadd.f32 v24, v23;
	v16 =	vmul.f32 v21, v7;
	v20 =	vld [tilespmem:s28+$0x1880]  }
0x101: {  	[tilespmem:s28+$0x1810] =	vst v11;
	v11 =	vmax.f32 v12, $0.0e+00;
	v12 =	vmax.f32 v14, $0.0e+00;
	v14 =	vadd.f32 v17, v18;
	v17 =	vld [tilespmem:s28+$0x18A0]  }
0x102: {  	[tilespmem:s28+$0x1820] =	vst v11;
	v11 =	vmax.f32 v13, $0.0e+00;
	v13 =	vmax.f32 v15, $0.0e+00;
	v15 =	vadd.f32 v22, v16;
	v16 =	vld [tilespmem:s28+$0x18C0]  }
0x103: {  	v18 =	vmul.f32 v10, v1;
	[tilespmem:s28+$0x1830] =	vst v12;
	v12 =	vmax.f32 v14, $0.0e+00;
	v14 =	vmul.f32 v10, v0;
	v21 =	vld [tilespmem:s28+$0x18D0]  }
0x104: {  	v22 =	vmul.f32 v10, v3;
	[tilespmem:s28+$0x1840] =	vst v11;
	v11 =	vmax.f32 v15, $0.0e+00;
	v15 =	vmul.f32 v10, v2  }
0x105: {  	[tilespmem:s28+$0x1850] =	vst v13;
	v13 =	vadd.f32 v20, v14;
	v14 =	vadd.f32 v19, v18;
	v18 =	vmul.f32 v10, v4;
	v19 =	vld [tilespmem:s28+$0x18F0]  }
0x106: {  	[tilespmem:s28+$0x1860] =	vst v12;
	v12 =	vadd.f32 v17, v15;
	v15 =	vadd.f32 v25, v22;
	v17 =	vmul.f32 v10, v5;
	v20 =	vld [tilespmem:s28+$0x18E0]  }
0x107: {  	[tilespmem:s28+$0x1870] =	vst v11;
	v11 =	vmax.f32 v13, $0.0e+00;
	v13 =	vmax.f32 v14, $0.0e+00;
	v14 =	vadd.f32 v16, v18;
	v16 =	vld [tilespmem:s28+$0x1950]  }
0x108: {  	[tilespmem:s28+$0x1880] =	vst v11;
	v11 =	vmax.f32 v12, $0.0e+00;
	v12 =	vmax.f32 v15, $0.0e+00;
	v15 =	vadd.f32 v21, v17;
	v17 =	vld [tilespmem:s28+$0x1910]  }
0x109: {  	[tilespmem:s28+$0x1890] =	vst v13;
	v13 =	vmax.f32 v14, $0.0e+00;
	v14 =	vmul.f32 v10, v6;
	v10 =	vmul.f32 v10, v7;
	v18 =	vld [tilespmem:s28+$0x1900]  }
0x10a: {  	[tilespmem:s28+$0x18A0] =	vst v11;
	v11 =	vmax.f32 v15, $0.0e+00;
	v15 =	vbroadcast v9, $0xE;
	v21 =	vld [tilespmem:s28+$0x1920];
	v9 =	vbroadcast v9, $0xF  }
0x10b: {  	[tilespmem:s28+$0x18B0] =	vst v12;
	v12 =	vadd.f32 v20, v14;
	v10 =	vadd.f32 v19, v10;
	v14 =	vld [tilespmem:s28+$0x1930]  }
0x10c: {  	[tilespmem:s28+$0x18C0] =	vst v13;
	v13 =	vmul.f32 v15, v0;
	v19 =	vmul.f32 v15, v1;
	v20 =	vld [tilespmem:s28+$0x1940]  }
0x10d: {  	[tilespmem:s28+$0x18D0] =	vst v11;
	v11 =	vmax.f32 v12, $0.0e+00;
	v10 =	vmax.f32 v10, $0.0e+00;
	v12 =	vmul.f32 v15, v2;
	v22 =	vld [tilespmem:s28+$0x19B0]  }
0x10e: {  	[tilespmem:s28+$0x18E0] =	vst v11;
	v11 =	vadd.f32 v18, v13;
	v13 =	vadd.f32 v17, v19;
	v17 =	vmul.f32 v15, v3;
	v18 =	vld [tilespmem:s28+$0x1970]  }
0x10f: {  	v19 =	vmul.f32 v15, v5;
	[tilespmem:s28+$0x18F0] =	vst v10;
	v10 =	vadd.f32 v21, v12;
	v12 =	vmul.f32 v15, v4;
	v21 =	vld [tilespmem:s28+$0x1960]  }
0x110: {  	v11 =	vmax.f32 v11, $0.0e+00;
	v13 =	vmax.f32 v13, $0.0e+00;
	v14 =	vadd.f32 v14, v17;
	v17 =	vld [tilespmem:s28+$0x1980]  }
0x111: {  	[tilespmem:s28+$0x1900] =	vst v11;
	v10 =	vmax.f32 v10, $0.0e+00;
	v11 =	vadd.f32 v20, v12;
	v12 =	vadd.f32 v16, v19;
	v16 =	vld [tilespmem:s28+$0x1990]  }
0x112: {  	[tilespmem:s28+$0x1910] =	vst v13;
	v13 =	vmax.f32 v14, $0.0e+00;
	v14 =	vmul.f32 v15, v6;
	v15 =	vmul.f32 v15, v7;
	v19 =	vld [tilespmem:s28+$0x19A0]  }
0x113: {  	[tilespmem:s28+$0x1920] =	vst v10;
	v10 =	vmax.f32 v11, $0.0e+00;
	v11 =	vmax.f32 v12, $0.0e+00;
	v12 =	vmul.f32 v9, v0  }
0x114: {  	[tilespmem:s28+$0x1930] =	vst v13;
	v13 =	vadd.f32 v21, v14;
	v14 =	vadd.f32 v18, v15;
	v15 =	vmul.f32 v9, v1;
	v18 =	vld [tilespmem:s28+$0x19D0]  }
0x115: {  	[tilespmem:s28+$0x1940] =	vst v10;
	v10 =	vadd.f32 v17, v12;
	v12 =	vmul.f32 v9, v2;
	v17 =	vmul.f32 v9, v3;
	v20 =	vld [tilespmem:s28+$0x19C0]  }
0x116: {  	[tilespmem:s28+$0x1950] =	vst v11;
	v11 =	vmax.f32 v13, $0.0e+00;
	v13 =	vmax.f32 v14, $0.0e+00;
	v14 =	vadd.f32 v16, v15;
	v15 =	vld [tilespmem:s28+$0x19E0]  }
0x117: {  	[tilespmem:s28+$0x1960] =	vst v11;
	v10 =	vmax.f32 v10, $0.0e+00;
	v11 =	vadd.f32 v19, v12;
	v12 =	vadd.f32 v22, v17;
	v16 =	vld [tilespmem:s28+$0x19F0]  }
0x118: {  	v17 =	vmul.f32 v9, v5;
	[tilespmem:s28+$0x1970] =	vst v13;
	v13 =	vmax.f32 v14, $0.0e+00;
	v14 =	vmul.f32 v9, v4  }
0x119: {  	[tilespmem:s28+$0x1980] =	vst v10;
	v10 =	vmax.f32 v11, $0.0e+00;
	v11 =	vmax.f32 v12, $0.0e+00;
	v12 =	vmul.f32 v9, v6  }
0x11a: {  	v9 =	vmul.f32 v9, v7;
	[tilespmem:s28+$0x1990] =	vst v13;
	v13 =	vadd.f32 v20, v14;
	v14 =	vadd.f32 v18, v17  }
0x11b: {  	[tilespmem:s28+$0x19A0] =	vst v10;
	v10 =	vadd.f32 v15, v12  }
.Ltmp4:
0x11c: {  	[tilespmem:s28+$0x19B0] =	vst v11;
	v11 =	vmax.f32 v13, $0.0e+00;
	v12 =	vmax.f32 v14, $0.0e+00;
	v9 =	vadd.f32 v16, v9;
	(pc) =	sbr.rel @p0 .LBB2_9-.Ltmp4, $4  }
0x11d: {  	[tilespmem:s28+$0x19C0] =	vst v11;
	v10 =	vmax.f32 v10, $0.0e+00  }
0x11e: {  	[tilespmem:s28+$0x19D0] =	vst v12;
	v9 =	vmax.f32 v9, $0.0e+00  }
0x11f: {  	[tilespmem:s28+$0x19E0] =	vst v10  }
0x120: {  	s11 =	sshll.u32 s2, $0x4;
	s2 =	sadd.s32 $0x1, s2;
	[tilespmem:s28+$0x19F0] =	vst v9  }
0x121: {  	_ =	sdelay $0x3  }
0x122: {  	v8 =	vld.idx.msk [tilespmem:v8+s11+$0x0 ss:$0x1], $0xffff;
	_ =	sdelay $0x1  }
0x123: {  	s2 =	sadd.s32 s31, s11  }
0x124: {  	s2 =	sshll.u32 s2, $0x7  }
0x125: {  	s2 =	sand.u32 $0x3FFFFF80, s2  }
0x126: {  	v10 =	vld [tilespmem:s2+$0x1230];
	v13 =	vbroadcast v8, $0x0  }
0x127: {  	v11 =	vld [tilespmem:s2+$0x1210];
	v15 =	vbroadcast v8, $0x1;
	v17 =	vbroadcast v8, $0x2  }
0x128: {  	v12 =	vld [tilespmem:s2+$0x1200];
	v9 =	vbroadcast v8, $0x3;
	v18 =	vmul.f32 v13, v0  }
0x129: {  	v14 =	vld [tilespmem:s2+$0x1220];
	v19 =	vmul.f32 v13, v1;
	v21 =	vmul.f32 v13, v2  }
0x12a: {  	v16 =	vld [tilespmem:s2+$0x1240];
	v22 =	vmul.f32 v13, v3;
	v58 =	vmul.f32 v13, v4  }
0x12b: {  	v20 =	vld [tilespmem:s2+$0x1250];
	v60 =	vmul.f32 v13, v5;
	v62 =	vmul.f32 v13, v6  }
0x12c: {  	v23 =	vld [tilespmem:s2+$0x1290];
	v13 =	vmul.f32 v13, v7;
	v26 =	vmul.f32 v15, v0  }
0x12d: {  	v57 =	vld [tilespmem:s2+$0x1270];
	v27 =	vmul.f32 v15, v1;
	v31 =	vmul.f32 v15, v2  }
0x12e: {  	v59 =	vld [tilespmem:s2+$0x1260];
	v35 =	vmul.f32 v15, v3;
	v41 =	vmul.f32 v15, v4  }
0x12f: {  	v24 =	vld [tilespmem:s2+$0x1280];
	v42 =	vmul.f32 v15, v5;
	v44 =	vmul.f32 v15, v6  }
0x130: {  	v61 =	vld [tilespmem:s2+$0x12A0];
	v15 =	vmul.f32 v15, v7;
	v47 =	vmul.f32 v17, v0;
	v12 =	vadd.f32 v18, v12  }
0x131: {  	v28 =	vld [tilespmem:s2+$0x12F0];
	v49 =	vmul.f32 v17, v1;
	v53 =	vmul.f32 v17, v2;
	v11 =	vadd.f32 v11, v19  }
0x132: {  	v30 =	vld [tilespmem:s2+$0x12D0];
	v54 =	vmul.f32 v17, v3;
	v14 =	vadd.f32 v14, v21;
	v12 =	vmax.f32 v12, $0.0e+00  }
0x133: {  	v43 =	vld [tilespmem:s2+$0x1310];
	v56 =	vmul.f32 v17, v4;
	v10 =	vadd.f32 v10, v22;
	v11 =	vmax.f32 v11, $0.0e+00;
	[tilespmem:s2+$0x1200] =	vst v12  }
0x134: {  	v46 =	vld [tilespmem:s2+$0x1330];
	v16 =	vadd.f32 v16, v58;
	v20 =	vadd.f32 v20, v60;
	v14 =	vmax.f32 v14, $0.0e+00;
	[tilespmem:s2+$0x1210] =	vst v11  }
0x135: {  	v25 =	vld [tilespmem:s2+$0x12B0];
	v29 =	vadd.f32 v59, v62;
	v13 =	vadd.f32 v57, v13;
	v10 =	vmax.f32 v10, $0.0e+00;
	[tilespmem:s2+$0x1220] =	vst v14  }
0x136: {  	v34 =	vld [tilespmem:s2+$0x12C0];
	v32 =	vadd.f32 v24, v26;
	v33 =	vadd.f32 v23, v27;
	v16 =	vmax.f32 v16, $0.0e+00;
	[tilespmem:s2+$0x1230] =	vst v10  }
0x137: {  	v45 =	vld [tilespmem:s2+$0x1350];
	v37 =	vadd.f32 v61, v31;
	v18 =	vadd.f32 v30, v42;
	v63 =	vmax.f32 v20, $0.0e+00;
	[tilespmem:s2+$0x1240] =	vst v16  }
0x138: {  	v51 =	vld [tilespmem:s2+$0x1360];
	v15 =	vadd.f32 v28, v15;
	v52 =	vadd.f32 v43, v49;
	v20 =	vmax.f32 v29, $0.0e+00;
	[tilespmem:s2+$0x1250] =	vst v63  }
0x139: {  	v36 =	vld [tilespmem:s2+$0x12E0];
	v57 =	vmul.f32 v17, v5;
	v59 =	vadd.f32 v46, v54;
	v13 =	vmax.f32 v13, $0.0e+00;
	[tilespmem:s2+$0x1260] =	vst v20  }
0x13a: {  	v40 =	vld [tilespmem:s2+$0x1300];
	v61 =	vmul.f32 v17, v6;
	v28 =	vmul.f32 v17, v7;
	v38 =	vmax.f32 v32, $0.0e+00;
	[tilespmem:s2+$0x1270] =	vst v13  }
0x13b: {  	v48 =	vld [tilespmem:s2+$0x1320];
	v43 =	vmul.f32 v9, v4;
	v46 =	vmul.f32 v9, v5;
	v39 =	vmax.f32 v33, $0.0e+00;
	[tilespmem:s2+$0x1280] =	vst v38  }
0x13c: {  	v50 =	vld [tilespmem:s2+$0x1340];
	v24 =	vbroadcast v8, $0x5;
	v18 =	vmax.f32 v18, $0.0e+00;
	v15 =	vmax.f32 v15, $0.0e+00;
	[tilespmem:s2+$0x1290] =	vst v39  }
0x13d: {  	v55 =	vld [tilespmem:s2+$0x1370];
	v62 =	vadd.f32 v45, v57;
	v30 =	vadd.f32 v51, v61;
	v33 =	vmul.f32 v9, v0;
	[tilespmem:s2+$0x12D0] =	vst v18  }
0x13e: {  	v58 =	vld [tilespmem:s2+$0x13B0];
	v14 =	vadd.f32 v25, v35;
	v10 =	vmax.f32 v37, $0.0e+00;
	v16 =	vadd.f32 v34, v41;
	[tilespmem:s2+$0x12F0] =	vst v15  }
0x13f: {  	v60 =	vld [tilespmem:s2+$0x1390];
	v12 =	vadd.f32 v36, v44;
	v13 =	vadd.f32 v40, v47;
	[tilespmem:s2+$0x12A0] =	vst v10;
	v10 =	vmax.f32 v52, $0.0e+00  }
0x140: {  	v42 =	vld [tilespmem:s2+$0x13F0];
	v11 =	vadd.f32 v48, v53;
	v34 =	vmul.f32 v9, v1;
	v31 =	vmax.f32 v62, $0.0e+00;
	[tilespmem:s2+$0x1310] =	vst v10  }
0x141: {  	v29 =	vld [tilespmem:s2+$0x13A0];
	v37 =	vmul.f32 v9, v2;
	v38 =	vmul.f32 v9, v3;
	v35 =	vmax.f32 v30, $0.0e+00;
	[tilespmem:s2+$0x1350] =	vst v31  }
0x142: {  	v32 =	vld [tilespmem:s2+$0x13C0];
	v20 =	vbroadcast v8, $0x6;
	v18 =	vbroadcast v8, $0xC;
	v14 =	vmax.f32 v14, $0.0e+00;
	[tilespmem:s2+$0x1360] =	vst v35  }
0x143: {  	v45 =	vld [tilespmem:s2+$0x13E0];
	v52 =	vmul.f32 v9, v6;
	v9 =	vmul.f32 v9, v7;
	v16 =	vmax.f32 v16, $0.0e+00;
	[tilespmem:s2+$0x12B0] =	vst v14  }
0x144: {  	v12 =	vmax.f32 v12, $0.0e+00;
	v13 =	vmax.f32 v13, $0.0e+00;
	v41 =	vadd.f32 v60, v34;
	[tilespmem:s2+$0x12C0] =	vst v16  }
0x145: {  	v63 =	vld [tilespmem:s2+$0x1380];
	v11 =	vmax.f32 v11, $0.0e+00;
	v44 =	vadd.f32 v58, v38;
	v14 =	vadd.f32 v50, v56;
	[tilespmem:s2+$0x12E0] =	vst v12  }
0x146: {  	v36 =	vld [tilespmem:s2+$0x13D0];
	v16 =	vmax.f32 v59, $0.0e+00;
	[tilespmem:s2+$0x1300] =	vst v13;
	v12 =	vadd.f32 v55, v28;
	v55 =	vbroadcast v8, $0x4  }
0x147: {  	v61 =	vld [tilespmem:s2+$0x1440];
	[tilespmem:s2+$0x1320] =	vst v11;
	v9 =	vadd.f32 v42, v9;
	v17 =	vadd.f32 v29, v37;
	v19 =	vmax.f32 v41, $0.0e+00  }
0x148: {  	v47 =	vld [tilespmem:s2+$0x1450];
	[tilespmem:s2+$0x1330] =	vst v16;
	v13 =	vadd.f32 v32, v43;
	v49 =	vmax.f32 v44, $0.0e+00;
	v57 =	vadd.f32 v45, v52  }
0x149: {  	v53 =	vld [tilespmem:s2+$0x1400];
	v52 =	vmul.f32 v24, v3;
	v14 =	vmax.f32 v14, $0.0e+00;
	v39 =	vmax.f32 v12, $0.0e+00;
	[tilespmem:s2+$0x1390] =	vst v19  }
0x14a: {  	v58 =	vld [tilespmem:s2+$0x1430];
	v40 =	vadd.f32 v63, v33;
	v59 =	vmul.f32 v55, v0;
	v60 =	vmul.f32 v55, v1;
	[tilespmem:s2+$0x13B0] =	vst v49  }
0x14b: {  	v30 =	vld [tilespmem:s2+$0x1470];
	v51 =	vadd.f32 v36, v46;
	v62 =	vmul.f32 v55, v2;
	v29 =	vmul.f32 v55, v3;
	[tilespmem:s2+$0x1340] =	vst v14  }
0x14c: {  	v50 =	vld [tilespmem:s2+$0x1410];
	v9 =	vmax.f32 v9, $0.0e+00;
	v32 =	vmul.f32 v55, v4;
	v33 =	vmul.f32 v55, v5;
	[tilespmem:s2+$0x1370] =	vst v39  }
0x14d: {  	v56 =	vld [tilespmem:s2+$0x1420];
	v42 =	vmul.f32 v55, v6;
	v46 =	vmul.f32 v24, v0;
	v48 =	vmax.f32 v17, $0.0e+00;
	[tilespmem:s2+$0x13F0] =	vst v9  }
0x14e: {  	v34 =	vld [tilespmem:s2+$0x1460];
	v54 =	vmax.f32 v13, $0.0e+00;
	v13 =	vmul.f32 v55, v7;
	v12 =	vmax.f32 v40, $0.0e+00;
	[tilespmem:s2+$0x13A0] =	vst v48  }
0x14f: {  	v37 =	vld [tilespmem:s2+$0x1480];
	v10 =	vmax.f32 v51, $0.0e+00;
	v15 =	vadd.f32 v53, v59;
	[tilespmem:s2+$0x13C0] =	vst v54;
	v14 =	vadd.f32 v58, v29  }
0x150: {  	v43 =	vld [tilespmem:s2+$0x14A0];
	v38 =	vadd.f32 v61, v32;
	v39 =	vadd.f32 v47, v33;
	v48 =	vmul.f32 v24, v1;
	[tilespmem:s2+$0x1380] =	vst v12  }
0x151: {  	v51 =	vmul.f32 v24, v2;
	v12 =	vmax.f32 v57, $0.0e+00;
	v28 =	vadd.f32 v50, v60;
	[tilespmem:s2+$0x13D0] =	vst v10  }
0x152: {  	v63 =	vld [tilespmem:s2+$0x14B0];
	v31 =	vadd.f32 v56, v62;
	v13 =	vadd.f32 v30, v13;
	v35 =	vmax.f32 v15, $0.0e+00;
	[tilespmem:s2+$0x13E0] =	vst v12  }
0x153: {  	v25 =	vld [tilespmem:s2+$0x1500];
	v62 =	vmul.f32 v24, v4;
	v41 =	vmax.f32 v14, $0.0e+00;
	v44 =	vmax.f32 v38, $0.0e+00;
	[tilespmem:s2+$0x1400] =	vst v35  }
0x154: {  	v49 =	vld [tilespmem:s2+$0x14D0];
	v45 =	vmax.f32 v39, $0.0e+00;
	v14 =	vadd.f32 v34, v42;
	v50 =	vadd.f32 v37, v46;
	[tilespmem:s2+$0x1430] =	vst v41  }
0x155: {  	v40 =	vld [tilespmem:s2+$0x1490];
	v58 =	vadd.f32 v43, v51;
	v34 =	vmul.f32 v20, v0;
	v46 =	vmul.f32 v20, v2;
	[tilespmem:s2+$0x1440] =	vst v44  }
0x156: {  	v53 =	vld [tilespmem:s2+$0x14C0];
	v51 =	vmul.f32 v20, v4;
	v36 =	vmax.f32 v28, $0.0e+00;
	v11 =	vmax.f32 v31, $0.0e+00;
	[tilespmem:s2+$0x1450] =	vst v45  }
0x157: {  	v47 =	vld [tilespmem:s2+$0x1510];
	v59 =	vadd.f32 v63, v52;
	v63 =	vmul.f32 v24, v5;
	v28 =	vmul.f32 v24, v6;
	[tilespmem:s2+$0x1410] =	vst v36  }
0x158: {  	v56 =	vld [tilespmem:s2+$0x14E0];
	v13 =	vmax.f32 v13, $0.0e+00;
	v31 =	vmul.f32 v24, v7;
	v35 =	vmul.f32 v20, v1;
	[tilespmem:s2+$0x1420] =	vst v11  }
0x159: {  	v60 =	vld [tilespmem:s2+$0x14F0];
	v54 =	vmax.f32 v14, $0.0e+00;
	v57 =	vmax.f32 v50, $0.0e+00;
	v26 =	vmax.f32 v58, $0.0e+00;
	[tilespmem:s2+$0x1470] =	vst v13  }
0x15a: {  	v32 =	vld [tilespmem:s2+$0x1530];
	v42 =	vadd.f32 v25, v34;
	v58 =	vmul.f32 v20, v7;
	v55 =	vadd.f32 v40, v48;
	[tilespmem:s2+$0x1460] =	vst v54  }
0x15b: {  	v44 =	vld [tilespmem:s2+$0x1550];
	v27 =	vmax.f32 v59, $0.0e+00;
	v29 =	vadd.f32 v53, v62;
	v30 =	vadd.f32 v49, v63;
	[tilespmem:s2+$0x1480] =	vst v57  }
0x15c: {  	v36 =	vld [tilespmem:s2+$0x1520];
	[tilespmem:s2+$0x14A0] =	vst v26;
	v43 =	vadd.f32 v47, v35;
	v47 =	vmul.f32 v20, v3;
	v54 =	vmul.f32 v20, v5  }
0x15d: {  	v40 =	vld [tilespmem:s2+$0x1540];
	v57 =	vmul.f32 v20, v6;
	v33 =	vadd.f32 v56, v28;
	[tilespmem:s2+$0x14B0] =	vst v27;
	v10 =	vmax.f32 v42, $0.0e+00  }
0x15e: {  	v48 =	vld [tilespmem:s2+$0x1560];
	v39 =	vadd.f32 v60, v31;
	v61 =	vmax.f32 v55, $0.0e+00;
	v37 =	vmax.f32 v29, $0.0e+00;
	[tilespmem:s2+$0x1500] =	vst v10  }
0x15f: {  	v49 =	vld [tilespmem:s2+$0x1570];
	v38 =	vmax.f32 v30, $0.0e+00;
	v50 =	vmax.f32 v43, $0.0e+00;
	v29 =	vbroadcast v8, $0x7;
	[tilespmem:s2+$0x1490] =	vst v61  }
0x160: {  	v59 =	vld [tilespmem:s2+$0x1590];
	v53 =	vadd.f32 v32, v47;
	v32 =	vbroadcast v8, $0x8;
	v41 =	vmax.f32 v33, $0.0e+00;
	[tilespmem:s2+$0x14C0] =	vst v37  }
0x161: {  	v63 =	vld [tilespmem:s2+$0x1580];
	v45 =	vmax.f32 v39, $0.0e+00;
	[tilespmem:s2+$0x14D0] =	vst v38;
	v34 =	vmul.f32 v29, v0;
	v35 =	vmul.f32 v29, v1  }
0x162: {  	v55 =	vld [tilespmem:s2+$0x15B0];
	v62 =	vadd.f32 v44, v54;
	[tilespmem:s2+$0x1510] =	vst v50;
	v37 =	vmul.f32 v29, v2;
	v38 =	vmul.f32 v29, v3  }
0x163: {  	v30 =	vld [tilespmem:s2+$0x15A0];
	v52 =	vadd.f32 v36, v46;
	[tilespmem:s2+$0x14F0] =	vst v45;
	v42 =	vmul.f32 v29, v4;
	v45 =	vmul.f32 v29, v5  }
0x164: {  	v33 =	vld [tilespmem:s2+$0x15C0];
	[tilespmem:s2+$0x14E0] =	vst v41;
	v61 =	vmax.f32 v53, $0.0e+00;
	v50 =	vmul.f32 v29, v6;
	v15 =	vmul.f32 v29, v7  }
0x165: {  	v39 =	vld [tilespmem:s2+$0x1610];
	v53 =	vmul.f32 v32, v1;
	v56 =	vadd.f32 v40, v51;
	v14 =	vmax.f32 v62, $0.0e+00;
	[tilespmem:s2+$0x1530] =	vst v61  }
0x166: {  	v44 =	vld [tilespmem:s2+$0x15E0];
	v29 =	vmul.f32 v32, v5;
	v28 =	vadd.f32 v48, v57;
	v60 =	vmax.f32 v52, $0.0e+00;
	[tilespmem:s2+$0x1550] =	vst v14  }
0x167: {  	v54 =	vld [tilespmem:s2+$0x1670];
	v17 =	vmul.f32 v32, v7;
	v31 =	vadd.f32 v49, v58;
	v9 =	vmax.f32 v56, $0.0e+00;
	[tilespmem:s2+$0x1520] =	vst v60  }
0x168: {  	v36 =	vld [tilespmem:s2+$0x15D0];
	v57 =	vmul.f32 v32, v2;
	v11 =	vadd.f32 v63, v34;
	v10 =	vmax.f32 v28, $0.0e+00;
	[tilespmem:s2+$0x1540] =	vst v9  }
0x169: {  	v41 =	vld [tilespmem:s2+$0x15F0];
	v40 =	vadd.f32 v59, v35;
	v52 =	vmul.f32 v32, v0;
	v12 =	vmax.f32 v31, $0.0e+00;
	[tilespmem:s2+$0x1560] =	vst v10  }
0x16a: {  	v46 =	vld [tilespmem:s2+$0x1600];
	v13 =	vadd.f32 v30, v37;
	v43 =	vadd.f32 v55, v38;
	v11 =	vmax.f32 v11, $0.0e+00;
	[tilespmem:s2+$0x1570] =	vst v12  }
0x16b: {  	v49 =	vld [tilespmem:s2+$0x1620];
	v60 =	vmul.f32 v32, v3;
	v28 =	vmul.f32 v32, v4;
	v16 =	vmax.f32 v40, $0.0e+00;
	[tilespmem:s2+$0x1580] =	vst v11  }
0x16c: {  	v51 =	vld [tilespmem:s2+$0x1630];
	v31 =	vmul.f32 v32, v6;
	v47 =	vadd.f32 v33, v42;
	v13 =	vmax.f32 v13, $0.0e+00;
	[tilespmem:s2+$0x1590] =	vst v16  }
0x16d: {  	v9 =	vbroadcast v8, $0x9;
	v58 =	vadd.f32 v39, v53;
	v48 =	vmax.f32 v43, $0.0e+00;
	[tilespmem:s2+$0x15A0] =	vst v13  }
0x16e: {  	v26 =	vld [tilespmem:s2+$0x1680];
	v17 =	vadd.f32 v54, v17;
	v10 =	vadd.f32 v36, v45;
	v12 =	vmax.f32 v47, $0.0e+00;
	[tilespmem:s2+$0x15B0] =	vst v48  }
0x16f: {  	v61 =	vld [tilespmem:s2+$0x1660];
	v11 =	vadd.f32 v44, v50;
	v55 =	vadd.f32 v41, v15;
	v25 =	vmax.f32 v58, $0.0e+00;
	[tilespmem:s2+$0x15C0] =	vst v12  }
0x170: {  	v59 =	vld [tilespmem:s2+$0x1640];
	v16 =	vadd.f32 v46, v52;
	v62 =	vadd.f32 v49, v57;
	v40 =	vmax.f32 v17, $0.0e+00;
	[tilespmem:s2+$0x1610] =	vst v25  }
0x171: {  	v56 =	vld [tilespmem:s2+$0x1650];
	v27 =	vadd.f32 v51, v60;
	v35 =	vmul.f32 v9, v0;
	v10 =	vmax.f32 v10, $0.0e+00;
	[tilespmem:s2+$0x1670] =	vst v40  }
0x172: {  	v34 =	vld [tilespmem:s2+$0x16B0];
	v37 =	vmul.f32 v9, v1;
	v42 =	vmul.f32 v9, v2;
	v11 =	vmax.f32 v11, $0.0e+00;
	[tilespmem:s2+$0x15D0] =	vst v10  }
0x173: {  	v32 =	vld [tilespmem:s2+$0x16D0];
	v43 =	vmul.f32 v9, v3;
	v45 =	vmul.f32 v9, v4;
	v13 =	vmax.f32 v55, $0.0e+00;
	[tilespmem:s2+$0x15E0] =	vst v11  }
0x174: {  	v38 =	vld [tilespmem:s2+$0x16C0];
	v46 =	vmul.f32 v9, v5;
	v48 =	vmul.f32 v9, v6;
	v63 =	vmax.f32 v16, $0.0e+00;
	[tilespmem:s2+$0x15F0] =	vst v13  }
0x175: {  	v9 =	vmul.f32 v9, v7;
	v12 =	vadd.f32 v59, v28;
	v10 =	vmax.f32 v62, $0.0e+00;
	[tilespmem:s2+$0x1600] =	vst v63  }
0x176: {  	v57 =	vbroadcast v8, $0xA;
	v11 =	vmax.f32 v27, $0.0e+00;
	v33 =	vadd.f32 v56, v29;
	[tilespmem:s2+$0x1620] =	vst v10  }
0x177: {  	v30 =	vld [tilespmem:s2+$0x1690];
	v25 =	vmul.f32 v18, v1;
	v13 =	vadd.f32 v61, v31;
	v12 =	vmax.f32 v12, $0.0e+00;
	[tilespmem:s2+$0x1630] =	vst v11  }
0x178: {  	v36 =	vld [tilespmem:s2+$0x16A0];
	v39 =	vadd.f32 v26, v35;
	v15 =	vadd.f32 v34, v43;
	v14 =	vmax.f32 v33, $0.0e+00;
	[tilespmem:s2+$0x1640] =	vst v12  }
0x179: {  	v41 =	vld [tilespmem:s2+$0x16E0];
	v49 =	vadd.f32 v38, v45;
	v50 =	vadd.f32 v32, v46;
	v13 =	vmax.f32 v13, $0.0e+00;
	[tilespmem:s2+$0x1650] =	vst v14  }
0x17a: {  	v44 =	vld [tilespmem:s2+$0x16F0];
	v61 =	vbroadcast v8, $0xB;
	v63 =	vmul.f32 v57, v0;
	v11 =	vmax.f32 v39, $0.0e+00;
	[tilespmem:s2+$0x1660] =	vst v13  }
0x17b: {  	v54 =	vld [tilespmem:s2+$0x1700];
	v29 =	vmul.f32 v57, v1;
	v31 =	vmul.f32 v57, v2;
	v53 =	vmax.f32 v15, $0.0e+00;
	[tilespmem:s2+$0x1680] =	vst v11  }
0x17c: {  	v51 =	vld [tilespmem:s2+$0x1710];
	v32 =	vmul.f32 v57, v3;
	v10 =	vadd.f32 v30, v37;
	v56 =	vmax.f32 v49, $0.0e+00;
	[tilespmem:s2+$0x16B0] =	vst v53  }
0x17d: {  	v58 =	vld [tilespmem:s2+$0x1720];
	v35 =	vmul.f32 v57, v4;
	v47 =	vadd.f32 v36, v42;
	v60 =	vmax.f32 v50, $0.0e+00;
	[tilespmem:s2+$0x16C0] =	vst v56  }
0x17e: {  	v59 =	vld [tilespmem:s2+$0x1730];
	v16 =	vmul.f32 v57, v7;
	v55 =	vadd.f32 v41, v48;
	v10 =	vmax.f32 v10, $0.0e+00;
	[tilespmem:s2+$0x16D0] =	vst v60  }
0x17f: {  	v62 =	vld [tilespmem:s2+$0x1740];
	v37 =	vmul.f32 v57, v5;
	v9 =	vadd.f32 v44, v9;
	v52 =	vmax.f32 v47, $0.0e+00;
	[tilespmem:s2+$0x1690] =	vst v10  }
0x180: {  	v38 =	vld [tilespmem:s2+$0x1780];
	v15 =	vadd.f32 v54, v63;
	v42 =	vmul.f32 v57, v6;
	v10 =	vmax.f32 v55, $0.0e+00;
	[tilespmem:s2+$0x16A0] =	vst v52  }
0x181: {  	v43 =	vld [tilespmem:s2+$0x17B0];
	v44 =	vmul.f32 v61, v0;
	v34 =	vadd.f32 v51, v29;
	v28 =	vmax.f32 v9, $0.0e+00;
	[tilespmem:s2+$0x16E0] =	vst v10  }
0x182: {  	v30 =	vld [tilespmem:s2+$0x1750];
	v45 =	vmul.f32 v61, v1;
	v17 =	vadd.f32 v58, v31;
	v15 =	vmax.f32 v15, $0.0e+00;
	[tilespmem:s2+$0x16F0] =	vst v28  }
0x183: {  	v36 =	vld [tilespmem:s2+$0x1760];
	v57 =	vmul.f32 v61, v4;
	v11 =	vadd.f32 v59, v32;
	v10 =	vmax.f32 v34, $0.0e+00;
	[tilespmem:s2+$0x1700] =	vst v15  }
0x184: {  	v33 =	vld [tilespmem:s2+$0x1770];
	v51 =	vmul.f32 v61, v3;
	v13 =	vadd.f32 v62, v35;
	v40 =	vmax.f32 v17, $0.0e+00;
	[tilespmem:s2+$0x1710] =	vst v10  }
0x185: {  	v39 =	vld [tilespmem:s2+$0x1790];
	v63 =	vmul.f32 v18, v0;
	v48 =	vadd.f32 v38, v44;
	v11 =	vmax.f32 v11, $0.0e+00;
	[tilespmem:s2+$0x1720] =	vst v40  }
0x186: {  	v41 =	vld [tilespmem:s2+$0x17A0];
	v58 =	vmul.f32 v61, v5;
	v19 =	vadd.f32 v43, v51;
	v13 =	vmax.f32 v13, $0.0e+00;
	[tilespmem:s2+$0x1730] =	vst v11  }
0x187: {  	v49 =	vld [tilespmem:s2+$0x17C0];
	v60 =	vmul.f32 v61, v6;
	v12 =	vadd.f32 v30, v37;
	v54 =	vmax.f32 v48, $0.0e+00;
	[tilespmem:s2+$0x1740] =	vst v13  }
0x188: {  	v46 =	vld [tilespmem:s2+$0x17D0];
	v14 =	vmul.f32 v61, v7;
	v10 =	vadd.f32 v36, v42;
	v19 =	vmax.f32 v19, $0.0e+00;
	[tilespmem:s2+$0x1780] =	vst v54  }
0x189: {  	v27 =	vld [tilespmem:s2+$0x1850];
	v47 =	vmul.f32 v61, v2;
	v16 =	vadd.f32 v33, v16;
	v12 =	vmax.f32 v12, $0.0e+00;
	[tilespmem:s2+$0x17B0] =	vst v19  }
0x18a: {  	v53 =	vld [tilespmem:s2+$0x17F0];
	v31 =	vmul.f32 v18, v2;
	v50 =	vadd.f32 v39, v45;
	[tilespmem:s2+$0x1750] =	vst v12;
	v10 =	vmax.f32 v10, $0.0e+00  }
0x18b: {  	v9 =	vbroadcast v8, $0xD;
	v59 =	vld [tilespmem:s2+$0x1810];
	v17 =	vadd.f32 v41, v47;
	v16 =	vmax.f32 v16, $0.0e+00;
	[tilespmem:s2+$0x1760] =	vst v10  }
0x18c: {  	v52 =	vld [tilespmem:s2+$0x17E0];
	v35 =	vmul.f32 v18, v5;
	v61 =	vadd.f32 v49, v57;
	v55 =	vmax.f32 v50, $0.0e+00;
	[tilespmem:s2+$0x1770] =	vst v16  }
0x18d: {  	v56 =	vld [tilespmem:s2+$0x1800];
	v32 =	vmul.f32 v18, v3;
	v11 =	vadd.f32 v46, v58;
	v17 =	vmax.f32 v17, $0.0e+00;
	[tilespmem:s2+$0x1790] =	vst v55  }
0x18e: {  	v24 =	vld [tilespmem:s2+$0x1820];
	v34 =	vmul.f32 v18, v4;
	v40 =	vadd.f32 v27, v35;
	v13 =	vmax.f32 v61, $0.0e+00;
	[tilespmem:s2+$0x17A0] =	vst v17  }
0x18f: {  	v62 =	vld [tilespmem:s2+$0x1830];
	v38 =	vmul.f32 v18, v6;
	v14 =	vadd.f32 v53, v14;
	v11 =	vmax.f32 v11, $0.0e+00;
	[tilespmem:s2+$0x17C0] =	vst v13  }
0x190: {  	v18 =	vmul.f32 v18, v7;
	v30 =	vld [tilespmem:s2+$0x1860];
	v29 =	vadd.f32 v59, v25;
	v43 =	vmax.f32 v40, $0.0e+00;
	[tilespmem:s2+$0x17D0] =	vst v11  }
0x191: {  	v33 =	vld [tilespmem:s2+$0x1870];
	v46 =	vmul.f32 v9, v0;
	v10 =	vadd.f32 v52, v60;
	v28 =	vmax.f32 v14, $0.0e+00;
	[tilespmem:s2+$0x1850] =	vst v43  }
0x192: {  	v39 =	vld [tilespmem:s2+$0x1880];
	v47 =	vmul.f32 v9, v1;
	v16 =	vadd.f32 v56, v63;
	v14 =	vmax.f32 v29, $0.0e+00;
	[tilespmem:s2+$0x17F0] =	vst v28  }
0x193: {  	v36 =	vld [tilespmem:s2+$0x1890];
	v49 =	vmul.f32 v9, v2;
	v11 =	vadd.f32 v24, v31;
	v10 =	vmax.f32 v10, $0.0e+00;
	[tilespmem:s2+$0x1810] =	vst v14  }
0x194: {  	v42 =	vld [tilespmem:s2+$0x18B0];
	v50 =	vmul.f32 v9, v3;
	v37 =	vadd.f32 v62, v32;
	v16 =	vmax.f32 v16, $0.0e+00;
	[tilespmem:s2+$0x17E0] =	vst v10  }
0x195: {  	v26 =	vld [tilespmem:s2+$0x1840];
	v61 =	vbroadcast v8, $0xE;
	v15 =	vadd.f32 v30, v38;
	v11 =	vmax.f32 v11, $0.0e+00;
	[tilespmem:s2+$0x1800] =	vst v16  }
0x196: {  	v45 =	vld [tilespmem:s2+$0x18C0];
	v8 =	vbroadcast v8, $0xF;
	v13 =	vmax.f32 v37, $0.0e+00;
	v44 =	vadd.f32 v33, v18;
	[tilespmem:s2+$0x1820] =	vst v11  }
0x197: {  	v48 =	vld [tilespmem:s2+$0x18D0];
	v52 =	vmul.f32 v9, v4;
	v51 =	vadd.f32 v39, v46;
	[tilespmem:s2+$0x1830] =	vst v13;
	v15 =	vmax.f32 v15, $0.0e+00  }
0x198: {  	v54 =	vld [tilespmem:s2+$0x18F0];
	v56 =	vmul.f32 v9, v5;
	v12 =	vadd.f32 v36, v47;
	v17 =	vmax.f32 v44, $0.0e+00;
	[tilespmem:s2+$0x1860] =	vst v15  }
0x199: {  	v27 =	vld [tilespmem:s2+$0x1950];
	v60 =	vmul.f32 v9, v6;
	v55 =	vadd.f32 v42, v50;
	v11 =	vmax.f32 v51, $0.0e+00;
	[tilespmem:s2+$0x1870] =	vst v17  }
0x19a: {  	v53 =	vld [tilespmem:s2+$0x18E0];
	v9 =	vmul.f32 v9, v7;
	v10 =	vadd.f32 v26, v34;
	v12 =	vmax.f32 v12, $0.0e+00;
	[tilespmem:s2+$0x1880] =	vst v11  }
0x19b: {  	v57 =	vld [tilespmem:s2+$0x1900];
	v24 =	vmul.f32 v61, v0;
	v13 =	vadd.f32 v45, v52;
	v16 =	vmax.f32 v55, $0.0e+00;
	[tilespmem:s2+$0x1890] =	vst v12  }
0x19c: {  	v62 =	vld [tilespmem:s2+$0x1920];
	v35 =	vmul.f32 v61, v5;
	v58 =	vadd.f32 v48, v56;
	v10 =	vmax.f32 v10, $0.0e+00;
	[tilespmem:s2+$0x18B0] =	vst v16  }
0x19d: {  	v32 =	vld [tilespmem:s2+$0x1970];
	v25 =	vmul.f32 v61, v1;
	v9 =	vadd.f32 v54, v9;
	v13 =	vmax.f32 v13, $0.0e+00;
	[tilespmem:s2+$0x1840] =	vst v10  }
0x19e: {  	v41 =	vld [tilespmem:s2+$0x18A0];
	v28 =	vmul.f32 v61, v2;
	v39 =	vadd.f32 v27, v35;
	v17 =	vmax.f32 v58, $0.0e+00;
	[tilespmem:s2+$0x18C0] =	vst v13  }
0x19f: {  	v59 =	vld [tilespmem:s2+$0x1910];
	v30 =	vmul.f32 v61, v3;
	v12 =	vadd.f32 v53, v60;
	v9 =	vmax.f32 v9, $0.0e+00;
	[tilespmem:s2+$0x18D0] =	vst v17  }
0x1a0: {  	v63 =	vld [tilespmem:s2+$0x1930];
	v40 =	vmul.f32 v61, v7;
	v11 =	vadd.f32 v57, v24;
	v44 =	vmax.f32 v39, $0.0e+00;
	[tilespmem:s2+$0x18F0] =	vst v9  }
0x1a1: {  	v43 =	vmul.f32 v8, v0;
	v36 =	vld [tilespmem:s2+$0x1980];
	v33 =	vadd.f32 v62, v28;
	[tilespmem:s2+$0x1950] =	vst v44;
	v12 =	vmax.f32 v12, $0.0e+00  }
0x1a2: {  	v46 =	vmul.f32 v8, v1;
	v48 =	vld [tilespmem:s2+$0x19D0];
	v45 =	vadd.f32 v32, v40;
	v11 =	vmax.f32 v11, $0.0e+00;
	[tilespmem:s2+$0x18E0] =	vst v12  }
0x1a3: {  	v37 =	vld [tilespmem:s2+$0x1990];
	v50 =	vmul.f32 v8, v3;
	v10 =	vadd.f32 v41, v49;
	v9 =	vmax.f32 v33, $0.0e+00;
	[tilespmem:s2+$0x1900] =	vst v11  }
0x1a4: {  	v42 =	vld [tilespmem:s2+$0x19B0];
	v56 =	vmul.f32 v8, v5;
	v29 =	vadd.f32 v59, v25;
	v15 =	vmax.f32 v45, $0.0e+00;
	[tilespmem:s2+$0x1920] =	vst v9  }
0x1a5: {  	v54 =	vld [tilespmem:s2+$0x19F0];
	v55 =	vmul.f32 v8, v4;
	v13 =	vadd.f32 v63, v30;
	v10 =	vmax.f32 v10, $0.0e+00;
	[tilespmem:s2+$0x1970] =	vst v15  }
0x1a6: {  	v26 =	vld [tilespmem:s2+$0x1940];
	v58 =	vmul.f32 v8, v6;
	v14 =	vadd.f32 v36, v43;
	v12 =	vmax.f32 v29, $0.0e+00;
	[tilespmem:s2+$0x18A0] =	vst v10  }
0x1a7: {  	v31 =	vld [tilespmem:s2+$0x1960];
	v49 =	vmul.f32 v8, v2;
	v59 =	vadd.f32 v48, v56;
	v13 =	vmax.f32 v13, $0.0e+00;
	[tilespmem:s2+$0x1910] =	vst v12  }
0x1a8: {  	v51 =	vld [tilespmem:s2+$0x19E0];
	v8 =	vmul.f32 v8, v7;
	v11 =	vadd.f32 v37, v46;
	[tilespmem:s2+$0x1930] =	vst v13;
	v52 =	vmax.f32 v14, $0.0e+00  }
0x1a9: {  	v34 =	vmul.f32 v61, v4;
	v41 =	vld [tilespmem:s2+$0x19A0];
	v9 =	vadd.f32 v42, v50;
	v62 =	vmax.f32 v59, $0.0e+00;
	[tilespmem:s2+$0x1980] =	vst v52  }
0x1aa: {  	v38 =	vmul.f32 v61, v6;
	v47 =	vld [tilespmem:s2+$0x19C0];
	v8 =	vadd.f32 v54, v8;
	v11 =	vmax.f32 v11, $0.0e+00;
	[tilespmem:s2+$0x19D0] =	vst v62  }
0x1ab: {  	v10 =	vadd.f32 v26, v34;
	v9 =	vmax.f32 v9, $0.0e+00;
	[tilespmem:s2+$0x1990] =	vst v11  }
0x1ac: {  	v12 =	vadd.f32 v31, v38;
	v8 =	vmax.f32 v8, $0.0e+00;
	[tilespmem:s2+$0x19B0] =	vst v9  }
0x1ad: {  	v60 =	vadd.f32 v51, v58;
	v10 =	vmax.f32 v10, $0.0e+00;
	[tilespmem:s2+$0x19F0] =	vst v8  }
0x1ae: {  	s28 =	smul.u32 $0x1400, s25;
	p0 =	sne.s32 s22, $0x5A;
	v12 =	vmax.f32 v12, $0.0e+00;
	v53 =	vadd.f32 v41, v49;
	[tilespmem:s2+$0x1940] =	vst v10  }
.Ltmp5:
0x1af: {  	v63 =	vmax.f32 v60, $0.0e+00;
	[tilespmem:s2+$0x1960] =	vst v12;
	v10 =	vadd.f32 v47, v55;
	(pc) =	sbr.rel @p0 .LBB2_2-.Ltmp5, $4  }
.Ltmp6:
0x1b0: {  	[tilespmem:s2+$0x19E0] =	vst v63;
	v57 =	vmax.f32 v53, $0.0e+00;
	(pc) =	sbr.rel @!p0 .LBB2_11-.Ltmp6, $4  }
0x1b1: {  	s15 =	sshll.u32 s24, $0x8;
	s11 =	sshrl.u32 s28, $0x2;
	[tilespmem:s2+$0x19A0] =	vst v57;
	v61 =	vmax.f32 v10, $0.0e+00  }
0x1b2: {  	s31 =	sadd.s32 s15, s11;
	[tilespmem:s2+$0x19C0] =	vst v61;
	s2 =	smov.u32 s22  }
0x1b3: {  	[spmem:s5] =	stream.indirect.scatter.add.f32 [tilespmem:s30], [sflag:$0x4], $0x80, s31, s26, $0xb8;
	[tilespmem:$0x1F680] =	vst v63  }
0x1b4: {  	_ = 	snop  }
.LBB2_5:
.Ltmp7:
0x1b5: {  	(pc) =	sbr.rel @p0 .LBB2_8-.Ltmp7, $1  }
0x1b6: {  	_ =	sdelay $0x3  }
.Ltmp8:
0x1b7: {  	(pc) =	sbr.rel .LBB2_7-.Ltmp8, $2  }
0x1b8: {  	_ =	sdelay $0x2  }
0x1b9: {  	s31 =	sand.u32 $0xFF, s11  }
.LBB2_12:
0x1ba: {  	_ =	sfence.sel $0x180000  }
0x1bb: {  	[bflag:$0x0] =	sbarrier.arrive $0xFFFF  }
0x1bc: {  	_ =	strace $0x90000047  }
0x1bd: {  	s0 =	stileid.u32;
	[bflag:$0x2] =	sbarrier.arrive $0xFFFF  }
0x1be: {  	p0 =	sne.s32 s0, $0x0;
	s0 =	rddreg [dreg:$0x8]  }
0x1bf: {  	s0 =	sadd.s32 @!p0 $0x100000, s0  }
0x1c0: {  	[sflag:s0] =	ssyncadd.tile.s32 @!p0 $0x1;
	_ =	shalt  }
.Lfunc_end2:
_tile_overlayer_lowered:
.L_overlay_start_2:
0x1c1: {  	(tag) =	ssettag $0x2  }
0x1c2: {  	s0 =	rddreg [dreg:$0x0];
	s2 =	stileid.u32  }
0x1c3: {  	s1 =	rddreg [dreg:$0x1];
	p0 =	sne.s32 s2, $0x0  }
0x1c4: {  	s3 =	rddreg [dreg:$0x2];
	[bflag:$0x3] =	sbarrier.arrive $0xFFFF;
	s2 =	simm.s32 @!p0 $0x1C05  }
0x1c5: {  	[timem:s3], [sflag:s2] =	dma.local @!p0 [hbm:s0], s1  }
0x1c6: {  	s0 =	simm.s32 @!p0 $0x5  }
0x1c7: {  	_ =	swait.ge @!p0 [sflag:s0], s1  }
0x1c8: {  	s1 =	ssub.s32 @!p0 $0x0, s1;
	[sflag:s0] =	ssyncset.done @!p0 $0x0  }
0x1c9: {  	[sflag:s0] =	ssyncadd.s32 @!p0 s1  }
0x1ca: {  	[bflag:$0x3] =	sbarrier.arrive $0xFFFF  }
0x1cb: {  	_ =	shalt  }

</sc_bundles>
